<compile_context>
chip_gen: v7x
topology: tpu7x:2x2x1
jax: 0.10.2.dev20260603
libtpu: 0.0.44.dev20260713+nightly
codegen_flags: <defaults>
</compile_context>

<pallas_src>
import functools

import jax
import jax.numpy as jnp
from jax import lax
from jax.experimental import pallas as pl
from jax.experimental.pallas import tpu as pltpu
from jax.experimental.pallas import tpu_sc as plsc

E = 8
TEMP = 0.1
ALPHA = 0.3
UNIF = ALPHA / E
KNOWN_V = 1.0 - ALPHA + UNIF
TTYPE_UNKNOWN = 5
INV7 = 1.0 / 7.0

NC, NS, L = 2, 16, 16
NW = NC * NS
CH = 64
MBLK = 128
MAXB = 1024 // MBLK


def _wid():
    return lax.axis_index("s") * NC + lax.axis_index("c")



def _sca_body(types_hbm, tokens_hbm, counts_hbm, xc_hbm,
              types_v, idx_v, idxc0, idxc1, rows0, rows1, cnt_v, gsem,
              *, tpw):
    w = _wid()
    base = w * tpw
    pltpu.sync_copy(types_hbm.at[pl.ds(base, tpw)], types_v)

    zz = jnp.zeros((L,), jnp.int32)

    def zinit(g, c):
        idx_v[pl.ds(g * L, L)] = zz
        return c
    lax.fori_loop(0, (tpw + L) // L, zinit, 0)

    il = lax.iota(jnp.int32, L)

    def comp(g, cnt):
        tv = types_v[pl.ds(g * L, L)]
        m = tv == TTYPE_UNKNOWN
        mi = m.astype(jnp.int32)
        excl = plsc.cumsum(mi) - mi
        gi = base + g * L + il
        plsc.store_scatter(idx_v, [cnt + excl], gi, mask=m)
        return cnt + jnp.sum(mi)
    cnt = lax.fori_loop(0, tpw // L, comp, jnp.int32(0))

    cnt_v[...] = jnp.full((L,), cnt, jnp.int32)
    pltpu.sync_copy(cnt_v, counts_hbm.at[w])

    nch = (cnt + CH - 1) // CH

    def fire(c, ic, rv, sm):
        def cp(k, c2):
            ic[pl.ds(k * L, L)] = idx_v[pl.ds(c * CH + k * L, L)]
            return c2
        lax.fori_loop(0, CH // L, cp, 0)
        pltpu.make_async_copy(tokens_hbm.at[ic], rv, sm).start()

    def drain(c, ic, rv, sm):
        pltpu.make_async_copy(tokens_hbm.at[ic], rv, sm).wait()
        pltpu.sync_copy(rv, xc_hbm.at[pl.ds(base + c * CH, CH)])

    slots = ((idxc0, rows0, gsem.at[0]), (idxc1, rows1, gsem.at[1]))

    @pl.when(nch > 0)
    def _():
        fire(0, *slots[0])

    def gat(p, carry):
        for s in range(2):
            c = 2 * p + s

            @pl.when(c < nch)
            def _():
                @pl.when(c + 1 < nch)
                def _():
                    fire(c + 1, *slots[1 - s])
                drain(c, *slots[s])
        return carry
    lax.fori_loop(0, (nch + 1) // 2, gat, 0)



_ERF_P = (7.85386146e-05, -0.000801019371, 0.00518832775, -0.0268538129,
          0.112835854, -0.37612626, 1.12837911)
_ERFC_Q1 = (0.0232682, -0.138703942, 0.368742466, -0.582473278, 0.621000469,
            -0.494451523, 0.340488, -0.274112701, 0.563825965)
_ERFC_Q2 = (-10.477664, 12.9772, -7.49551868, 2.92101908, -1.01526523,
            0.42184633, -0.282076746, 0.564189494)


def _erfc(x):
    ax = jnp.abs(x)
    x2 = x * x
    p = x2 * _ERF_P[0]
    for c in _ERF_P[1:-1]:
        p = (p + c) * x2
    p = p + _ERF_P[-1]
    small = 1.0 - x * p

    nx2 = -x2
    zr = jnp.exp(nx2) * (1.0 / ax)
    u = 1.0 / x2
    q1 = u * _ERFC_Q1[0]
    for c in _ERFC_Q1[1:-1]:
        q1 = (q1 + c) * u
    q1 = q1 + _ERFC_Q1[-1]
    q2 = u * _ERFC_Q2[0]
    for c in _ERFC_Q2[1:-1]:
        q2 = (q2 + c) * u
    q2 = q2 + _ERFC_Q2[-1]
    lg = zr * jnp.where(ax < 2.0, q1, q2)
    lg = jnp.where(nx2 < -88.7228394, 0.0, lg)
    lg = jnp.where(x < 0.0, 2.0 - lg, lg)
    return jnp.where(ax < 1.0, small, lg)


def _gelu_exact(x):
    return 0.5 * x * _erfc(-x * 0.7071067811865476)


def _tc_body(counts_ref, w1_ref, b1_ref, w2_ref, b2_ref, xc_ref,
             jv_ref, wl_ref, bufs, parts, sems, *, tpw):
    def outer(w, k):
        cnt = counts_ref[w, 0]
        nb = (cnt + MBLK - 1) // MBLK

        def inner(c, k2):
            wl_ref[k2] = w * tpw + c * MBLK
            return k2 + 1
        return lax.fori_loop(0, nb, inner, k)
    nblk = lax.fori_loop(0, NW, outer, jnp.int32(0))

    def issue(k, slot):
        rs = pl.multiple_of(wl_ref[k], MBLK)
        pltpu.make_async_copy(xc_ref.at[pl.ds(rs, MBLK)],
                              bufs.at[slot], sems.at[slot]).start()

    @pl.when(nblk > 0)
    def _():
        issue(0, 0)

    row = lax.broadcasted_iota(jnp.int32, (E, MBLK), 0)

    def compute(k, slot):
        rs = pl.multiple_of(wl_ref[k], MBLK)
        pltpu.make_async_copy(xc_ref.at[pl.ds(rs, MBLK)],
                              bufs.at[slot], sems.at[slot]).wait()

        @pl.when(k + 1 < nblk)
        def _():
            issue(k + 1, 1 - slot)

        x = bufs[slot]
        w1 = w1_ref[...]
        for i in range(3):
            parts[i] = jnp.dot(x[:, i * 256:(i + 1) * 256],
                               w1[i * 256:(i + 1) * 256, :],
                               preferred_element_type=jnp.float32)
        h = (parts[0] + parts[1]) + parts[2]
        h = _gelu_exact(h + b1_ref[...])
        logits = (jnp.dot(h, w2_ref[...], preferred_element_type=jnp.float32)
                  + b2_ref[...]) * TEMP
        lt = logits.T
        m = jnp.max(lt, axis=0, keepdims=True)
        e = jnp.exp(lt - m)
        s = jnp.sum(e, axis=0, keepdims=True)
        pf = (1.0 - ALPHA) * (e / s) + UNIF
        mv = jnp.max(pf, axis=0, keepdims=True)
        j = jnp.min(jnp.where(pf >= mv, row, E), axis=0, keepdims=True)
        out = jnp.concatenate([mv, j.astype(jnp.float32)], axis=0)
        jv_ref[:, pl.ds(rs, MBLK)] = out

    def step2(p, carry):
        for s in range(2):
            k = 2 * p + s

            @pl.when(k < nblk)
            def _():
                compute(k, s)
        return carry
    lax.fori_loop(0, (nblk + 1) // 2, step2, 0)



def _scb_body(types_hbm, jv_hbm, t_hbm, disp_hbm, comb_hbm,
              types_v, v_v, j_v, t_v, disp_v, comb_v, *, tpw, wpb, n):
    w = _wid()
    base = w * tpw
    b = w // wpb
    tib = base - b * n
    pltpu.sync_copy(types_hbm.at[pl.ds(base, tpw)], types_v)
    pltpu.sync_copy(jv_hbm.at[0, pl.ds(base, tpw)], v_v)
    pltpu.sync_copy(jv_hbm.at[1, pl.ds(base, tpw)], j_v)
    pltpu.sync_copy(t_hbm, t_v)

    il = lax.iota(jnp.int32, L)
    tf = t_v[...].astype(jnp.float32)
    cap = jnp.sum(jnp.where(il == b, 0.5 + 1.0e-4 * tf, 0.0))

    def grp(g, cnt):
        tv = types_v[pl.ds(g * L, L)]
        m = tv == TTYPE_UNKNOWN
        mi = m.astype(jnp.int32)
        excl = plsc.cumsum(mi) - mi
        r = jnp.minimum(cnt + excl, tpw - 1)
        vs = plsc.load_gather(v_v, [r], mask=m)
        js = plsc.load_gather(j_v, [r], mask=m)
        v = jnp.where(m, vs, KNOWN_V)
        j = jnp.where(m, js.astype(jnp.int32), tv)
        hi = jnp.minimum(v, cap)
        lo = jnp.maximum(v - cap, 0.0) * INV7
        s = 1.0 / (hi + 7.0 * lo + 1e-8)
        for e in range(E):
            de = jnp.where(j == e, hi, lo)
            disp_v[e, pl.ds(g * L, L)] = de
            comb_v[e, pl.ds(g * L, L)] = de * s
        return cnt + jnp.sum(mi)
    lax.fori_loop(0, tpw // L, grp, jnp.int32(0))

    pltpu.sync_copy(disp_v, disp_hbm.at[pl.ds(b * E, E), pl.ds(tib, tpw)])
    pltpu.sync_copy(comb_v, comb_hbm.at[pl.ds(b * E, E), pl.ds(tib, tpw)])



def _sc_mesh():
    return plsc.VectorSubcoreMesh(core_axis_name="c", subcore_axis_name="s",
                                  num_cores=NC, num_subcores=NS)


def _run_sca(types, x):
    T, D = x.shape
    TPW = T // NW
    sca = pl.kernel(
        functools.partial(_sca_body, tpw=TPW),
        out_type=[
            jax.ShapeDtypeStruct((NW, L), jnp.int32),
            jax.ShapeDtypeStruct((T, D), jnp.float32),
        ],
        mesh=_sc_mesh(),
        scratch_types=[
            pltpu.VMEM((TPW,), jnp.int32),
            pltpu.VMEM((TPW + L,), jnp.int32),
            pltpu.VMEM((CH,), jnp.int32),
            pltpu.VMEM((CH,), jnp.int32),
            pltpu.VMEM((CH, D), jnp.float32),
            pltpu.VMEM((CH, D), jnp.float32),
            pltpu.VMEM((L,), jnp.int32),
            pltpu.SemaphoreType.DMA((2,)),
        ],
        compiler_params=pltpu.CompilerParams(needs_layout_passes=False),
    )
    return sca(types, x)


def _run_tc(counts, W1, b1, W2, b2, xc):
    T, D = xc.shape
    TPW = T // NW
    return pl.pallas_call(
        functools.partial(_tc_body, tpw=TPW),
        grid=(),
        in_specs=[
            pl.BlockSpec(memory_space=pltpu.SMEM),
            pl.BlockSpec(memory_space=pltpu.VMEM),
            pl.BlockSpec(memory_space=pltpu.VMEM),
            pl.BlockSpec(memory_space=pltpu.VMEM),
            pl.BlockSpec(memory_space=pltpu.VMEM),
            pl.BlockSpec(memory_space=pl.ANY),
        ],
        out_specs=pl.BlockSpec(memory_space=pltpu.VMEM),
        out_shape=jax.ShapeDtypeStruct((2, T), jnp.float32),
        scratch_shapes=[
            pltpu.SMEM((NW * MAXB,), jnp.int32),
            pltpu.VMEM((2, MBLK, D), jnp.float32),
            pltpu.VMEM((3, MBLK, W1.shape[1]), jnp.float32),
            pltpu.SemaphoreType.DMA((2,)),
        ],
    )(counts, W1, b1, W2, b2, xc)


def _run_scb(types, jv2, t16, nbatch):
    T = types.shape[0]
    TPW = T // NW
    WPB = NW // nbatch
    N = T // nbatch
    scb = pl.kernel(
        functools.partial(_scb_body, tpw=TPW, wpb=WPB, n=N),
        out_type=[
            jax.ShapeDtypeStruct((nbatch * E, N), jnp.float32),
            jax.ShapeDtypeStruct((nbatch * E, N), jnp.float32),
        ],
        mesh=_sc_mesh(),
        scratch_types=[
            pltpu.VMEM((TPW,), jnp.int32),
            pltpu.VMEM((TPW,), jnp.float32),
            pltpu.VMEM((TPW,), jnp.float32),
            pltpu.VMEM((L,), jnp.int32),
            pltpu.VMEM((E, TPW), jnp.float32),
            pltpu.VMEM((E, TPW), jnp.float32),
        ],
        compiler_params=pltpu.CompilerParams(needs_layout_passes=False),
    )
    return scb(types, jv2, t16)


def kernel(tokens, token_types, t, W1, b1, W2, b2):
    B, N, D = tokens.shape
    T = B * N

    x = tokens.reshape(T, D)
    types = token_types.reshape(T).astype(jnp.int32)
    t16 = jnp.zeros((L,), jnp.int32).at[:B].set(t.astype(jnp.int32))

    counts, xc = _run_sca(types, x)
    jv2 = _run_tc(counts, W1, b1, W2, b2, xc)
    disp_t, comb_t = _run_scb(types, jv2, t16, B)

    disp = disp_t.reshape(B, E, N).transpose(0, 2, 1)
    comb = comb_t.reshape(B, E, N).transpose(0, 2, 1)
    return disp, comb

# --- scband reference (transcript-rebuilt; emitter-appended) ---
"""Pipeline reference for scband-group-crouter-78288663872361 (READ-ONLY COPY).

The authoritative reference and input builder live on the scoring server;
editing this copy changes nothing except your own understanding.
"""

import jax, jax.numpy as jnp
import numpy as np

NUM_C_TYPES = 6
TTYPE_UNKNOWN = 5
E = 8
TOP_K = 1
TEMP = 0.1
FLOOR = min(0.05, 0.15 / 4)  # routing_floor property with num_experts_B=4 -> 0.0375
CAP_LOW, CAP_HIGH, T_MAX = 0.5, 0.6, 1000


def _base_assignment():
    base = np.zeros((NUM_C_TYPES, E), dtype=np.float32)
    for tt in range(NUM_C_TYPES - 1):
        base[tt, tt % E] = 1.0
    base[TTYPE_UNKNOWN, :] = 1.0 / E
    return jnp.asarray(base)


def setup_inputs(seed: int = 0) -> dict:
    key = jax.random.key(seed)
    ks = jax.random.split(key, 6)
    B, N, D = 4, 8192, 768
    H = D // 4
    tokens = jax.random.normal(ks[0], (B, N, D), dtype=jnp.float32)
    token_types = jax.random.randint(ks[1], (B, N), 0, NUM_C_TYPES)
    t = jax.random.randint(ks[2], (B,), 0, T_MAX)
    # soft_gate params (xavier_uniform gain=0.01 ~ small weights, zero bias)
    W1 = jax.random.normal(ks[3], (D, H), dtype=jnp.float32) * 0.01
    b1 = jnp.zeros((H,), dtype=jnp.float32)
    W2 = jax.random.normal(ks[4], (H, E), dtype=jnp.float32) * 0.01
    b2 = jnp.zeros((E,), dtype=jnp.float32)
    return {"tokens": tokens, "token_types": token_types, "t": t,
            "W1": W1, "b1": b1, "W2": W2, "b2": b2}


def reference(tokens, token_types, t, W1, b1, W2, b2):
    B, N, D = tokens.shape
    base = _base_assignment()
    # gather base assignment per token type
    base_probs = jnp.take(base, token_types.reshape(-1), axis=0).reshape(B, N, E)
    # soft gate: Linear -> GELU(exact) -> Linear, scaled by temp
    h = jax.nn.gelu(jnp.dot(tokens, W1) + b1, approximate=False)
    soft_logits = (jnp.dot(h, W2) + b2) * TEMP
    soft_probs = jax.nn.softmax(soft_logits, axis=-1)
    is_unknown = (token_types == TTYPE_UNKNOWN).astype(jnp.float32)[..., None]
    probs = (1.0 - is_unknown) * base_probs + is_unknown * soft_probs
    # routing floor: interpolate toward uniform
    alpha = min(FLOOR * E, 1.0)
    probs = (1.0 - alpha) * probs + alpha * (1.0 / E)
    # top-k mask (scatter top-k values, zero elsewhere)
    vals, idx = jax.lax.top_k(probs, TOP_K)
    oh = jax.nn.one_hot(idx, E, dtype=probs.dtype)  # (B, N, k, E)
    dispatch = jnp.sum(oh * vals[..., None], axis=-2)
    # token-level hard cap with redistribution (torch.no_grad -> stop_gradient)
    cap = (CAP_LOW + (CAP_HIGH - CAP_LOW) * (t.astype(jnp.float32) / T_MAX)).reshape(B, 1, 1)
    capped = dispatch
    excess = jax.nn.relu(capped - cap)
    capped = capped - excess
    headroom = jax.nn.relu(cap - capped)
    headroom_sum = jnp.clip(jnp.sum(headroom, axis=-1, keepdims=True), 1e-08, None)
    redistribution = jnp.sum(excess, axis=-1, keepdims=True) * (headroom / headroom_sum)
    capped = capped + redistribution
    dispatch = jax.lax.stop_gradient(capped)
    combine = dispatch / (jnp.sum(dispatch, axis=-1, keepdims=True) + 1e-08)
    return (dispatch, combine)

if __name__ == "__main__":
    import jax
    _d = setup_inputs()
    print(jax.jit(kernel)(*tuple(_d.values())))

</pallas_src>

<mosaic_0001>
#map = affine_map<(d0, d1) -> (0)>
#map1 = affine_map<(d0, d1) -> (0, 0)>
module attributes {stable_mosaic.version = 14 : i64} {
  func.func @_scb_body(%arg0: i32, %arg1: i32, %arg2: memref<32768xi32, #tpu.memory_space<hbm>>, %arg3: memref<2x32768xf32, #tpu.memory_space<hbm>>, %arg4: memref<16xi32, #tpu.memory_space<hbm>>, %arg5: memref<32x8192xf32, #tpu.memory_space<hbm>>, %arg6: memref<32x8192xf32, #tpu.memory_space<hbm>>, %arg7: memref<1024xi32, #tpu.memory_space<vmem>>, %arg8: memref<1024xf32, #tpu.memory_space<vmem>>, %arg9: memref<1024xf32, #tpu.memory_space<vmem>>, %arg10: memref<16xi32, #tpu.memory_space<vmem>>, %arg11: memref<8x1024xf32, #tpu.memory_space<vmem>>, %arg12: memref<8x1024xf32, #tpu.memory_space<vmem>>) attributes {dimension_semantics = [#tpu.dimension_semantics<core_parallel>, #tpu.dimension_semantics<subcore_parallel>], iteration_bounds = array<i64: 2, 16>, scalar_prefetch = 0 : i64, scratch_operands = 6 : i64, tpu.core_type = #tpu.core_type<sc_vector_subcore>, window_params = [{transform_indices = #map}, {transform_indices = #map1}, {transform_indices = #map}, {transform_indices = #map1}, {transform_indices = #map1}]} {
    %mul3A = arith.constant 2 : i32
    %mul3A_0 = arith.muli %arg1, %mul3A : i32
    %add3A = arith.addi %mul3A_0, %arg0 : i32
    %mul3A_1 = arith.constant 1024 : i32
    %mul3A_2 = arith.muli %add3A, %mul3A_1 : i32
    %jit3A = arith.constant 8 : i32
    %div3A = arith.divsi %add3A, %jit3A : i32
    %sign3A = arith.constant 0 : i32
    %sign3A_3 = arith.cmpi sgt, %add3A, %sign3A : i32
    %sign3A_4 = arith.extui %sign3A_3 : i1 to i32
    %sign3A_5 = arith.constant 0 : i32
    %sign3A_6 = arith.cmpi slt, %add3A, %sign3A_5 : i32
    %sign3A_7 = arith.extui %sign3A_6 : i1 to i32
    %sign3A_8 = arith.subi %sign3A_4, %sign3A_7 : i32
    %sign3A_9 = arith.constant 0 : i32
    %sign3A_10 = arith.cmpi sgt, %jit3A, %sign3A_9 : i32
    %sign3A_11 = arith.extui %sign3A_10 : i1 to i32
    %sign3A_12 = arith.constant 0 : i32
    %sign3A_13 = arith.cmpi slt, %jit3A, %sign3A_12 : i32
    %sign3A_14 = arith.extui %sign3A_13 : i1 to i32
    %sign3A_15 = arith.subi %sign3A_11, %sign3A_14 : i32
    %ne3A = arith.cmpi ne, %sign3A_8, %sign3A_15 : i32
    %rem3A = arith.remsi %add3A, %jit3A : i32
    %ne3A_16 = arith.constant 0 : i32
    %ne3A_17 = arith.cmpi ne, %rem3A, %ne3A_16 : i32
    %and3A = arith.andi %ne3A, %ne3A_17 : i1
    %sub3A = arith.constant 1 : i32
    %sub3A_18 = arith.subi %div3A, %sub3A : i32
    %select_n3A = arith.select %and3A, %sub3A_18, %div3A : i32
    %mul3A_19 = arith.constant 8192 : i32
    %mul3A_20 = arith.muli %select_n3A, %mul3A_19 : i32
    %sub3A_21 = arith.subi %mul3A_2, %mul3A_20 : i32
    "tpu.region"() ({
      %run_scoped3A_46 = tpu.sem_alloc : memref<!tpu.dma_semaphore, #tpu.memory_space<semaphore_mem>>
      %dma_start3A = tpu.memref_slice %arg2[%mul3A_2] : memref<32768xi32, #tpu.memory_space<hbm>> -> memref<1024xi32, #tpu.memory_space<hbm>>
      %dma_start3A_47 = tpu.memref_slice %arg2[%mul3A_2] : memref<32768xi32, #tpu.memory_space<hbm>> -> memref<1024xi32, #tpu.memory_space<hbm>>
      tpu.enqueue_dma source(%dma_start3A_47 : memref<1024xi32, #tpu.memory_space<hbm>>) target(%arg7 : memref<1024xi32, #tpu.memory_space<vmem>>) target_semaphore(%run_scoped3A_46 : memref<!tpu.dma_semaphore, #tpu.memory_space<semaphore_mem>>)
      %dma_wait3A = tpu.memref_slice %arg2[%mul3A_2] : memref<32768xi32, #tpu.memory_space<hbm>> -> memref<1024xi32, #tpu.memory_space<hbm>>
      %dma_wait3A_48 = tpu.memref_slice %arg2[%mul3A_2] : memref<32768xi32, #tpu.memory_space<hbm>> -> memref<1024xi32, #tpu.memory_space<hbm>>
      tpu.wait_dma2 semaphore(%run_scoped3A_46 : memref<!tpu.dma_semaphore, #tpu.memory_space<semaphore_mem>>) src(%dma_wait3A_48 : memref<1024xi32, #tpu.memory_space<hbm>>) dst(%arg7 : memref<1024xi32, #tpu.memory_space<vmem>>)
      tpu.yield
    }) : () -> ()
    %run_scoped3A = arith.constant 0 : i32
    "tpu.region"() ({
      %run_scoped3A_46 = tpu.sem_alloc : memref<!tpu.dma_semaphore, #tpu.memory_space<semaphore_mem>>
      %dma_start3A = tpu.memref_slice %arg3[%run_scoped3A, %mul3A_2] : memref<2x32768xf32, #tpu.memory_space<hbm>> -> memref<1x1024xf32, #tpu.memory_space<hbm>>
      %dma_start3A_47 = tpu.memref_squeeze %dma_start3A : memref<1x1024xf32, #tpu.memory_space<hbm>> -> memref<1024xf32, #tpu.memory_space<hbm>>
      %dma_start3A_48 = tpu.memref_slice %arg3[%run_scoped3A, %mul3A_2] : memref<2x32768xf32, #tpu.memory_space<hbm>> -> memref<1x1024xf32, #tpu.memory_space<hbm>>
      %dma_start3A_49 = tpu.memref_squeeze %dma_start3A_48 : memref<1x1024xf32, #tpu.memory_space<hbm>> -> memref<1024xf32, #tpu.memory_space<hbm>>
      tpu.enqueue_dma source(%dma_start3A_49 : memref<1024xf32, #tpu.memory_space<hbm>>) target(%arg8 : memref<1024xf32, #tpu.memory_space<vmem>>) target_semaphore(%run_scoped3A_46 : memref<!tpu.dma_semaphore, #tpu.memory_space<semaphore_mem>>)
      %dma_wait3A = tpu.memref_slice %arg3[%run_scoped3A, %mul3A_2] : memref<2x32768xf32, #tpu.memory_space<hbm>> -> memref<1x1024xf32, #tpu.memory_space<hbm>>
      %dma_wait3A_50 = tpu.memref_squeeze %dma_wait3A : memref<1x1024xf32, #tpu.memory_space<hbm>> -> memref<1024xf32, #tpu.memory_space<hbm>>
      %dma_wait3A_51 = tpu.memref_slice %arg3[%run_scoped3A, %mul3A_2] : memref<2x32768xf32, #tpu.memory_space<hbm>> -> memref<1x1024xf32, #tpu.memory_space<hbm>>
      %dma_wait3A_52 = tpu.memref_squeeze %dma_wait3A_51 : memref<1x1024xf32, #tpu.memory_space<hbm>> -> memref<1024xf32, #tpu.memory_space<hbm>>
      tpu.wait_dma2 semaphore(%run_scoped3A_46 : memref<!tpu.dma_semaphore, #tpu.memory_space<semaphore_mem>>) src(%dma_wait3A_52 : memref<1024xf32, #tpu.memory_space<hbm>>) dst(%arg8 : memref<1024xf32, #tpu.memory_space<vmem>>)
      tpu.yield
    }) : () -> ()
    %run_scoped3A_22 = arith.constant 1 : i32
    "tpu.region"() ({
      %run_scoped3A_46 = tpu.sem_alloc : memref<!tpu.dma_semaphore, #tpu.memory_space<semaphore_mem>>
      %dma_start3A = tpu.memref_slice %arg3[%run_scoped3A_22, %mul3A_2] : memref<2x32768xf32, #tpu.memory_space<hbm>> -> memref<1x1024xf32, #tpu.memory_space<hbm>>
      %dma_start3A_47 = tpu.memref_squeeze %dma_start3A : memref<1x1024xf32, #tpu.memory_space<hbm>> -> memref<1024xf32, #tpu.memory_space<hbm>>
      %dma_start3A_48 = tpu.memref_slice %arg3[%run_scoped3A_22, %mul3A_2] : memref<2x32768xf32, #tpu.memory_space<hbm>> -> memref<1x1024xf32, #tpu.memory_space<hbm>>
      %dma_start3A_49 = tpu.memref_squeeze %dma_start3A_48 : memref<1x1024xf32, #tpu.memory_space<hbm>> -> memref<1024xf32, #tpu.memory_space<hbm>>
      tpu.enqueue_dma source(%dma_start3A_49 : memref<1024xf32, #tpu.memory_space<hbm>>) target(%arg9 : memref<1024xf32, #tpu.memory_space<vmem>>) target_semaphore(%run_scoped3A_46 : memref<!tpu.dma_semaphore, #tpu.memory_space<semaphore_mem>>)
      %dma_wait3A = tpu.memref_slice %arg3[%run_scoped3A_22, %mul3A_2] : memref<2x32768xf32, #tpu.memory_space<hbm>> -> memref<1x1024xf32, #tpu.memory_space<hbm>>
      %dma_wait3A_50 = tpu.memref_squeeze %dma_wait3A : memref<1x1024xf32, #tpu.memory_space<hbm>> -> memref<1024xf32, #tpu.memory_space<hbm>>
      %dma_wait3A_51 = tpu.memref_slice %arg3[%run_scoped3A_22, %mul3A_2] : memref<2x32768xf32, #tpu.memory_space<hbm>> -> memref<1x1024xf32, #tpu.memory_space<hbm>>
      %dma_wait3A_52 = tpu.memref_squeeze %dma_wait3A_51 : memref<1x1024xf32, #tpu.memory_space<hbm>> -> memref<1024xf32, #tpu.memory_space<hbm>>
      tpu.wait_dma2 semaphore(%run_scoped3A_46 : memref<!tpu.dma_semaphore, #tpu.memory_space<semaphore_mem>>) src(%dma_wait3A_52 : memref<1024xf32, #tpu.memory_space<hbm>>) dst(%arg9 : memref<1024xf32, #tpu.memory_space<vmem>>)
      tpu.yield
    }) : () -> ()
    "tpu.region"() ({
      %run_scoped3A_46 = tpu.sem_alloc : memref<!tpu.dma_semaphore, #tpu.memory_space<semaphore_mem>>
      tpu.enqueue_dma source(%arg4 : memref<16xi32, #tpu.memory_space<hbm>>) target(%arg10 : memref<16xi32, #tpu.memory_space<vmem>>) target_semaphore(%run_scoped3A_46 : memref<!tpu.dma_semaphore, #tpu.memory_space<semaphore_mem>>)
      tpu.wait_dma2 semaphore(%run_scoped3A_46 : memref<!tpu.dma_semaphore, #tpu.memory_space<semaphore_mem>>) src(%arg4 : memref<16xi32, #tpu.memory_space<hbm>>) dst(%arg10 : memref<16xi32, #tpu.memory_space<vmem>>)
      tpu.yield
    }) : () -> ()
    %iota3A = tpu.iota {dimensions = array<i32: 0>} : vector<16xi32>
    %get3A = arith.constant 0 : index
    %get3A_23 = tpu.vector_load %arg10[%get3A] {strides = array<i32>} : memref<16xi32, #tpu.memory_space<vmem>>, vector<16xi32>,
    %convert_element_type3A = arith.sitofp %get3A_23 : vector<16xi32> to vector<16xf32>
    %eq3A = vector.broadcast %select_n3A : i32 to vector<16xi32>
    %eq3A_24 = arith.cmpi eq, %iota3A, %eq3A : vector<16xi32>
    %mul3A_25 = arith.constant 9.99999974E-5 : f32
    %mul3A_26 = vector.broadcast %mul3A_25 : f32 to vector<16xf32>
    %mul3A_27 = arith.mulf %mul3A_26, %convert_element_type3A : vector<16xf32>
    %add3A_28 = arith.constant 5.000000e-01 : f32
    %add3A_29 = vector.broadcast %add3A_28 : f32 to vector<16xf32>
    %add3A_30 = arith.addf %add3A_29, %mul3A_27 : vector<16xf32>
    %jit3A_31 = arith.constant 0.000000e+00 : f32
    %broadcast_in_dim3A = vector.broadcast %jit3A_31 : f32 to vector<16xf32>
    %select_n3A_32 = arith.select %eq3A_24, %add3A_30, %broadcast_in_dim3A : vector<16xi1>, vector<16xf32>
    %reduce_sum3A = arith.constant true
    %reduce_sum3A_33 = vector.broadcast %reduce_sum3A : i1 to vector<16xi1>
    %reduce_sum3A_34 = tpu.scan <sum>, %select_n3A_32 masked %reduce_sum3A_33 : vector<16xf32>, vector<16xi1> -> vector<16xf32>
    %reduce_sum3A_35 = vector.extract %reduce_sum3A_34[15] : f32 from vector<16xf32>
    %scan3A = arith.constant 0 : i32
    %scan3A_36 = arith.constant 0 : i32
    %scan3A_37 = arith.constant 64 : i32
    %scan3A_38 = arith.addi %scan3A_36, %scan3A_37 : i32
    %scan3A_39 = arith.constant 1 : i32
    %scan3A_40 = scf.for %scan3A_46 = %scan3A_36 to %scan3A_38 step %scan3A_39 iter_args(%scan3A_47 = %scan3A) -> (i32)  : i32 {
      %mul3A_48 = arith.constant 16 : i32
      %mul3A_49 = arith.muli %scan3A_46, %mul3A_48 : i32
      %get3A_50 = arith.index_cast %mul3A_49 : i32 to index
      %get3A_51 = tpu.vector_load %arg7[%get3A_50] {strides = array<i32>} : memref<1024xi32, #tpu.memory_space<vmem>>, vector<16xi32>,
      %eq3A_52 = arith.constant 5 : i32
      %eq3A_53 = vector.broadcast %eq3A_52 : i32 to vector<16xi32>
      %eq3A_54 = arith.cmpi eq, %get3A_51, %eq3A_53 : vector<16xi32>
      %convert_element_type3A_55 = arith.extui %eq3A_54 : vector<16xi1> to vector<16xi32>
      %broadcast_in_dim3A_56 = arith.constant true
      %broadcast_in_dim3A_57 = vector.broadcast %broadcast_in_dim3A_56 : i1 to vector<16xi1>
      %masked_cumsum3A = tpu.scan <sum>, %convert_element_type3A_55 masked %broadcast_in_dim3A_57 : vector<16xi32>, vector<16xi1> -> vector<16xi32>
      %sub3A_58 = arith.subi %masked_cumsum3A, %convert_element_type3A_55 : vector<16xi32>
      %add3A_59 = vector.broadcast %scan3A_47 : i32 to vector<16xi32>
      %add3A_60 = arith.addi %add3A_59, %sub3A_58 : vector<16xi32>
      %min3A = arith.constant 1023 : i32
      %min3A_61 = vector.broadcast %min3A : i32 to vector<16xi32>
      %min3A_62 = arith.minsi %add3A_60, %min3A_61 : vector<16xi32>
      %gather3A = tpu.vector_load_idx %arg8[%min3A_62] masked %eq3A_54 : memref<1024xf32, #tpu.memory_space<vmem>>[vector<16xi32>], vector<16xf32>, vector<16xi1>
      %gather3A_63 = tpu.vector_load_idx %arg9[%min3A_62] masked %eq3A_54 : memref<1024xf32, #tpu.memory_space<vmem>>[vector<16xi32>], vector<16xf32>, vector<16xi1>
      %jit3A_64 = arith.constant 7.375000e-01 : f32
      %broadcast_in_dim3A_65 = vector.broadcast %jit3A_64 : f32 to vector<16xf32>
      %select_n3A_66 = arith.select %eq3A_54, %gather3A, %broadcast_in_dim3A_65 : vector<16xi1>, vector<16xf32>
      %convert_element_type3A_67 = arith.fptosi %gather3A_63 : vector<16xf32> to vector<16xi32>
      %select_n3A_68 = arith.select %eq3A_54, %convert_element_type3A_67, %get3A_51 : vector<16xi1>, vector<16xi32>
      %min3A_69 = vector.broadcast %reduce_sum3A_35 : f32 to vector<16xf32>
      %min3A_70 = arith.minimumf %select_n3A_66, %min3A_69 : vector<16xf32>
      %sub3A_71 = vector.broadcast %reduce_sum3A_35 : f32 to vector<16xf32>
      %sub3A_72 = arith.subf %select_n3A_66, %sub3A_71 : vector<16xf32>
      %max3A = arith.constant 0.000000e+00 : f32
      %max3A_73 = vector.broadcast %max3A : f32 to vector<16xf32>
      %max3A_74 = arith.maximumf %sub3A_72, %max3A_73 : vector<16xf32>
      %mul3A_75 = arith.constant 0.142857149 : f32
      %mul3A_76 = vector.broadcast %mul3A_75 : f32 to vector<16xf32>
      %mul3A_77 = arith.mulf %max3A_74, %mul3A_76 : vector<16xf32>
      %mul3A_78 = arith.constant 7.000000e+00 : f32
      %mul3A_79 = vector.broadcast %mul3A_78 : f32 to vector<16xf32>
      %mul3A_80 = arith.mulf %mul3A_79, %mul3A_77 : vector<16xf32>
      %add3A_81 = arith.addf %min3A_70, %mul3A_80 : vector<16xf32>
      %add3A_82 = arith.constant 9.99999993E-9 : f32
      %add3A_83 = vector.broadcast %add3A_82 : f32 to vector<16xf32>
      %add3A_84 = arith.addf %add3A_81, %add3A_83 : vector<16xf32>
      %div3A_85 = arith.constant 1.000000e+00 : f32
      %div3A_86 = vector.broadcast %div3A_85 : f32 to vector<16xf32>
      %div3A_87 = arith.divf %div3A_86, %add3A_84 : vector<16xf32>
      %eq3A_88 = arith.constant 0 : i32
      %eq3A_89 = vector.broadcast %eq3A_88 : i32 to vector<16xi32>
      %eq3A_90 = arith.cmpi eq, %select_n3A_68, %eq3A_89 : vector<16xi32>
      %select_n3A_91 = arith.select %eq3A_90, %min3A_70, %mul3A_77 : vector<16xi1>, vector<16xf32>
      %mul3A_92 = arith.constant 16 : i32
      %mul3A_93 = arith.muli %scan3A_46, %mul3A_92 : i32
      %swap3A = arith.constant 0 : i32
      %swap3A_94 = arith.index_cast %swap3A : i32 to index
      %swap3A_95 = arith.index_cast %mul3A_93 : i32 to index
      %swap3A_96 = tpu.vector_load %arg11[%swap3A_94, %swap3A_95] {strides = array<i32>} : memref<8x1024xf32, #tpu.memory_space<vmem>>, vector<16xf32>,
      tpu.vector_store %arg11[%swap3A_94, %swap3A_95], %select_n3A_91 {strides = array<i32>} : memref<8x1024xf32, #tpu.memory_space<vmem>>, vector<16xf32>,
      %mul3A_97 = arith.mulf %select_n3A_91, %div3A_87 : vector<16xf32>
      %mul3A_98 = arith.constant 16 : i32
      %mul3A_99 = arith.muli %scan3A_46, %mul3A_98 : i32
      %swap3A_100 = arith.constant 0 : i32
      %swap3A_101 = arith.index_cast %swap3A_100 : i32 to index
      %swap3A_102 = arith.index_cast %mul3A_99 : i32 to index
      %swap3A_103 = tpu.vector_load %arg12[%swap3A_101, %swap3A_102] {strides = array<i32>} : memref<8x1024xf32, #tpu.memory_space<vmem>>, vector<16xf32>,
      tpu.vector_store %arg12[%swap3A_101, %swap3A_102], %mul3A_97 {strides = array<i32>} : memref<8x1024xf32, #tpu.memory_space<vmem>>, vector<16xf32>,
      %eq3A_104 = arith.constant 1 : i32
      %eq3A_105 = vector.broadcast %eq3A_104 : i32 to vector<16xi32>
      %eq3A_106 = arith.cmpi eq, %select_n3A_68, %eq3A_105 : vector<16xi32>
      %select_n3A_107 = arith.select %eq3A_106, %min3A_70, %mul3A_77 : vector<16xi1>, vector<16xf32>
      %mul3A_108 = arith.constant 16 : i32
      %mul3A_109 = arith.muli %scan3A_46, %mul3A_108 : i32
      %swap3A_110 = arith.constant 1 : i32
      %swap3A_111 = arith.index_cast %swap3A_110 : i32 to index
      %swap3A_112 = arith.index_cast %mul3A_109 : i32 to index
      %swap3A_113 = tpu.vector_load %arg11[%swap3A_111, %swap3A_112] {strides = array<i32>} : memref<8x1024xf32, #tpu.memory_space<vmem>>, vector<16xf32>,
      tpu.vector_store %arg11[%swap3A_111, %swap3A_112], %select_n3A_107 {strides = array<i32>} : memref<8x1024xf32, #tpu.memory_space<vmem>>, vector<16xf32>,
      %mul3A_114 = arith.mulf %select_n3A_107, %div3A_87 : vector<16xf32>
      %mul3A_115 = arith.constant 16 : i32
      %mul3A_116 = arith.muli %scan3A_46, %mul3A_115 : i32
      %swap3A_117 = arith.constant 1 : i32
      %swap3A_118 = arith.index_cast %swap3A_117 : i32 to index
      %swap3A_119 = arith.index_cast %mul3A_116 : i32 to index
      %swap3A_120 = tpu.vector_load %arg12[%swap3A_118, %swap3A_119] {strides = array<i32>} : memref<8x1024xf32, #tpu.memory_space<vmem>>, vector<16xf32>,
      tpu.vector_store %arg12[%swap3A_118, %swap3A_119], %mul3A_114 {strides = array<i32>} : memref<8x1024xf32, #tpu.memory_space<vmem>>, vector<16xf32>,
      %eq3A_121 = arith.constant 2 : i32
      %eq3A_122 = vector.broadcast %eq3A_121 : i32 to vector<16xi32>
      %eq3A_123 = arith.cmpi eq, %select_n3A_68, %eq3A_122 : vector<16xi32>
      %select_n3A_124 = arith.select %eq3A_123, %min3A_70, %mul3A_77 : vector<16xi1>, vector<16xf32>
      %mul3A_125 = arith.constant 16 : i32
      %mul3A_126 = arith.muli %scan3A_46, %mul3A_125 : i32
      %swap3A_127 = arith.constant 2 : i32
      %swap3A_128 = arith.index_cast %swap3A_127 : i32 to index
      %swap3A_129 = arith.index_cast %mul3A_126 : i32 to index
      %swap3A_130 = tpu.vector_load %arg11[%swap3A_128, %swap3A_129] {strides = array<i32>} : memref<8x1024xf32, #tpu.memory_space<vmem>>, vector<16xf32>,
      tpu.vector_store %arg11[%swap3A_128, %swap3A_129], %select_n3A_124 {strides = array<i32>} : memref<8x1024xf32, #tpu.memory_space<vmem>>, vector<16xf32>,
      %mul3A_131 = arith.mulf %select_n3A_124, %div3A_87 : vector<16xf32>
      %mul3A_132 = arith.constant 16 : i32
      %mul3A_133 = arith.muli %scan3A_46, %mul3A_132 : i32
      %swap3A_134 = arith.constant 2 : i32
      %swap3A_135 = arith.index_cast %swap3A_134 : i32 to index
      %swap3A_136 = arith.index_cast %mul3A_133 : i32 to index
      %swap3A_137 = tpu.vector_load %arg12[%swap3A_135, %swap3A_136] {strides = array<i32>} : memref<8x1024xf32, #tpu.memory_space<vmem>>, vector<16xf32>,
      tpu.vector_store %arg12[%swap3A_135, %swap3A_136], %mul3A_131 {strides = array<i32>} : memref<8x1024xf32, #tpu.memory_space<vmem>>, vector<16xf32>,
      %eq3A_138 = arith.constant 3 : i32
      %eq3A_139 = vector.broadcast %eq3A_138 : i32 to vector<16xi32>
      %eq3A_140 = arith.cmpi eq, %select_n3A_68, %eq3A_139 : vector<16xi32>
      %select_n3A_141 = arith.select %eq3A_140, %min3A_70, %mul3A_77 : vector<16xi1>, vector<16xf32>
      %mul3A_142 = arith.constant 16 : i32
      %mul3A_143 = arith.muli %scan3A_46, %mul3A_142 : i32
      %swap3A_144 = arith.constant 3 : i32
      %swap3A_145 = arith.index_cast %swap3A_144 : i32 to index
      %swap3A_146 = arith.index_cast %mul3A_143 : i32 to index
      %swap3A_147 = tpu.vector_load %arg11[%swap3A_145, %swap3A_146] {strides = array<i32>} : memref<8x1024xf32, #tpu.memory_space<vmem>>, vector<16xf32>,
      tpu.vector_store %arg11[%swap3A_145, %swap3A_146], %select_n3A_141 {strides = array<i32>} : memref<8x1024xf32, #tpu.memory_space<vmem>>, vector<16xf32>,
      %mul3A_148 = arith.mulf %select_n3A_141, %div3A_87 : vector<16xf32>
      %mul3A_149 = arith.constant 16 : i32
      %mul3A_150 = arith.muli %scan3A_46, %mul3A_149 : i32
      %swap3A_151 = arith.constant 3 : i32
      %swap3A_152 = arith.index_cast %swap3A_151 : i32 to index
      %swap3A_153 = arith.index_cast %mul3A_150 : i32 to index
      %swap3A_154 = tpu.vector_load %arg12[%swap3A_152, %swap3A_153] {strides = array<i32>} : memref<8x1024xf32, #tpu.memory_space<vmem>>, vector<16xf32>,
      tpu.vector_store %arg12[%swap3A_152, %swap3A_153], %mul3A_148 {strides = array<i32>} : memref<8x1024xf32, #tpu.memory_space<vmem>>, vector<16xf32>,
      %eq3A_155 = arith.constant 4 : i32
      %eq3A_156 = vector.broadcast %eq3A_155 : i32 to vector<16xi32>
      %eq3A_157 = arith.cmpi eq, %select_n3A_68, %eq3A_156 : vector<16xi32>
      %select_n3A_158 = arith.select %eq3A_157, %min3A_70, %mul3A_77 : vector<16xi1>, vector<16xf32>
      %mul3A_159 = arith.constant 16 : i32
      %mul3A_160 = arith.muli %scan3A_46, %mul3A_159 : i32
      %swap3A_161 = arith.constant 4 : i32
      %swap3A_162 = arith.index_cast %swap3A_161 : i32 to index
      %swap3A_163 = arith.index_cast %mul3A_160 : i32 to index
      %swap3A_164 = tpu.vector_load %arg11[%swap3A_162, %swap3A_163] {strides = array<i32>} : memref<8x1024xf32, #tpu.memory_space<vmem>>, vector<16xf32>,
      tpu.vector_store %arg11[%swap3A_162, %swap3A_163], %select_n3A_158 {strides = array<i32>} : memref<8x1024xf32, #tpu.memory_space<vmem>>, vector<16xf32>,
      %mul3A_165 = arith.mulf %select_n3A_158, %div3A_87 : vector<16xf32>
      %mul3A_166 = arith.constant 16 : i32
      %mul3A_167 = arith.muli %scan3A_46, %mul3A_166 : i32
      %swap3A_168 = arith.constant 4 : i32
      %swap3A_169 = arith.index_cast %swap3A_168 : i32 to index
      %swap3A_170 = arith.index_cast %mul3A_167 : i32 to index
      %swap3A_171 = tpu.vector_load %arg12[%swap3A_169, %swap3A_170] {strides = array<i32>} : memref<8x1024xf32, #tpu.memory_space<vmem>>, vector<16xf32>,
      tpu.vector_store %arg12[%swap3A_169, %swap3A_170], %mul3A_165 {strides = array<i32>} : memref<8x1024xf32, #tpu.memory_space<vmem>>, vector<16xf32>,
      %eq3A_172 = arith.constant 5 : i32
      %eq3A_173 = vector.broadcast %eq3A_172 : i32 to vector<16xi32>
      %eq3A_174 = arith.cmpi eq, %select_n3A_68, %eq3A_173 : vector<16xi32>
      %select_n3A_175 = arith.select %eq3A_174, %min3A_70, %mul3A_77 : vector<16xi1>, vector<16xf32>
      %mul3A_176 = arith.constant 16 : i32
      %mul3A_177 = arith.muli %scan3A_46, %mul3A_176 : i32
      %swap3A_178 = arith.constant 5 : i32
      %swap3A_179 = arith.index_cast %swap3A_178 : i32 to index
      %swap3A_180 = arith.index_cast %mul3A_177 : i32 to index
      %swap3A_181 = tpu.vector_load %arg11[%swap3A_179, %swap3A_180] {strides = array<i32>} : memref<8x1024xf32, #tpu.memory_space<vmem>>, vector<16xf32>,
      tpu.vector_store %arg11[%swap3A_179, %swap3A_180], %select_n3A_175 {strides = array<i32>} : memref<8x1024xf32, #tpu.memory_space<vmem>>, vector<16xf32>,
      %mul3A_182 = arith.mulf %select_n3A_175, %div3A_87 : vector<16xf32>
      %mul3A_183 = arith.constant 16 : i32
      %mul3A_184 = arith.muli %scan3A_46, %mul3A_183 : i32
      %swap3A_185 = arith.constant 5 : i32
      %swap3A_186 = arith.index_cast %swap3A_185 : i32 to index
      %swap3A_187 = arith.index_cast %mul3A_184 : i32 to index
      %swap3A_188 = tpu.vector_load %arg12[%swap3A_186, %swap3A_187] {strides = array<i32>} : memref<8x1024xf32, #tpu.memory_space<vmem>>, vector<16xf32>,
      tpu.vector_store %arg12[%swap3A_186, %swap3A_187], %mul3A_182 {strides = array<i32>} : memref<8x1024xf32, #tpu.memory_space<vmem>>, vector<16xf32>,
      %eq3A_189 = arith.constant 6 : i32
      %eq3A_190 = vector.broadcast %eq3A_189 : i32 to vector<16xi32>
      %eq3A_191 = arith.cmpi eq, %select_n3A_68, %eq3A_190 : vector<16xi32>
      %select_n3A_192 = arith.select %eq3A_191, %min3A_70, %mul3A_77 : vector<16xi1>, vector<16xf32>
      %mul3A_193 = arith.constant 16 : i32
      %mul3A_194 = arith.muli %scan3A_46, %mul3A_193 : i32
      %swap3A_195 = arith.constant 6 : i32
      %swap3A_196 = arith.index_cast %swap3A_195 : i32 to index
      %swap3A_197 = arith.index_cast %mul3A_194 : i32 to index
      %swap3A_198 = tpu.vector_load %arg11[%swap3A_196, %swap3A_197] {strides = array<i32>} : memref<8x1024xf32, #tpu.memory_space<vmem>>, vector<16xf32>,
      tpu.vector_store %arg11[%swap3A_196, %swap3A_197], %select_n3A_192 {strides = array<i32>} : memref<8x1024xf32, #tpu.memory_space<vmem>>, vector<16xf32>,
      %mul3A_199 = arith.mulf %select_n3A_192, %div3A_87 : vector<16xf32>
      %mul3A_200 = arith.constant 16 : i32
      %mul3A_201 = arith.muli %scan3A_46, %mul3A_200 : i32
      %swap3A_202 = arith.constant 6 : i32
      %swap3A_203 = arith.index_cast %swap3A_202 : i32 to index
      %swap3A_204 = arith.index_cast %mul3A_201 : i32 to index
      %swap3A_205 = tpu.vector_load %arg12[%swap3A_203, %swap3A_204] {strides = array<i32>} : memref<8x1024xf32, #tpu.memory_space<vmem>>, vector<16xf32>,
      tpu.vector_store %arg12[%swap3A_203, %swap3A_204], %mul3A_199 {strides = array<i32>} : memref<8x1024xf32, #tpu.memory_space<vmem>>, vector<16xf32>,
      %eq3A_206 = arith.constant 7 : i32
      %eq3A_207 = vector.broadcast %eq3A_206 : i32 to vector<16xi32>
      %eq3A_208 = arith.cmpi eq, %select_n3A_68, %eq3A_207 : vector<16xi32>
      %select_n3A_209 = arith.select %eq3A_208, %min3A_70, %mul3A_77 : vector<16xi1>, vector<16xf32>
      %mul3A_210 = arith.constant 16 : i32
      %mul3A_211 = arith.muli %scan3A_46, %mul3A_210 : i32
      %swap3A_212 = arith.constant 7 : i32
      %swap3A_213 = arith.index_cast %swap3A_212 : i32 to index
      %swap3A_214 = arith.index_cast %mul3A_211 : i32 to index
      %swap3A_215 = tpu.vector_load %arg11[%swap3A_213, %swap3A_214] {strides = array<i32>} : memref<8x1024xf32, #tpu.memory_space<vmem>>, vector<16xf32>,
      tpu.vector_store %arg11[%swap3A_213, %swap3A_214], %select_n3A_209 {strides = array<i32>} : memref<8x1024xf32, #tpu.memory_space<vmem>>, vector<16xf32>,
      %mul3A_216 = arith.mulf %select_n3A_209, %div3A_87 : vector<16xf32>
      %mul3A_217 = arith.constant 16 : i32
      %mul3A_218 = arith.muli %scan3A_46, %mul3A_217 : i32
      %swap3A_219 = arith.constant 7 : i32
      %swap3A_220 = arith.index_cast %swap3A_219 : i32 to index
      %swap3A_221 = arith.index_cast %mul3A_218 : i32 to index
      %swap3A_222 = tpu.vector_load %arg12[%swap3A_220, %swap3A_221] {strides = array<i32>} : memref<8x1024xf32, #tpu.memory_space<vmem>>, vector<16xf32>,
      tpu.vector_store %arg12[%swap3A_220, %swap3A_221], %mul3A_216 {strides = array<i32>} : memref<8x1024xf32, #tpu.memory_space<vmem>>, vector<16xf32>,
      %reduce_sum3A_223 = arith.constant true
      %reduce_sum3A_224 = vector.broadcast %reduce_sum3A_223 : i1 to vector<16xi1>
      %reduce_sum3A_225 = tpu.scan <sum>, %convert_element_type3A_55 masked %reduce_sum3A_224 : vector<16xi32>, vector<16xi1> -> vector<16xi32>
      %reduce_sum3A_226 = vector.extract %reduce_sum3A_225[15] : i32 from vector<16xi32>
      %add3A_227 = arith.addi %scan3A_47, %reduce_sum3A_226 : i32
      scf.yield %add3A_227 : i32
    }
    %scan3A_41 = arith.constant 64 : i32
    %mul3A_42 = arith.constant 8 : i32
    %mul3A_43 = arith.muli %select_n3A, %mul3A_42 : i32
    "tpu.region"() ({
      %run_scoped3A_46 = tpu.sem_alloc : memref<!tpu.dma_semaphore, #tpu.memory_space<semaphore_mem>>
      %dma_start3A = tpu.memref_slice %arg5[%mul3A_43, %sub3A_21] : memref<32x8192xf32, #tpu.memory_space<hbm>> -> memref<8x1024xf32, #tpu.memory_space<hbm>>
      %dma_start3A_47 = tpu.memref_slice %arg5[%mul3A_43, %sub3A_21] : memref<32x8192xf32, #tpu.memory_space<hbm>> -> memref<8x1024xf32, #tpu.memory_space<hbm>>
      tpu.enqueue_dma source(%arg11 : memref<8x1024xf32, #tpu.memory_space<vmem>>) target(%dma_start3A_47 : memref<8x1024xf32, #tpu.memory_space<hbm>>) target_semaphore(%run_scoped3A_46 : memref<!tpu.dma_semaphore, #tpu.memory_space<semaphore_mem>>)
      %dma_wait3A = tpu.memref_slice %arg5[%mul3A_43, %sub3A_21] : memref<32x8192xf32, #tpu.memory_space<hbm>> -> memref<8x1024xf32, #tpu.memory_space<hbm>>
      %dma_wait3A_48 = tpu.memref_slice %arg5[%mul3A_43, %sub3A_21] : memref<32x8192xf32, #tpu.memory_space<hbm>> -> memref<8x1024xf32, #tpu.memory_space<hbm>>
      tpu.wait_dma2 semaphore(%run_scoped3A_46 : memref<!tpu.dma_semaphore, #tpu.memory_space<semaphore_mem>>) src(%arg11 : memref<8x1024xf32, #tpu.memory_space<vmem>>) dst(%dma_wait3A_48 : memref<8x1024xf32, #tpu.memory_space<hbm>>)
      tpu.yield
    }) : () -> ()
    %mul3A_44 = arith.constant 8 : i32
    %mul3A_45 = arith.muli %select_n3A, %mul3A_44 : i32
    "tpu.region"() ({
      %run_scoped3A_46 = tpu.sem_alloc : memref<!tpu.dma_semaphore, #tpu.memory_space<semaphore_mem>>
      %dma_start3A = tpu.memref_slice %arg6[%mul3A_45, %sub3A_21] : memref<32x8192xf32, #tpu.memory_space<hbm>> -> memref<8x1024xf32, #tpu.memory_space<hbm>>
      %dma_start3A_47 = tpu.memref_slice %arg6[%mul3A_45, %sub3A_21] : memref<32x8192xf32, #tpu.memory_space<hbm>> -> memref<8x1024xf32, #tpu.memory_space<hbm>>
      tpu.enqueue_dma source(%arg12 : memref<8x1024xf32, #tpu.memory_space<vmem>>) target(%dma_start3A_47 : memref<8x1024xf32, #tpu.memory_space<hbm>>) target_semaphore(%run_scoped3A_46 : memref<!tpu.dma_semaphore, #tpu.memory_space<semaphore_mem>>)
      %dma_wait3A = tpu.memref_slice %arg6[%mul3A_45, %sub3A_21] : memref<32x8192xf32, #tpu.memory_space<hbm>> -> memref<8x1024xf32, #tpu.memory_space<hbm>>
      %dma_wait3A_48 = tpu.memref_slice %arg6[%mul3A_45, %sub3A_21] : memref<32x8192xf32, #tpu.memory_space<hbm>> -> memref<8x1024xf32, #tpu.memory_space<hbm>>
      tpu.wait_dma2 semaphore(%run_scoped3A_46 : memref<!tpu.dma_semaphore, #tpu.memory_space<semaphore_mem>>) src(%arg12 : memref<8x1024xf32, #tpu.memory_space<vmem>>) dst(%dma_wait3A_48 : memref<8x1024xf32, #tpu.memory_space<hbm>>)
      tpu.yield
    }) : () -> ()
    return
  }
}

#map = affine_map<(d0, d1) -> (0)>
#map1 = affine_map<(d0, d1) -> (0, 0)>
module attributes {stable_mosaic.version = 14 : i64} {
  func.func @_sca_body(%arg0: i32, %arg1: i32, %arg2: memref<32768xi32, #tpu.memory_space<hbm>>, %arg3: memref<32768x768xf32, #tpu.memory_space<hbm>>, %arg4: memref<32x16xi32, #tpu.memory_space<hbm>>, %arg5: memref<32768x768xf32, #tpu.memory_space<hbm>>, %arg6: memref<1024xi32, #tpu.memory_space<vmem>>, %arg7: memref<1040xi32, #tpu.memory_space<vmem>>, %arg8: memref<64xi32, #tpu.memory_space<vmem>>, %arg9: memref<64xi32, #tpu.memory_space<vmem>>, %arg10: memref<64x768xf32, #tpu.memory_space<vmem>>, %arg11: memref<64x768xf32, #tpu.memory_space<vmem>>, %arg12: memref<16xi32, #tpu.memory_space<vmem>>, %arg13: memref<2x!tpu.dma_semaphore, #tpu.memory_space<semaphore_mem>>) attributes {dimension_semantics = [#tpu.dimension_semantics<core_parallel>, #tpu.dimension_semantics<subcore_parallel>], iteration_bounds = array<i64: 2, 16>, scalar_prefetch = 0 : i64, scratch_operands = 8 : i64, tpu.core_type = #tpu.core_type<sc_vector_subcore>, window_params = [{transform_indices = #map}, {transform_indices = #map1}, {transform_indices = #map1}, {transform_indices = #map1}]} {
    %mul3A = arith.constant 2 : i32
    %mul3A_0 = arith.muli %arg1, %mul3A : i32
    %add3A = arith.addi %mul3A_0, %arg0 : i32
    %mul3A_1 = arith.constant 1024 : i32
    %mul3A_2 = arith.muli %add3A, %mul3A_1 : i32
    "tpu.region"() ({
      %run_scoped3A = tpu.sem_alloc : memref<!tpu.dma_semaphore, #tpu.memory_space<semaphore_mem>>
      %dma_start3A = tpu.memref_slice %arg2[%mul3A_2] : memref<32768xi32, #tpu.memory_space<hbm>> -> memref<1024xi32, #tpu.memory_space<hbm>>
      %dma_start3A_78 = tpu.memref_slice %arg2[%mul3A_2] : memref<32768xi32, #tpu.memory_space<hbm>> -> memref<1024xi32, #tpu.memory_space<hbm>>
      tpu.enqueue_dma source(%dma_start3A_78 : memref<1024xi32, #tpu.memory_space<hbm>>) target(%arg6 : memref<1024xi32, #tpu.memory_space<vmem>>) target_semaphore(%run_scoped3A : memref<!tpu.dma_semaphore, #tpu.memory_space<semaphore_mem>>)
      %dma_wait3A = tpu.memref_slice %arg2[%mul3A_2] : memref<32768xi32, #tpu.memory_space<hbm>> -> memref<1024xi32, #tpu.memory_space<hbm>>
      %dma_wait3A_79 = tpu.memref_slice %arg2[%mul3A_2] : memref<32768xi32, #tpu.memory_space<hbm>> -> memref<1024xi32, #tpu.memory_space<hbm>>
      tpu.wait_dma2 semaphore(%run_scoped3A : memref<!tpu.dma_semaphore, #tpu.memory_space<semaphore_mem>>) src(%dma_wait3A_79 : memref<1024xi32, #tpu.memory_space<hbm>>) dst(%arg6 : memref<1024xi32, #tpu.memory_space<vmem>>)
      tpu.yield
    }) : () -> ()
    %broadcast_in_dim3A = arith.constant 0 : i32
    %broadcast_in_dim3A_3 = vector.broadcast %broadcast_in_dim3A : i32 to vector<16xi32>
    %scan3A = arith.constant 0 : i32
    %scan3A_4 = arith.constant 0 : i32
    %scan3A_5 = arith.constant 65 : i32
    %scan3A_6 = arith.addi %scan3A_4, %scan3A_5 : i32
    %scan3A_7 = arith.constant 1 : i32
    scf.for %scan3A_78 = %scan3A_4 to %scan3A_6 step %scan3A_7  : i32 {
      %mul3A_79 = arith.constant 16 : i32
      %mul3A_80 = arith.muli %scan3A_78, %mul3A_79 : i32
      %swap3A_81 = arith.index_cast %mul3A_80 : i32 to index
      %swap3A_82 = tpu.vector_load %arg7[%swap3A_81] {strides = array<i32>} : memref<1040xi32, #tpu.memory_space<vmem>>, vector<16xi32>,
      tpu.vector_store %arg7[%swap3A_81], %broadcast_in_dim3A_3 {strides = array<i32>} : memref<1040xi32, #tpu.memory_space<vmem>>, vector<16xi32>,
    }
    %scan3A_8 = arith.constant 65 : i32
    %iota3A = tpu.iota {dimensions = array<i32: 0>} : vector<16xi32>
    %scan3A_9 = arith.constant 0 : i32
    %scan3A_10 = arith.constant 0 : i32
    %scan3A_11 = arith.constant 64 : i32
    %scan3A_12 = arith.addi %scan3A_10, %scan3A_11 : i32
    %scan3A_13 = arith.constant 1 : i32
    %scan3A_14 = scf.for %scan3A_78 = %scan3A_10 to %scan3A_12 step %scan3A_13 iter_args(%scan3A_79 = %scan3A_9) -> (i32)  : i32 {
      %mul3A_80 = arith.constant 16 : i32
      %mul3A_81 = arith.muli %scan3A_78, %mul3A_80 : i32
      %get3A = arith.index_cast %mul3A_81 : i32 to index
      %get3A_82 = tpu.vector_load %arg6[%get3A] {strides = array<i32>} : memref<1024xi32, #tpu.memory_space<vmem>>, vector<16xi32>,
      %eq3A = arith.constant 5 : i32
      %eq3A_83 = vector.broadcast %eq3A : i32 to vector<16xi32>
      %eq3A_84 = arith.cmpi eq, %get3A_82, %eq3A_83 : vector<16xi32>
      %convert_element_type3A_85 = arith.extui %eq3A_84 : vector<16xi1> to vector<16xi32>
      %broadcast_in_dim3A_86 = arith.constant true
      %broadcast_in_dim3A_87 = vector.broadcast %broadcast_in_dim3A_86 : i1 to vector<16xi1>
      %masked_cumsum3A = tpu.scan <sum>, %convert_element_type3A_85 masked %broadcast_in_dim3A_87 : vector<16xi32>, vector<16xi1> -> vector<16xi32>
      %sub3A_88 = arith.subi %masked_cumsum3A, %convert_element_type3A_85 : vector<16xi32>
      %mul3A_89 = arith.constant 16 : i32
      %mul3A_90 = arith.muli %scan3A_78, %mul3A_89 : i32
      %add3A_91 = arith.addi %mul3A_2, %mul3A_90 : i32
      %add3A_92 = vector.broadcast %add3A_91 : i32 to vector<16xi32>
      %add3A_93 = arith.addi %add3A_92, %iota3A : vector<16xi32>
      %add3A_94 = vector.broadcast %scan3A_79 : i32 to vector<16xi32>
      %add3A_95 = arith.addi %add3A_94, %sub3A_88 : vector<16xi32>
      tpu.vector_store_idx %arg7[%add3A_95], %add3A_93 masked %eq3A_84 : memref<1040xi32, #tpu.memory_space<vmem>>[vector<16xi32>], vector<16xi32>, vector<16xi1>
      %reduce_sum3A = arith.constant true
      %reduce_sum3A_96 = vector.broadcast %reduce_sum3A : i1 to vector<16xi1>
      %reduce_sum3A_97 = tpu.scan <sum>, %convert_element_type3A_85 masked %reduce_sum3A_96 : vector<16xi32>, vector<16xi1> -> vector<16xi32>
      %reduce_sum3A_98 = vector.extract %reduce_sum3A_97[15] : i32 from vector<16xi32>
      %add3A_99 = arith.addi %scan3A_79, %reduce_sum3A_98 : i32
      scf.yield %add3A_99 : i32
    }
    %scan3A_15 = arith.constant 64 : i32
    %broadcast_in_dim3A_16 = vector.broadcast %scan3A_14 : i32 to vector<16xi32>
    %swap3A = arith.constant 0 : index
    %swap3A_17 = tpu.vector_load %arg12[%swap3A] {strides = array<i32>} : memref<16xi32, #tpu.memory_space<vmem>>, vector<16xi32>,
    tpu.vector_store %arg12[%swap3A], %broadcast_in_dim3A_16 {strides = array<i32>} : memref<16xi32, #tpu.memory_space<vmem>>, vector<16xi32>,
    "tpu.region"() ({
      %run_scoped3A = tpu.sem_alloc : memref<!tpu.dma_semaphore, #tpu.memory_space<semaphore_mem>>
      %dma_start3A = arith.constant 0 : i32
      %dma_start3A_78 = tpu.memref_slice %arg4[%add3A, %dma_start3A] : memref<32x16xi32, #tpu.memory_space<hbm>> -> memref<1x16xi32, #tpu.memory_space<hbm>>
      %dma_start3A_79 = tpu.memref_squeeze %dma_start3A_78 : memref<1x16xi32, #tpu.memory_space<hbm>> -> memref<16xi32, #tpu.memory_space<hbm>>
      %dma_start3A_80 = arith.constant 0 : i32
      %dma_start3A_81 = tpu.memref_slice %arg4[%add3A, %dma_start3A_80] : memref<32x16xi32, #tpu.memory_space<hbm>> -> memref<1x16xi32, #tpu.memory_space<hbm>>
      %dma_start3A_82 = tpu.memref_squeeze %dma_start3A_81 : memref<1x16xi32, #tpu.memory_space<hbm>> -> memref<16xi32, #tpu.memory_space<hbm>>
      tpu.enqueue_dma source(%arg12 : memref<16xi32, #tpu.memory_space<vmem>>) target(%dma_start3A_82 : memref<16xi32, #tpu.memory_space<hbm>>) target_semaphore(%run_scoped3A : memref<!tpu.dma_semaphore, #tpu.memory_space<semaphore_mem>>)
      %dma_wait3A = arith.constant 0 : i32
      %dma_wait3A_83 = tpu.memref_slice %arg4[%add3A, %dma_wait3A] : memref<32x16xi32, #tpu.memory_space<hbm>> -> memref<1x16xi32, #tpu.memory_space<hbm>>
      %dma_wait3A_84 = tpu.memref_squeeze %dma_wait3A_83 : memref<1x16xi32, #tpu.memory_space<hbm>> -> memref<16xi32, #tpu.memory_space<hbm>>
      %dma_wait3A_85 = arith.constant 0 : i32
      %dma_wait3A_86 = tpu.memref_slice %arg4[%add3A, %dma_wait3A_85] : memref<32x16xi32, #tpu.memory_space<hbm>> -> memref<1x16xi32, #tpu.memory_space<hbm>>
      %dma_wait3A_87 = tpu.memref_squeeze %dma_wait3A_86 : memref<1x16xi32, #tpu.memory_space<hbm>> -> memref<16xi32, #tpu.memory_space<hbm>>
      tpu.wait_dma2 semaphore(%run_scoped3A : memref<!tpu.dma_semaphore, #tpu.memory_space<semaphore_mem>>) src(%arg12 : memref<16xi32, #tpu.memory_space<vmem>>) dst(%dma_wait3A_87 : memref<16xi32, #tpu.memory_space<hbm>>)
      tpu.yield
    }) : () -> ()
    %add3A_18 = arith.constant 64 : i32
    %add3A_19 = arith.addi %scan3A_14, %add3A_18 : i32
    %sub3A = arith.constant 1 : i32
    %sub3A_20 = arith.subi %add3A_19, %sub3A : i32
    %jit3A = arith.constant 64 : i32
    %div3A = arith.divsi %sub3A_20, %jit3A : i32
    %sign3A = arith.constant 0 : i32
    %sign3A_21 = arith.cmpi sgt, %sub3A_20, %sign3A : i32
    %sign3A_22 = arith.extui %sign3A_21 : i1 to i32
    %sign3A_23 = arith.constant 0 : i32
    %sign3A_24 = arith.cmpi slt, %sub3A_20, %sign3A_23 : i32
    %sign3A_25 = arith.extui %sign3A_24 : i1 to i32
    %sign3A_26 = arith.subi %sign3A_22, %sign3A_25 : i32
    %sign3A_27 = arith.constant 0 : i32
    %sign3A_28 = arith.cmpi sgt, %jit3A, %sign3A_27 : i32
    %sign3A_29 = arith.extui %sign3A_28 : i1 to i32
    %sign3A_30 = arith.constant 0 : i32
    %sign3A_31 = arith.cmpi slt, %jit3A, %sign3A_30 : i32
    %sign3A_32 = arith.extui %sign3A_31 : i1 to i32
    %sign3A_33 = arith.subi %sign3A_29, %sign3A_32 : i32
    %ne3A = arith.cmpi ne, %sign3A_26, %sign3A_33 : i32
    %rem3A = arith.remsi %sub3A_20, %jit3A : i32
    %ne3A_34 = arith.constant 0 : i32
    %ne3A_35 = arith.cmpi ne, %rem3A, %ne3A_34 : i32
    %and3A = arith.andi %ne3A, %ne3A_35 : i1
    %sub3A_36 = arith.constant 1 : i32
    %sub3A_37 = arith.subi %div3A, %sub3A_36 : i32
    %select_n3A = arith.select %and3A, %sub3A_37, %div3A : i32
    %gt3A = arith.constant 0 : i32
    %gt3A_38 = arith.cmpi sgt, %select_n3A, %gt3A : i32
    %convert_element_type3A = arith.extui %gt3A_38 : i1 to i32
    %cond3A = arith.constant 0 : i32
    %cond3A_39 = arith.constant 0 : i32
    %cond3A_40 = arith.cmpi ne, %convert_element_type3A, %cond3A_39 : i32
    scf.if %cond3A_40 {
      %scan3A_78 = arith.constant 0 : i32
      %scan3A_79 = arith.constant 0 : i32
      %scan3A_80 = arith.constant 4 : i32
      %scan3A_81 = arith.addi %scan3A_79, %scan3A_80 : i32
      %scan3A_82 = arith.constant 1 : i32
      scf.for %scan3A_88 = %scan3A_79 to %scan3A_81 step %scan3A_82  : i32 {
        %mul3A_89 = arith.constant 16 : i32
        %mul3A_90 = arith.muli %scan3A_88, %mul3A_89 : i32
        %add3A_91 = arith.constant 0 : i32
        %add3A_92 = arith.addi %add3A_91, %mul3A_90 : i32
        %get3A = arith.index_cast %add3A_92 : i32 to index
        %get3A_93 = tpu.vector_load %arg7[%get3A] {strides = array<i32>} : memref<1040xi32, #tpu.memory_space<vmem>>, vector<16xi32>,
        %mul3A_94 = arith.constant 16 : i32
        %mul3A_95 = arith.muli %scan3A_88, %mul3A_94 : i32
        %swap3A_96 = arith.index_cast %mul3A_95 : i32 to index
        %swap3A_97 = tpu.vector_load %arg8[%swap3A_96] {strides = array<i32>} : memref<64xi32, #tpu.memory_space<vmem>>, vector<16xi32>,
        tpu.vector_store %arg8[%swap3A_96], %get3A_93 {strides = array<i32>} : memref<64xi32, #tpu.memory_space<vmem>>, vector<16xi32>,
      }
      %scan3A_83 = arith.constant 4 : i32
      %dma_start3A = arith.constant 0 : i32
      %dma_start3A_84 = arith.constant 0 : i32
      %dma_start3A_85 = tpu.memref_slice %arg3[%dma_start3A, %dma_start3A_84] : memref<32768x768xf32, #tpu.memory_space<hbm>> -> memref<32768x768xf32, #tpu.memory_space<hbm>>
      %dma_start3A_86 = tpu.memref_slice %arg13[%cond3A] : memref<2x!tpu.dma_semaphore, #tpu.memory_space<semaphore_mem>> -> memref<1x!tpu.dma_semaphore, #tpu.memory_space<semaphore_mem>>
      %dma_start3A_87 = tpu.memref_squeeze %dma_start3A_86 : memref<1x!tpu.dma_semaphore, #tpu.memory_space<semaphore_mem>> -> memref<!tpu.dma_semaphore, #tpu.memory_space<semaphore_mem>>
      tpu.enqueue_indirect_dma source(%dma_start3A_85 : memref<32768x768xf32, #tpu.memory_space<hbm>>) target(%arg10 : memref<64x768xf32, #tpu.memory_space<vmem>>) offsets(%arg8 : memref<64xi32, #tpu.memory_space<vmem>>) semaphore(%dma_start3A_87 : memref<!tpu.dma_semaphore, #tpu.memory_space<semaphore_mem>>)
    } else {
    }
    %add3A_41 = arith.constant 1 : i32
    %add3A_42 = arith.addi %select_n3A, %add3A_41 : i32
    %jit3A_43 = arith.constant 2 : i32
    %div3A_44 = arith.divsi %add3A_42, %jit3A_43 : i32
    %sign3A_45 = arith.constant 0 : i32
    %sign3A_46 = arith.cmpi sgt, %add3A_42, %sign3A_45 : i32
    %sign3A_47 = arith.extui %sign3A_46 : i1 to i32
    %sign3A_48 = arith.constant 0 : i32
    %sign3A_49 = arith.cmpi slt, %add3A_42, %sign3A_48 : i32
    %sign3A_50 = arith.extui %sign3A_49 : i1 to i32
    %sign3A_51 = arith.subi %sign3A_47, %sign3A_50 : i32
    %sign3A_52 = arith.constant 0 : i32
    %sign3A_53 = arith.cmpi sgt, %jit3A_43, %sign3A_52 : i32
    %sign3A_54 = arith.extui %sign3A_53 : i1 to i32
    %sign3A_55 = arith.constant 0 : i32
    %sign3A_56 = arith.cmpi slt, %jit3A_43, %sign3A_55 : i32
    %sign3A_57 = arith.extui %sign3A_56 : i1 to i32
    %sign3A_58 = arith.subi %sign3A_54, %sign3A_57 : i32
    %ne3A_59 = arith.cmpi ne, %sign3A_51, %sign3A_58 : i32
    %rem3A_60 = arith.remsi %add3A_42, %jit3A_43 : i32
    %ne3A_61 = arith.constant 0 : i32
    %ne3A_62 = arith.cmpi ne, %rem3A_60, %ne3A_61 : i32
    %and3A_63 = arith.andi %ne3A_59, %ne3A_62 : i1
    %sub3A_64 = arith.constant 1 : i32
    %sub3A_65 = arith.subi %div3A_44, %sub3A_64 : i32
    %select_n3A_66 = arith.select %and3A_63, %sub3A_65, %div3A_44 : i32
    %while3A = arith.constant 0 : i32
    %while3A_67 = arith.constant 1 : i32
    %while3A_68 = arith.constant 0 : i32
    %while3A_69 = arith.constant 0 : i32
    %while3A_70 = arith.subi %select_n3A_66, %while3A_69 : i32
    %while3A_71 = arith.addi %while3A_69, %while3A_70 : i32
    %while3A_72 = arith.constant 1 : i32
    %while3A_73 = arith.divsi %while3A_70, %while3A_72 : i32
    %while3A_74 = arith.muli %while3A_73, %while3A_72 : i32
    %while3A_75 = arith.addi %while3A_69, %while3A_74 : i32
    %while3A_76 = arith.constant 1 : i32
    scf.for %while3A_78 = %while3A_69 to %while3A_75 step %while3A_76  : i32 {
      %mul3A_79 = arith.constant 2 : i32
      %mul3A_80 = arith.muli %mul3A_79, %while3A_78 : i32
      %add3A_81 = arith.constant 0 : i32
      %add3A_82 = arith.addi %mul3A_80, %add3A_81 : i32
      %lt3A = arith.cmpi slt, %add3A_82, %select_n3A : i32
      %convert_element_type3A_83 = arith.extui %lt3A : i1 to i32
      %cond3A_84 = arith.constant 0 : i32
      %cond3A_85 = arith.cmpi ne, %convert_element_type3A_83, %cond3A_84 : i32
      scf.if %cond3A_85 {
        %add3A_94 = arith.constant 1 : i32
        %add3A_95 = arith.addi %add3A_82, %add3A_94 : i32
        %lt3A_96 = arith.cmpi slt, %add3A_95, %select_n3A : i32
        %convert_element_type3A_97 = arith.extui %lt3A_96 : i1 to i32
        %cond3A_98 = arith.constant 0 : i32
        %cond3A_99 = arith.cmpi ne, %convert_element_type3A_97, %cond3A_98 : i32
        scf.if %cond3A_99 {
          %add3A_107 = arith.constant 1 : i32
          %add3A_108 = arith.addi %add3A_82, %add3A_107 : i32
          %scan3A_109 = arith.constant 0 : i32
          %scan3A_110 = arith.constant 0 : i32
          %scan3A_111 = arith.constant 4 : i32
          %scan3A_112 = arith.addi %scan3A_110, %scan3A_111 : i32
          %scan3A_113 = arith.constant 1 : i32
          scf.for %scan3A_119 = %scan3A_110 to %scan3A_112 step %scan3A_113  : i32 {
            %mul3A_120 = arith.constant 64 : i32
            %mul3A_121 = arith.muli %add3A_108, %mul3A_120 : i32
            %mul3A_122 = arith.constant 16 : i32
            %mul3A_123 = arith.muli %scan3A_119, %mul3A_122 : i32
            %add3A_124 = arith.addi %mul3A_121, %mul3A_123 : i32
            %get3A = arith.index_cast %add3A_124 : i32 to index
            %get3A_125 = tpu.vector_load %arg7[%get3A] {strides = array<i32>} : memref<1040xi32, #tpu.memory_space<vmem>>, vector<16xi32>,
            %mul3A_126 = arith.constant 16 : i32
            %mul3A_127 = arith.muli %scan3A_119, %mul3A_126 : i32
            %swap3A_128 = arith.index_cast %mul3A_127 : i32 to index
            %swap3A_129 = tpu.vector_load %arg9[%swap3A_128] {strides = array<i32>} : memref<64xi32, #tpu.memory_space<vmem>>, vector<16xi32>,
            tpu.vector_store %arg9[%swap3A_128], %get3A_125 {strides = array<i32>} : memref<64xi32, #tpu.memory_space<vmem>>, vector<16xi32>,
          }
          %scan3A_114 = arith.constant 4 : i32
          %dma_start3A = arith.constant 0 : i32
          %dma_start3A_115 = arith.constant 0 : i32
          %dma_start3A_116 = tpu.memref_slice %arg3[%dma_start3A, %dma_start3A_115] : memref<32768x768xf32, #tpu.memory_space<hbm>> -> memref<32768x768xf32, #tpu.memory_space<hbm>>
          %dma_start3A_117 = tpu.memref_slice %arg13[%while3A_67] : memref<2x!tpu.dma_semaphore, #tpu.memory_space<semaphore_mem>> -> memref<1x!tpu.dma_semaphore, #tpu.memory_space<semaphore_mem>>
          %dma_start3A_118 = tpu.memref_squeeze %dma_start3A_117 : memref<1x!tpu.dma_semaphore, #tpu.memory_space<semaphore_mem>> -> memref<!tpu.dma_semaphore, #tpu.memory_space<semaphore_mem>>
          tpu.enqueue_indirect_dma source(%dma_start3A_116 : memref<32768x768xf32, #tpu.memory_space<hbm>>) target(%arg11 : memref<64x768xf32, #tpu.memory_space<vmem>>) offsets(%arg9 : memref<64xi32, #tpu.memory_space<vmem>>) semaphore(%dma_start3A_118 : memref<!tpu.dma_semaphore, #tpu.memory_space<semaphore_mem>>)
        } else {
        }
        %dma_wait3A = arith.constant 0 : i32
        %dma_wait3A_100 = arith.constant 0 : i32
        %dma_wait3A_101 = tpu.memref_slice %arg3[%dma_wait3A, %dma_wait3A_100] : memref<32768x768xf32, #tpu.memory_space<hbm>> -> memref<32768x768xf32, #tpu.memory_space<hbm>>
        %dma_wait3A_102 = tpu.memref_slice %arg13[%while3A_68] : memref<2x!tpu.dma_semaphore, #tpu.memory_space<semaphore_mem>> -> memref<1x!tpu.dma_semaphore, #tpu.memory_space<semaphore_mem>>
        %dma_wait3A_103 = tpu.memref_squeeze %dma_wait3A_102 : memref<1x!tpu.dma_semaphore, #tpu.memory_space<semaphore_mem>> -> memref<!tpu.dma_semaphore, #tpu.memory_space<semaphore_mem>>
        tpu.wait_indirect_dma semaphore(%dma_wait3A_103 : memref<!tpu.dma_semaphore, #tpu.memory_space<semaphore_mem>>) src(%dma_wait3A_101 : memref<32768x768xf32, #tpu.memory_space<hbm>>) dst(%arg10 : memref<64x768xf32, #tpu.memory_space<vmem>>)
        %mul3A_104 = arith.constant 64 : i32
        %mul3A_105 = arith.muli %add3A_82, %mul3A_104 : i32
        %add3A_106 = arith.addi %mul3A_2, %mul3A_105 : i32
        "tpu.region"() ({
          %run_scoped3A = tpu.sem_alloc : memref<!tpu.dma_semaphore, #tpu.memory_space<semaphore_mem>>
          %dma_start3A = arith.constant 0 : i32
          %dma_start3A_107 = tpu.memref_slice %arg5[%add3A_106, %dma_start3A] : memref<32768x768xf32, #tpu.memory_space<hbm>> -> memref<64x768xf32, #tpu.memory_space<hbm>>
          %dma_start3A_108 = arith.constant 0 : i32
          %dma_start3A_109 = tpu.memref_slice %arg5[%add3A_106, %dma_start3A_108] : memref<32768x768xf32, #tpu.memory_space<hbm>> -> memref<64x768xf32, #tpu.memory_space<hbm>>
          tpu.enqueue_dma source(%arg10 : memref<64x768xf32, #tpu.memory_space<vmem>>) target(%dma_start3A_109 : memref<64x768xf32, #tpu.memory_space<hbm>>) target_semaphore(%run_scoped3A : memref<!tpu.dma_semaphore, #tpu.memory_space<semaphore_mem>>)
          %dma_wait3A_110 = arith.constant 0 : i32
          %dma_wait3A_111 = tpu.memref_slice %arg5[%add3A_106, %dma_wait3A_110] : memref<32768x768xf32, #tpu.memory_space<hbm>> -> memref<64x768xf32, #tpu.memory_space<hbm>>
          %dma_wait3A_112 = arith.constant 0 : i32
          %dma_wait3A_113 = tpu.memref_slice %arg5[%add3A_106, %dma_wait3A_112] : memref<32768x768xf32, #tpu.memory_space<hbm>> -> memref<64x768xf32, #tpu.memory_space<hbm>>
          tpu.wait_dma2 semaphore(%run_scoped3A : memref<!tpu.dma_semaphore, #tpu.memory_space<semaphore_mem>>) src(%arg10 : memref<64x768xf32, #tpu.memory_space<vmem>>) dst(%dma_wait3A_113 : memref<64x768xf32, #tpu.memory_space<hbm>>)
          tpu.yield
        }) : () -> ()
      } else {
      }
      %mul3A_86 = arith.constant 2 : i32
      %mul3A_87 = arith.muli %mul3A_86, %while3A_78 : i32
      %add3A_88 = arith.constant 1 : i32
      %add3A_89 = arith.addi %mul3A_87, %add3A_88 : i32
      %lt3A_90 = arith.cmpi slt, %add3A_89, %select_n3A : i32
      %convert_element_type3A_91 = arith.extui %lt3A_90 : i1 to i32
      %cond3A_92 = arith.constant 0 : i32
      %cond3A_93 = arith.cmpi ne, %convert_element_type3A_91, %cond3A_92 : i32
      scf.if %cond3A_93 {
        %add3A_94 = arith.constant 1 : i32
        %add3A_95 = arith.addi %add3A_89, %add3A_94 : i32
        %lt3A_96 = arith.cmpi slt, %add3A_95, %select_n3A : i32
        %convert_element_type3A_97 = arith.extui %lt3A_96 : i1 to i32
        %cond3A_98 = arith.constant 0 : i32
        %cond3A_99 = arith.cmpi ne, %convert_element_type3A_97, %cond3A_98 : i32
        scf.if %cond3A_99 {
          %add3A_107 = arith.constant 1 : i32
          %add3A_108 = arith.addi %add3A_89, %add3A_107 : i32
          %scan3A_109 = arith.constant 0 : i32
          %scan3A_110 = arith.constant 0 : i32
          %scan3A_111 = arith.constant 4 : i32
          %scan3A_112 = arith.addi %scan3A_110, %scan3A_111 : i32
          %scan3A_113 = arith.constant 1 : i32
          scf.for %scan3A_119 = %scan3A_110 to %scan3A_112 step %scan3A_113  : i32 {
            %mul3A_120 = arith.constant 64 : i32
            %mul3A_121 = arith.muli %add3A_108, %mul3A_120 : i32
            %mul3A_122 = arith.constant 16 : i32
            %mul3A_123 = arith.muli %scan3A_119, %mul3A_122 : i32
            %add3A_124 = arith.addi %mul3A_121, %mul3A_123 : i32
            %get3A = arith.index_cast %add3A_124 : i32 to index
            %get3A_125 = tpu.vector_load %arg7[%get3A] {strides = array<i32>} : memref<1040xi32, #tpu.memory_space<vmem>>, vector<16xi32>,
            %mul3A_126 = arith.constant 16 : i32
            %mul3A_127 = arith.muli %scan3A_119, %mul3A_126 : i32
            %swap3A_128 = arith.index_cast %mul3A_127 : i32 to index
            %swap3A_129 = tpu.vector_load %arg8[%swap3A_128] {strides = array<i32>} : memref<64xi32, #tpu.memory_space<vmem>>, vector<16xi32>,
            tpu.vector_store %arg8[%swap3A_128], %get3A_125 {strides = array<i32>} : memref<64xi32, #tpu.memory_space<vmem>>, vector<16xi32>,
          }
          %scan3A_114 = arith.constant 4 : i32
          %dma_start3A = arith.constant 0 : i32
          %dma_start3A_115 = arith.constant 0 : i32
          %dma_start3A_116 = tpu.memref_slice %arg3[%dma_start3A, %dma_start3A_115] : memref<32768x768xf32, #tpu.memory_space<hbm>> -> memref<32768x768xf32, #tpu.memory_space<hbm>>
          %dma_start3A_117 = tpu.memref_slice %arg13[%while3A_68] : memref<2x!tpu.dma_semaphore, #tpu.memory_space<semaphore_mem>> -> memref<1x!tpu.dma_semaphore, #tpu.memory_space<semaphore_mem>>
          %dma_start3A_118 = tpu.memref_squeeze %dma_start3A_117 : memref<1x!tpu.dma_semaphore, #tpu.memory_space<semaphore_mem>> -> memref<!tpu.dma_semaphore, #tpu.memory_space<semaphore_mem>>
          tpu.enqueue_indirect_dma source(%dma_start3A_116 : memref<32768x768xf32, #tpu.memory_space<hbm>>) target(%arg10 : memref<64x768xf32, #tpu.memory_space<vmem>>) offsets(%arg8 : memref<64xi32, #tpu.memory_space<vmem>>) semaphore(%dma_start3A_118 : memref<!tpu.dma_semaphore, #tpu.memory_space<semaphore_mem>>)
        } else {
        }
        %dma_wait3A = arith.constant 0 : i32
        %dma_wait3A_100 = arith.constant 0 : i32
        %dma_wait3A_101 = tpu.memref_slice %arg3[%dma_wait3A, %dma_wait3A_100] : memref<32768x768xf32, #tpu.memory_space<hbm>> -> memref<32768x768xf32, #tpu.memory_space<hbm>>
        %dma_wait3A_102 = tpu.memref_slice %arg13[%while3A_67] : memref<2x!tpu.dma_semaphore, #tpu.memory_space<semaphore_mem>> -> memref<1x!tpu.dma_semaphore, #tpu.memory_space<semaphore_mem>>
        %dma_wait3A_103 = tpu.memref_squeeze %dma_wait3A_102 : memref<1x!tpu.dma_semaphore, #tpu.memory_space<semaphore_mem>> -> memref<!tpu.dma_semaphore, #tpu.memory_space<semaphore_mem>>
        tpu.wait_indirect_dma semaphore(%dma_wait3A_103 : memref<!tpu.dma_semaphore, #tpu.memory_space<semaphore_mem>>) src(%dma_wait3A_101 : memref<32768x768xf32, #tpu.memory_space<hbm>>) dst(%arg11 : memref<64x768xf32, #tpu.memory_space<vmem>>)
        %mul3A_104 = arith.constant 64 : i32
        %mul3A_105 = arith.muli %add3A_89, %mul3A_104 : i32
        %add3A_106 = arith.addi %mul3A_2, %mul3A_105 : i32
        "tpu.region"() ({
          %run_scoped3A = tpu.sem_alloc : memref<!tpu.dma_semaphore, #tpu.memory_space<semaphore_mem>>
          %dma_start3A = arith.constant 0 : i32
          %dma_start3A_107 = tpu.memref_slice %arg5[%add3A_106, %dma_start3A] : memref<32768x768xf32, #tpu.memory_space<hbm>> -> memref<64x768xf32, #tpu.memory_space<hbm>>
          %dma_start3A_108 = arith.constant 0 : i32
          %dma_start3A_109 = tpu.memref_slice %arg5[%add3A_106, %dma_start3A_108] : memref<32768x768xf32, #tpu.memory_space<hbm>> -> memref<64x768xf32, #tpu.memory_space<hbm>>
          tpu.enqueue_dma source(%arg11 : memref<64x768xf32, #tpu.memory_space<vmem>>) target(%dma_start3A_109 : memref<64x768xf32, #tpu.memory_space<hbm>>) target_semaphore(%run_scoped3A : memref<!tpu.dma_semaphore, #tpu.memory_space<semaphore_mem>>)
          %dma_wait3A_110 = arith.constant 0 : i32
          %dma_wait3A_111 = tpu.memref_slice %arg5[%add3A_106, %dma_wait3A_110] : memref<32768x768xf32, #tpu.memory_space<hbm>> -> memref<64x768xf32, #tpu.memory_space<hbm>>
          %dma_wait3A_112 = arith.constant 0 : i32
          %dma_wait3A_113 = tpu.memref_slice %arg5[%add3A_106, %dma_wait3A_112] : memref<32768x768xf32, #tpu.memory_space<hbm>> -> memref<64x768xf32, #tpu.memory_space<hbm>>
          tpu.wait_dma2 semaphore(%run_scoped3A : memref<!tpu.dma_semaphore, #tpu.memory_space<semaphore_mem>>) src(%arg11 : memref<64x768xf32, #tpu.memory_space<vmem>>) dst(%dma_wait3A_113 : memref<64x768xf32, #tpu.memory_space<hbm>>)
          tpu.yield
        }) : () -> ()
      } else {
      }
    }
    %while3A_77 = arith.constant 1 : i32
    scf.for %while3A_78 = %while3A_75 to %while3A_71 step %while3A_77  : i32 {
      %mul3A_79 = arith.constant 2 : i32
      %mul3A_80 = arith.muli %mul3A_79, %while3A_78 : i32
      %add3A_81 = arith.constant 0 : i32
      %add3A_82 = arith.addi %mul3A_80, %add3A_81 : i32
      %lt3A = arith.cmpi slt, %add3A_82, %select_n3A : i32
      %convert_element_type3A_83 = arith.extui %lt3A : i1 to i32
      %cond3A_84 = arith.constant 0 : i32
      %cond3A_85 = arith.cmpi ne, %convert_element_type3A_83, %cond3A_84 : i32
      scf.if %cond3A_85 {
        %add3A_94 = arith.constant 1 : i32
        %add3A_95 = arith.addi %add3A_82, %add3A_94 : i32
        %lt3A_96 = arith.cmpi slt, %add3A_95, %select_n3A : i32
        %convert_element_type3A_97 = arith.extui %lt3A_96 : i1 to i32
        %cond3A_98 = arith.constant 0 : i32
        %cond3A_99 = arith.cmpi ne, %convert_element_type3A_97, %cond3A_98 : i32
        scf.if %cond3A_99 {
          %add3A_107 = arith.constant 1 : i32
          %add3A_108 = arith.addi %add3A_82, %add3A_107 : i32
          %scan3A_109 = arith.constant 0 : i32
          %scan3A_110 = arith.constant 0 : i32
          %scan3A_111 = arith.constant 4 : i32
          %scan3A_112 = arith.addi %scan3A_110, %scan3A_111 : i32
          %scan3A_113 = arith.constant 1 : i32
          scf.for %scan3A_119 = %scan3A_110 to %scan3A_112 step %scan3A_113  : i32 {
            %mul3A_120 = arith.constant 64 : i32
            %mul3A_121 = arith.muli %add3A_108, %mul3A_120 : i32
            %mul3A_122 = arith.constant 16 : i32
            %mul3A_123 = arith.muli %scan3A_119, %mul3A_122 : i32
            %add3A_124 = arith.addi %mul3A_121, %mul3A_123 : i32
            %get3A = arith.index_cast %add3A_124 : i32 to index
            %get3A_125 = tpu.vector_load %arg7[%get3A] {strides = array<i32>} : memref<1040xi32, #tpu.memory_space<vmem>>, vector<16xi32>,
            %mul3A_126 = arith.constant 16 : i32
            %mul3A_127 = arith.muli %scan3A_119, %mul3A_126 : i32
            %swap3A_128 = arith.index_cast %mul3A_127 : i32 to index
            %swap3A_129 = tpu.vector_load %arg9[%swap3A_128] {strides = array<i32>} : memref<64xi32, #tpu.memory_space<vmem>>, vector<16xi32>,
            tpu.vector_store %arg9[%swap3A_128], %get3A_125 {strides = array<i32>} : memref<64xi32, #tpu.memory_space<vmem>>, vector<16xi32>,
          }
          %scan3A_114 = arith.constant 4 : i32
          %dma_start3A = arith.constant 0 : i32
          %dma_start3A_115 = arith.constant 0 : i32
          %dma_start3A_116 = tpu.memref_slice %arg3[%dma_start3A, %dma_start3A_115] : memref<32768x768xf32, #tpu.memory_space<hbm>> -> memref<32768x768xf32, #tpu.memory_space<hbm>>
          %dma_start3A_117 = tpu.memref_slice %arg13[%while3A_67] : memref<2x!tpu.dma_semaphore, #tpu.memory_space<semaphore_mem>> -> memref<1x!tpu.dma_semaphore, #tpu.memory_space<semaphore_mem>>
          %dma_start3A_118 = tpu.memref_squeeze %dma_start3A_117 : memref<1x!tpu.dma_semaphore, #tpu.memory_space<semaphore_mem>> -> memref<!tpu.dma_semaphore, #tpu.memory_space<semaphore_mem>>
          tpu.enqueue_indirect_dma source(%dma_start3A_116 : memref<32768x768xf32, #tpu.memory_space<hbm>>) target(%arg11 : memref<64x768xf32, #tpu.memory_space<vmem>>) offsets(%arg9 : memref<64xi32, #tpu.memory_space<vmem>>) semaphore(%dma_start3A_118 : memref<!tpu.dma_semaphore, #tpu.memory_space<semaphore_mem>>)
        } else {
        }
        %dma_wait3A = arith.constant 0 : i32
        %dma_wait3A_100 = arith.constant 0 : i32
        %dma_wait3A_101 = tpu.memref_slice %arg3[%dma_wait3A, %dma_wait3A_100] : memref<32768x768xf32, #tpu.memory_space<hbm>> -> memref<32768x768xf32, #tpu.memory_space<hbm>>
        %dma_wait3A_102 = tpu.memref_slice %arg13[%while3A_68] : memref<2x!tpu.dma_semaphore, #tpu.memory_space<semaphore_mem>> -> memref<1x!tpu.dma_semaphore, #tpu.memory_space<semaphore_mem>>
        %dma_wait3A_103 = tpu.memref_squeeze %dma_wait3A_102 : memref<1x!tpu.dma_semaphore, #tpu.memory_space<semaphore_mem>> -> memref<!tpu.dma_semaphore, #tpu.memory_space<semaphore_mem>>
        tpu.wait_indirect_dma semaphore(%dma_wait3A_103 : memref<!tpu.dma_semaphore, #tpu.memory_space<semaphore_mem>>) src(%dma_wait3A_101 : memref<32768x768xf32, #tpu.memory_space<hbm>>) dst(%arg10 : memref<64x768xf32, #tpu.memory_space<vmem>>)
        %mul3A_104 = arith.constant 64 : i32
        %mul3A_105 = arith.muli %add3A_82, %mul3A_104 : i32
        %add3A_106 = arith.addi %mul3A_2, %mul3A_105 : i32
        "tpu.region"() ({
          %run_scoped3A = tpu.sem_alloc : memref<!tpu.dma_semaphore, #tpu.memory_space<semaphore_mem>>
          %dma_start3A = arith.constant 0 : i32
          %dma_start3A_107 = tpu.memref_slice %arg5[%add3A_106, %dma_start3A] : memref<32768x768xf32, #tpu.memory_space<hbm>> -> memref<64x768xf32, #tpu.memory_space<hbm>>
          %dma_start3A_108 = arith.constant 0 : i32
          %dma_start3A_109 = tpu.memref_slice %arg5[%add3A_106, %dma_start3A_108] : memref<32768x768xf32, #tpu.memory_space<hbm>> -> memref<64x768xf32, #tpu.memory_space<hbm>>
          tpu.enqueue_dma source(%arg10 : memref<64x768xf32, #tpu.memory_space<vmem>>) target(%dma_start3A_109 : memref<64x768xf32, #tpu.memory_space<hbm>>) target_semaphore(%run_scoped3A : memref<!tpu.dma_semaphore, #tpu.memory_space<semaphore_mem>>)
          %dma_wait3A_110 = arith.constant 0 : i32
          %dma_wait3A_111 = tpu.memref_slice %arg5[%add3A_106, %dma_wait3A_110] : memref<32768x768xf32, #tpu.memory_space<hbm>> -> memref<64x768xf32, #tpu.memory_space<hbm>>
          %dma_wait3A_112 = arith.constant 0 : i32
          %dma_wait3A_113 = tpu.memref_slice %arg5[%add3A_106, %dma_wait3A_112] : memref<32768x768xf32, #tpu.memory_space<hbm>> -> memref<64x768xf32, #tpu.memory_space<hbm>>
          tpu.wait_dma2 semaphore(%run_scoped3A : memref<!tpu.dma_semaphore, #tpu.memory_space<semaphore_mem>>) src(%arg10 : memref<64x768xf32, #tpu.memory_space<vmem>>) dst(%dma_wait3A_113 : memref<64x768xf32, #tpu.memory_space<hbm>>)
          tpu.yield
        }) : () -> ()
      } else {
      }
      %mul3A_86 = arith.constant 2 : i32
      %mul3A_87 = arith.muli %mul3A_86, %while3A_78 : i32
      %add3A_88 = arith.constant 1 : i32
      %add3A_89 = arith.addi %mul3A_87, %add3A_88 : i32
      %lt3A_90 = arith.cmpi slt, %add3A_89, %select_n3A : i32
      %convert_element_type3A_91 = arith.extui %lt3A_90 : i1 to i32
      %cond3A_92 = arith.constant 0 : i32
      %cond3A_93 = arith.cmpi ne, %convert_element_type3A_91, %cond3A_92 : i32
      scf.if %cond3A_93 {
        %add3A_94 = arith.constant 1 : i32
        %add3A_95 = arith.addi %add3A_89, %add3A_94 : i32
        %lt3A_96 = arith.cmpi slt, %add3A_95, %select_n3A : i32
        %convert_element_type3A_97 = arith.extui %lt3A_96 : i1 to i32
        %cond3A_98 = arith.constant 0 : i32
        %cond3A_99 = arith.cmpi ne, %convert_element_type3A_97, %cond3A_98 : i32
        scf.if %cond3A_99 {
          %add3A_107 = arith.constant 1 : i32
          %add3A_108 = arith.addi %add3A_89, %add3A_107 : i32
          %scan3A_109 = arith.constant 0 : i32
          %scan3A_110 = arith.constant 0 : i32
          %scan3A_111 = arith.constant 4 : i32
          %scan3A_112 = arith.addi %scan3A_110, %scan3A_111 : i32
          %scan3A_113 = arith.constant 1 : i32
          scf.for %scan3A_119 = %scan3A_110 to %scan3A_112 step %scan3A_113  : i32 {
            %mul3A_120 = arith.constant 64 : i32
            %mul3A_121 = arith.muli %add3A_108, %mul3A_120 : i32
            %mul3A_122 = arith.constant 16 : i32
            %mul3A_123 = arith.muli %scan3A_119, %mul3A_122 : i32
            %add3A_124 = arith.addi %mul3A_121, %mul3A_123 : i32
            %get3A = arith.index_cast %add3A_124 : i32 to index
            %get3A_125 = tpu.vector_load %arg7[%get3A] {strides = array<i32>} : memref<1040xi32, #tpu.memory_space<vmem>>, vector<16xi32>,
            %mul3A_126 = arith.constant 16 : i32
            %mul3A_127 = arith.muli %scan3A_119, %mul3A_126 : i32
            %swap3A_128 = arith.index_cast %mul3A_127 : i32 to index
            %swap3A_129 = tpu.vector_load %arg8[%swap3A_128] {strides = array<i32>} : memref<64xi32, #tpu.memory_space<vmem>>, vector<16xi32>,
            tpu.vector_store %arg8[%swap3A_128], %get3A_125 {strides = array<i32>} : memref<64xi32, #tpu.memory_space<vmem>>, vector<16xi32>,
          }
          %scan3A_114 = arith.constant 4 : i32
          %dma_start3A = arith.constant 0 : i32
          %dma_start3A_115 = arith.constant 0 : i32
          %dma_start3A_116 = tpu.memref_slice %arg3[%dma_start3A, %dma_start3A_115] : memref<32768x768xf32, #tpu.memory_space<hbm>> -> memref<32768x768xf32, #tpu.memory_space<hbm>>
          %dma_start3A_117 = tpu.memref_slice %arg13[%while3A_68] : memref<2x!tpu.dma_semaphore, #tpu.memory_space<semaphore_mem>> -> memref<1x!tpu.dma_semaphore, #tpu.memory_space<semaphore_mem>>
          %dma_start3A_118 = tpu.memref_squeeze %dma_start3A_117 : memref<1x!tpu.dma_semaphore, #tpu.memory_space<semaphore_mem>> -> memref<!tpu.dma_semaphore, #tpu.memory_space<semaphore_mem>>
          tpu.enqueue_indirect_dma source(%dma_start3A_116 : memref<32768x768xf32, #tpu.memory_space<hbm>>) target(%arg10 : memref<64x768xf32, #tpu.memory_space<vmem>>) offsets(%arg8 : memref<64xi32, #tpu.memory_space<vmem>>) semaphore(%dma_start3A_118 : memref<!tpu.dma_semaphore, #tpu.memory_space<semaphore_mem>>)
        } else {
        }
        %dma_wait3A = arith.constant 0 : i32
        %dma_wait3A_100 = arith.constant 0 : i32
        %dma_wait3A_101 = tpu.memref_slice %arg3[%dma_wait3A, %dma_wait3A_100] : memref<32768x768xf32, #tpu.memory_space<hbm>> -> memref<32768x768xf32, #tpu.memory_space<hbm>>
        %dma_wait3A_102 = tpu.memref_slice %arg13[%while3A_67] : memref<2x!tpu.dma_semaphore, #tpu.memory_space<semaphore_mem>> -> memref<1x!tpu.dma_semaphore, #tpu.memory_space<semaphore_mem>>
        %dma_wait3A_103 = tpu.memref_squeeze %dma_wait3A_102 : memref<1x!tpu.dma_semaphore, #tpu.memory_space<semaphore_mem>> -> memref<!tpu.dma_semaphore, #tpu.memory_space<semaphore_mem>>
        tpu.wait_indirect_dma semaphore(%dma_wait3A_103 : memref<!tpu.dma_semaphore, #tpu.memory_space<semaphore_mem>>) src(%dma_wait3A_101 : memref<32768x768xf32, #tpu.memory_space<hbm>>) dst(%arg11 : memref<64x768xf32, #tpu.memory_space<vmem>>)
        %mul3A_104 = arith.constant 64 : i32
        %mul3A_105 = arith.muli %add3A_89, %mul3A_104 : i32
        %add3A_106 = arith.addi %mul3A_2, %mul3A_105 : i32
        "tpu.region"() ({
          %run_scoped3A = tpu.sem_alloc : memref<!tpu.dma_semaphore, #tpu.memory_space<semaphore_mem>>
          %dma_start3A = arith.constant 0 : i32
          %dma_start3A_107 = tpu.memref_slice %arg5[%add3A_106, %dma_start3A] : memref<32768x768xf32, #tpu.memory_space<hbm>> -> memref<64x768xf32, #tpu.memory_space<hbm>>
          %dma_start3A_108 = arith.constant 0 : i32
          %dma_start3A_109 = tpu.memref_slice %arg5[%add3A_106, %dma_start3A_108] : memref<32768x768xf32, #tpu.memory_space<hbm>> -> memref<64x768xf32, #tpu.memory_space<hbm>>
          tpu.enqueue_dma source(%arg11 : memref<64x768xf32, #tpu.memory_space<vmem>>) target(%dma_start3A_109 : memref<64x768xf32, #tpu.memory_space<hbm>>) target_semaphore(%run_scoped3A : memref<!tpu.dma_semaphore, #tpu.memory_space<semaphore_mem>>)
          %dma_wait3A_110 = arith.constant 0 : i32
          %dma_wait3A_111 = tpu.memref_slice %arg5[%add3A_106, %dma_wait3A_110] : memref<32768x768xf32, #tpu.memory_space<hbm>> -> memref<64x768xf32, #tpu.memory_space<hbm>>
          %dma_wait3A_112 = arith.constant 0 : i32
          %dma_wait3A_113 = tpu.memref_slice %arg5[%add3A_106, %dma_wait3A_112] : memref<32768x768xf32, #tpu.memory_space<hbm>> -> memref<64x768xf32, #tpu.memory_space<hbm>>
          tpu.wait_dma2 semaphore(%run_scoped3A : memref<!tpu.dma_semaphore, #tpu.memory_space<semaphore_mem>>) src(%arg11 : memref<64x768xf32, #tpu.memory_space<vmem>>) dst(%dma_wait3A_113 : memref<64x768xf32, #tpu.memory_space<hbm>>)
          tpu.yield
        }) : () -> ()
      } else {
      }
    }
    return
  }
}

module attributes {stable_mosaic.version = 14 : i64} {
  func.func @_tc_body(%arg0: memref<32x16xi32, #tpu.memory_space<smem>>, %arg1: memref<768x192xf32, #tpu.memory_space<vmem>>, %arg2: memref<192xf32, #tpu.memory_space<vmem>>, %arg3: memref<192x8xf32, #tpu.memory_space<vmem>>, %arg4: memref<8xf32, #tpu.memory_space<vmem>>, %arg5: memref<32768x768xf32, #tpu.memory_space<any>>, %arg6: memref<2x32768xf32, #tpu.memory_space<vmem>>, %arg7: memref<256xi32, #tpu.memory_space<smem>>, %arg8: memref<2x128x768xf32, #tpu.memory_space<vmem>>, %arg9: memref<3x128x192xf32, #tpu.memory_space<vmem>>, %arg10: memref<2x!tpu.dma_semaphore, #tpu.memory_space<semaphore_mem>>) attributes {dimension_semantics = [], scalar_prefetch = 0 : i64, scratch_operands = 4 : i64, tpu.core_type = #tpu.core_type<tc>} {
    %scan3A = arith.constant 0 : i32
    %scan3A_0 = arith.constant 0 : i32
    %scan3A_1 = arith.constant 32 : i32
    %scan3A_2 = arith.addi %scan3A_0, %scan3A_1 : i32
    %scan3A_3 = arith.constant 1 : i32
    %scan3A_4 = scf.for %scan3A_34 = %scan3A_0 to %scan3A_2 step %scan3A_3 iter_args(%scan3A_35 = %scan3A) -> (i32)  : i32 {
      %get3A = arith.index_cast %scan3A_34 : i32 to index
      %get3A_36 = arith.constant 0 : index
      %get3A_37 = memref.load %arg0[%get3A, %get3A_36] : memref<32x16xi32, #tpu.memory_space<smem>>
      %add3A_38 = arith.constant 128 : i32
      %add3A_39 = arith.addi %get3A_37, %add3A_38 : i32
      %sub3A_40 = arith.constant 1 : i32
      %sub3A_41 = arith.subi %add3A_39, %sub3A_40 : i32
      %jit3A_42 = arith.constant 128 : i32
      %div3A_43 = arith.divsi %sub3A_41, %jit3A_42 : i32
      %sign3A_44 = arith.constant 0 : i32
      %sign3A_45 = arith.cmpi sgt, %sub3A_41, %sign3A_44 : i32
      %sign3A_46 = arith.extui %sign3A_45 : i1 to i32
      %sign3A_47 = arith.constant 0 : i32
      %sign3A_48 = arith.cmpi slt, %sub3A_41, %sign3A_47 : i32
      %sign3A_49 = arith.extui %sign3A_48 : i1 to i32
      %sign3A_50 = arith.subi %sign3A_46, %sign3A_49 : i32
      %sign3A_51 = arith.constant 0 : i32
      %sign3A_52 = arith.cmpi sgt, %jit3A_42, %sign3A_51 : i32
      %sign3A_53 = arith.extui %sign3A_52 : i1 to i32
      %sign3A_54 = arith.constant 0 : i32
      %sign3A_55 = arith.cmpi slt, %jit3A_42, %sign3A_54 : i32
      %sign3A_56 = arith.extui %sign3A_55 : i1 to i32
      %sign3A_57 = arith.subi %sign3A_53, %sign3A_56 : i32
      %ne3A_58 = arith.cmpi ne, %sign3A_50, %sign3A_57 : i32
      %rem3A_59 = arith.remsi %sub3A_41, %jit3A_42 : i32
      %ne3A_60 = arith.constant 0 : i32
      %ne3A_61 = arith.cmpi ne, %rem3A_59, %ne3A_60 : i32
      %and3A_62 = arith.andi %ne3A_58, %ne3A_61 : i1
      %sub3A_63 = arith.constant 1 : i32
      %sub3A_64 = arith.subi %div3A_43, %sub3A_63 : i32
      %select_n3A_65 = arith.select %and3A_62, %sub3A_64, %div3A_43 : i32
      %while3A_66 = arith.constant 0 : i32
      %while3A_67 = arith.subi %select_n3A_65, %while3A_66 : i32
      %while3A_68 = arith.addi %while3A_66, %while3A_67 : i32
      %while3A_69 = arith.constant 1 : i32
      %while3A_70 = arith.divsi %while3A_67, %while3A_69 : i32
      %while3A_71 = arith.muli %while3A_70, %while3A_69 : i32
      %while3A_72 = arith.addi %while3A_66, %while3A_71 : i32
      %while3A_73 = arith.constant 1 : i32
      %while3A_74 = scf.for %while3A_77 = %while3A_66 to %while3A_72 step %while3A_73 iter_args(%while3A_78 = %scan3A_35) -> (i32)  : i32 {
        %mul3A = arith.constant 1024 : i32
        %mul3A_79 = arith.muli %scan3A_34, %mul3A : i32
        %mul3A_80 = arith.constant 128 : i32
        %mul3A_81 = arith.muli %while3A_77, %mul3A_80 : i32
        %add3A_82 = arith.addi %mul3A_79, %mul3A_81 : i32
        %swap3A = arith.index_cast %while3A_78 : i32 to index
        %swap3A_83 = memref.load %arg7[%swap3A] : memref<256xi32, #tpu.memory_space<smem>>
        memref.store %add3A_82, %arg7[%swap3A] : memref<256xi32, #tpu.memory_space<smem>>
        %add3A_84 = arith.constant 1 : i32
        %add3A_85 = arith.addi %while3A_78, %add3A_84 : i32
        scf.yield %add3A_85 : i32
      }
      %while3A_75 = arith.constant 1 : i32
      %while3A_76 = scf.for %while3A_77 = %while3A_72 to %while3A_68 step %while3A_75 iter_args(%while3A_78 = %while3A_74) -> (i32)  : i32 {
        %mul3A = arith.constant 1024 : i32
        %mul3A_79 = arith.muli %scan3A_34, %mul3A : i32
        %mul3A_80 = arith.constant 128 : i32
        %mul3A_81 = arith.muli %while3A_77, %mul3A_80 : i32
        %add3A_82 = arith.addi %mul3A_79, %mul3A_81 : i32
        %swap3A = arith.index_cast %while3A_78 : i32 to index
        %swap3A_83 = memref.load %arg7[%swap3A] : memref<256xi32, #tpu.memory_space<smem>>
        memref.store %add3A_82, %arg7[%swap3A] : memref<256xi32, #tpu.memory_space<smem>>
        %add3A_84 = arith.constant 1 : i32
        %add3A_85 = arith.addi %while3A_78, %add3A_84 : i32
        scf.yield %add3A_85 : i32
      }
      scf.yield %while3A_76 : i32
    }
    %scan3A_5 = arith.constant 32 : i32
    %gt3A = arith.constant 0 : i32
    %gt3A_6 = arith.cmpi sgt, %scan3A_4, %gt3A : i32
    %convert_element_type3A = arith.extui %gt3A_6 : i1 to i32
    %cond3A = arith.constant 0 : i32
    %cond3A_7 = arith.cmpi ne, %convert_element_type3A, %cond3A : i32
    scf.if %cond3A_7 {
      %get3A = arith.constant 0 : index
      %get3A_34 = memref.load %arg7[%get3A] : memref<256xi32, #tpu.memory_space<smem>>
      %multiple_of3A = tpu.assume_multiple %get3A_34, 128 : i32
      %dma_start3A = arith.constant 0 : i32
      %dma_start3A_35 = arith.constant 0 : i32
      %dma_start3A_36 = tpu.memref_slice %arg10[%dma_start3A_35] : memref<2x!tpu.dma_semaphore, #tpu.memory_space<semaphore_mem>> -> memref<1x!tpu.dma_semaphore, #tpu.memory_space<semaphore_mem>>
      %dma_start3A_37 = tpu.memref_squeeze %dma_start3A_36 : memref<1x!tpu.dma_semaphore, #tpu.memory_space<semaphore_mem>> -> memref<!tpu.dma_semaphore, #tpu.memory_space<semaphore_mem>>
      %dma_start3A_38 = arith.constant 0 : i32
      %dma_start3A_39 = arith.constant 0 : i32
      %dma_start3A_40 = tpu.memref_slice %arg8[%dma_start3A, %dma_start3A_38, %dma_start3A_39] : memref<2x128x768xf32, #tpu.memory_space<vmem>> -> memref<1x128x768xf32, #tpu.memory_space<vmem>>
      %dma_start3A_41 = tpu.memref_squeeze %dma_start3A_40 : memref<1x128x768xf32, #tpu.memory_space<vmem>> -> memref<128x768xf32, #tpu.memory_space<vmem>>
      %dma_start3A_42 = arith.constant 0 : i32
      %dma_start3A_43 = tpu.memref_slice %arg5[%multiple_of3A, %dma_start3A_42] : memref<32768x768xf32, #tpu.memory_space<any>> -> memref<128x768xf32, #tpu.memory_space<any>>
      tpu.enqueue_dma source(%dma_start3A_43 : memref<128x768xf32, #tpu.memory_space<any>>) target(%dma_start3A_41 : memref<128x768xf32, #tpu.memory_space<vmem>>) target_semaphore(%dma_start3A_37 : memref<!tpu.dma_semaphore, #tpu.memory_space<semaphore_mem>>)
    } else {
    }
    %iota3A = tpu.iota {dimensions = array<i32: 0>} : vector<8x128xi32>
    %add3A = arith.constant 1 : i32
    %add3A_8 = arith.addi %scan3A_4, %add3A : i32
    %jit3A = arith.constant 2 : i32
    %div3A = arith.divsi %add3A_8, %jit3A : i32
    %sign3A = arith.constant 0 : i32
    %sign3A_9 = arith.cmpi sgt, %add3A_8, %sign3A : i32
    %sign3A_10 = arith.extui %sign3A_9 : i1 to i32
    %sign3A_11 = arith.constant 0 : i32
    %sign3A_12 = arith.cmpi slt, %add3A_8, %sign3A_11 : i32
    %sign3A_13 = arith.extui %sign3A_12 : i1 to i32
    %sign3A_14 = arith.subi %sign3A_10, %sign3A_13 : i32
    %sign3A_15 = arith.constant 0 : i32
    %sign3A_16 = arith.cmpi sgt, %jit3A, %sign3A_15 : i32
    %sign3A_17 = arith.extui %sign3A_16 : i1 to i32
    %sign3A_18 = arith.constant 0 : i32
    %sign3A_19 = arith.cmpi slt, %jit3A, %sign3A_18 : i32
    %sign3A_20 = arith.extui %sign3A_19 : i1 to i32
    %sign3A_21 = arith.subi %sign3A_17, %sign3A_20 : i32
    %ne3A = arith.cmpi ne, %sign3A_14, %sign3A_21 : i32
    %rem3A = arith.remsi %add3A_8, %jit3A : i32
    %ne3A_22 = arith.constant 0 : i32
    %ne3A_23 = arith.cmpi ne, %rem3A, %ne3A_22 : i32
    %and3A = arith.andi %ne3A, %ne3A_23 : i1
    %sub3A = arith.constant 1 : i32
    %sub3A_24 = arith.subi %div3A, %sub3A : i32
    %select_n3A = arith.select %and3A, %sub3A_24, %div3A : i32
    %while3A = arith.constant 0 : i32
    %while3A_25 = arith.constant 0 : i32
    %while3A_26 = arith.subi %select_n3A, %while3A_25 : i32
    %while3A_27 = arith.addi %while3A_25, %while3A_26 : i32
    %while3A_28 = arith.constant 1 : i32
    %while3A_29 = arith.divsi %while3A_26, %while3A_28 : i32
    %while3A_30 = arith.muli %while3A_29, %while3A_28 : i32
    %while3A_31 = arith.addi %while3A_25, %while3A_30 : i32
    %while3A_32 = arith.constant 1 : i32
    scf.for %while3A_34 = %while3A_25 to %while3A_31 step %while3A_32  : i32 {
      %mul3A = arith.constant 2 : i32
      %mul3A_35 = arith.muli %mul3A, %while3A_34 : i32
      %add3A_36 = arith.constant 0 : i32
      %add3A_37 = arith.addi %mul3A_35, %add3A_36 : i32
      %lt3A = arith.cmpi slt, %add3A_37, %scan3A_4 : i32
      %convert_element_type3A_38 = arith.extui %lt3A : i1 to i32
      %cond3A_39 = arith.constant 0 : i32
      %cond3A_40 = arith.cmpi ne, %convert_element_type3A_38, %cond3A_39 : i32
      scf.if %cond3A_40 {
        %get3A = arith.index_cast %add3A_37 : i32 to index
        %get3A_49 = memref.load %arg7[%get3A] : memref<256xi32, #tpu.memory_space<smem>>
        %multiple_of3A = tpu.assume_multiple %get3A_49, 128 : i32
        %dma_wait3A = arith.constant 0 : i32
        %dma_wait3A_50 = arith.constant 0 : i32
        %dma_wait3A_51 = tpu.memref_slice %arg10[%dma_wait3A_50] : memref<2x!tpu.dma_semaphore, #tpu.memory_space<semaphore_mem>> -> memref<1x!tpu.dma_semaphore, #tpu.memory_space<semaphore_mem>>
        %dma_wait3A_52 = tpu.memref_squeeze %dma_wait3A_51 : memref<1x!tpu.dma_semaphore, #tpu.memory_space<semaphore_mem>> -> memref<!tpu.dma_semaphore, #tpu.memory_space<semaphore_mem>>
        %dma_wait3A_53 = arith.constant 0 : i32
        %dma_wait3A_54 = arith.constant 0 : i32
        %dma_wait3A_55 = tpu.memref_slice %arg8[%dma_wait3A, %dma_wait3A_53, %dma_wait3A_54] : memref<2x128x768xf32, #tpu.memory_space<vmem>> -> memref<1x128x768xf32, #tpu.memory_space<vmem>>
        %dma_wait3A_56 = tpu.memref_squeeze %dma_wait3A_55 : memref<1x128x768xf32, #tpu.memory_space<vmem>> -> memref<128x768xf32, #tpu.memory_space<vmem>>
        %dma_wait3A_57 = arith.constant 0 : i32
        %dma_wait3A_58 = tpu.memref_slice %arg5[%multiple_of3A, %dma_wait3A_57] : memref<32768x768xf32, #tpu.memory_space<any>> -> memref<128x768xf32, #tpu.memory_space<any>>
        tpu.wait_dma2 semaphore(%dma_wait3A_52 : memref<!tpu.dma_semaphore, #tpu.memory_space<semaphore_mem>>) src(%dma_wait3A_58 : memref<128x768xf32, #tpu.memory_space<any>>) dst(%dma_wait3A_56 : memref<128x768xf32, #tpu.memory_space<vmem>>)
        %add3A_59 = arith.constant 1 : i32
        %add3A_60 = arith.addi %add3A_37, %add3A_59 : i32
        %lt3A_61 = arith.cmpi slt, %add3A_60, %scan3A_4 : i32
        %convert_element_type3A_62 = arith.extui %lt3A_61 : i1 to i32
        %cond3A_63 = arith.constant 0 : i32
        %cond3A_64 = arith.cmpi ne, %convert_element_type3A_62, %cond3A_63 : i32
        scf.if %cond3A_64 {
          %add3A_298 = arith.constant 1 : i32
          %add3A_299 = arith.addi %add3A_37, %add3A_298 : i32
          %get3A_300 = arith.index_cast %add3A_299 : i32 to index
          %get3A_301 = memref.load %arg7[%get3A_300] : memref<256xi32, #tpu.memory_space<smem>>
          %multiple_of3A_302 = tpu.assume_multiple %get3A_301, 128 : i32
          %dma_start3A = arith.constant 1 : i32
          %dma_start3A_303 = arith.constant 1 : i32
          %dma_start3A_304 = tpu.memref_slice %arg10[%dma_start3A_303] : memref<2x!tpu.dma_semaphore, #tpu.memory_space<semaphore_mem>> -> memref<1x!tpu.dma_semaphore, #tpu.memory_space<semaphore_mem>>
          %dma_start3A_305 = tpu.memref_squeeze %dma_start3A_304 : memref<1x!tpu.dma_semaphore, #tpu.memory_space<semaphore_mem>> -> memref<!tpu.dma_semaphore, #tpu.memory_space<semaphore_mem>>
          %dma_start3A_306 = arith.constant 0 : i32
          %dma_start3A_307 = arith.constant 0 : i32
          %dma_start3A_308 = tpu.memref_slice %arg8[%dma_start3A, %dma_start3A_306, %dma_start3A_307] : memref<2x128x768xf32, #tpu.memory_space<vmem>> -> memref<1x128x768xf32, #tpu.memory_space<vmem>>
          %dma_start3A_309 = tpu.memref_squeeze %dma_start3A_308 : memref<1x128x768xf32, #tpu.memory_space<vmem>> -> memref<128x768xf32, #tpu.memory_space<vmem>>
          %dma_start3A_310 = arith.constant 0 : i32
          %dma_start3A_311 = tpu.memref_slice %arg5[%multiple_of3A_302, %dma_start3A_310] : memref<32768x768xf32, #tpu.memory_space<any>> -> memref<128x768xf32, #tpu.memory_space<any>>
          tpu.enqueue_dma source(%dma_start3A_311 : memref<128x768xf32, #tpu.memory_space<any>>) target(%dma_start3A_309 : memref<128x768xf32, #tpu.memory_space<vmem>>) target_semaphore(%dma_start3A_305 : memref<!tpu.dma_semaphore, #tpu.memory_space<semaphore_mem>>)
        } else {
        }
        %get3A_65 = arith.constant 0 : index
        %get3A_66 = arith.constant 0 : index
        %get3A_67 = arith.constant 0 : index
        %get3A_68 = vector.load %arg8[%get3A_65, %get3A_66, %get3A_67] : memref<2x128x768xf32, #tpu.memory_space<vmem>>, vector<1x128x768xf32>
        %get3A_69 = vector.shape_cast %get3A_68 : vector<1x128x768xf32> to vector<128x768xf32>
        %get3A_70 = arith.constant 0 : index
        %get3A_71 = arith.constant 0 : index
        %get3A_72 = vector.load %arg1[%get3A_70, %get3A_71] : memref<768x192xf32, #tpu.memory_space<vmem>>, vector<768x192xf32>
        %slice3A = vector.extract_strided_slice %get3A_69 {offsets = [0, 0], sizes = [128, 256], strides = [1, 1]} : vector<128x768xf32> to vector<128x256xf32>
        %slice3A_73 = vector.extract_strided_slice %get3A_72 {offsets = [0, 0], sizes = [256, 192], strides = [1, 1]} : vector<768x192xf32> to vector<256x192xf32>
        %dot_general3A = arith.constant dense<0.000000e+00> : vector<128x192xf32>
        %dot_general3A_74 = tpu.matmul %slice3A, %slice3A_73, %dot_general3A {dimension_numbers = #tpu.dot_dimension_numbers<[1], [0], [0], [1], [0, 0, 1, 1], [], []>, transpose_lhs_hint = false} : vector<128x256xf32>, vector<256x192xf32>, vector<128x192xf32> -> vector<128x192xf32>
        %swap3A = arith.constant 0 : index
        %swap3A_75 = arith.constant 0 : index
        %swap3A_76 = arith.constant 0 : index
        %swap3A_77 = vector.load %arg9[%swap3A, %swap3A_75, %swap3A_76] : memref<3x128x192xf32, #tpu.memory_space<vmem>>, vector<1x128x192xf32>
        %swap3A_78 = vector.shape_cast %swap3A_77 : vector<1x128x192xf32> to vector<128x192xf32>
        %swap3A_79 = vector.shape_cast %dot_general3A_74 : vector<128x192xf32> to vector<1x128x192xf32>
        tpu.vector_store %arg9[%swap3A, %swap3A_75, %swap3A_76], %swap3A_79 {strides = array<i32>} : memref<3x128x192xf32, #tpu.memory_space<vmem>>, vector<1x128x192xf32>,
        %slice3A_80 = vector.extract_strided_slice %get3A_69 {offsets = [0, 256], sizes = [128, 256], strides = [1, 1]} : vector<128x768xf32> to vector<128x256xf32>
        %slice3A_81 = vector.extract_strided_slice %get3A_72 {offsets = [256, 0], sizes = [256, 192], strides = [1, 1]} : vector<768x192xf32> to vector<256x192xf32>
        %dot_general3A_82 = arith.constant dense<0.000000e+00> : vector<128x192xf32>
        %dot_general3A_83 = tpu.matmul %slice3A_80, %slice3A_81, %dot_general3A_82 {dimension_numbers = #tpu.dot_dimension_numbers<[1], [0], [0], [1], [0, 0, 1, 1], [], []>, transpose_lhs_hint = false} : vector<128x256xf32>, vector<256x192xf32>, vector<128x192xf32> -> vector<128x192xf32>
        %swap3A_84 = arith.constant 1 : index
        %swap3A_85 = arith.constant 0 : index
        %swap3A_86 = arith.constant 0 : index
        %swap3A_87 = vector.load %arg9[%swap3A_84, %swap3A_85, %swap3A_86] : memref<3x128x192xf32, #tpu.memory_space<vmem>>, vector<1x128x192xf32>
        %swap3A_88 = vector.shape_cast %swap3A_87 : vector<1x128x192xf32> to vector<128x192xf32>
        %swap3A_89 = vector.shape_cast %dot_general3A_83 : vector<128x192xf32> to vector<1x128x192xf32>
        tpu.vector_store %arg9[%swap3A_84, %swap3A_85, %swap3A_86], %swap3A_89 {strides = array<i32>} : memref<3x128x192xf32, #tpu.memory_space<vmem>>, vector<1x128x192xf32>,
        %slice3A_90 = vector.extract_strided_slice %get3A_69 {offsets = [0, 512], sizes = [128, 256], strides = [1, 1]} : vector<128x768xf32> to vector<128x256xf32>
        %slice3A_91 = vector.extract_strided_slice %get3A_72 {offsets = [512, 0], sizes = [256, 192], strides = [1, 1]} : vector<768x192xf32> to vector<256x192xf32>
        %dot_general3A_92 = arith.constant dense<0.000000e+00> : vector<128x192xf32>
        %dot_general3A_93 = tpu.matmul %slice3A_90, %slice3A_91, %dot_general3A_92 {dimension_numbers = #tpu.dot_dimension_numbers<[1], [0], [0], [1], [0, 0, 1, 1], [], []>, transpose_lhs_hint = false} : vector<128x256xf32>, vector<256x192xf32>, vector<128x192xf32> -> vector<128x192xf32>
        %swap3A_94 = arith.constant 2 : index
        %swap3A_95 = arith.constant 0 : index
        %swap3A_96 = arith.constant 0 : index
        %swap3A_97 = vector.load %arg9[%swap3A_94, %swap3A_95, %swap3A_96] : memref<3x128x192xf32, #tpu.memory_space<vmem>>, vector<1x128x192xf32>
        %swap3A_98 = vector.shape_cast %swap3A_97 : vector<1x128x192xf32> to vector<128x192xf32>
        %swap3A_99 = vector.shape_cast %dot_general3A_93 : vector<128x192xf32> to vector<1x128x192xf32>
        tpu.vector_store %arg9[%swap3A_94, %swap3A_95, %swap3A_96], %swap3A_99 {strides = array<i32>} : memref<3x128x192xf32, #tpu.memory_space<vmem>>, vector<1x128x192xf32>,
        %get3A_100 = arith.constant 0 : index
        %get3A_101 = arith.constant 0 : index
        %get3A_102 = arith.constant 0 : index
        %get3A_103 = vector.load %arg9[%get3A_100, %get3A_101, %get3A_102] : memref<3x128x192xf32, #tpu.memory_space<vmem>>, vector<1x128x192xf32>
        %get3A_104 = vector.shape_cast %get3A_103 : vector<1x128x192xf32> to vector<128x192xf32>
        %get3A_105 = arith.constant 1 : index
        %get3A_106 = arith.constant 0 : index
        %get3A_107 = arith.constant 0 : index
        %get3A_108 = vector.load %arg9[%get3A_105, %get3A_106, %get3A_107] : memref<3x128x192xf32, #tpu.memory_space<vmem>>, vector<1x128x192xf32>
        %get3A_109 = vector.shape_cast %get3A_108 : vector<1x128x192xf32> to vector<128x192xf32>
        %add3A_110 = arith.addf %get3A_104, %get3A_109 : vector<128x192xf32>
        %get3A_111 = arith.constant 2 : index
        %get3A_112 = arith.constant 0 : index
        %get3A_113 = arith.constant 0 : index
        %get3A_114 = vector.load %arg9[%get3A_111, %get3A_112, %get3A_113] : memref<3x128x192xf32, #tpu.memory_space<vmem>>, vector<1x128x192xf32>
        %get3A_115 = vector.shape_cast %get3A_114 : vector<1x128x192xf32> to vector<128x192xf32>
        %add3A_116 = arith.addf %add3A_110, %get3A_115 : vector<128x192xf32>
        %get3A_117 = arith.constant 0 : index
        %get3A_118 = vector.load %arg2[%get3A_117] : memref<192xf32, #tpu.memory_space<vmem>>, vector<192xf32>
        %broadcast_in_dim3A = vector.shape_cast %get3A_118 : vector<192xf32> to vector<1x192xf32>
        %add3A_119 = vector.broadcast %broadcast_in_dim3A : vector<1x192xf32> to vector<128x192xf32>
        %add3A_120 = arith.addf %add3A_116, %add3A_119 : vector<128x192xf32>
        %mul3A_121 = arith.constant 5.000000e-01 : f32
        %mul3A_122 = vector.broadcast %mul3A_121 : f32 to vector<128x192xf32>
        %mul3A_123 = arith.mulf %mul3A_122, %add3A_120 : vector<128x192xf32>
        %neg3A = arith.constant 0.000000e+00 : f32
        %neg3A_124 = vector.broadcast %neg3A : f32 to vector<128x192xf32>
        %neg3A_125 = arith.subf %neg3A_124, %add3A_120 : vector<128x192xf32>
        %mul3A_126 = arith.constant 0.707106769 : f32
        %mul3A_127 = vector.broadcast %mul3A_126 : f32 to vector<128x192xf32>
        %mul3A_128 = arith.mulf %neg3A_125, %mul3A_127 : vector<128x192xf32>
        %abs3A = math.absf %mul3A_128 : vector<128x192xf32>
        %mul3A_129 = arith.mulf %mul3A_128, %mul3A_128 : vector<128x192xf32>
        %mul3A_130 = arith.constant 7.85386146E-5 : f32
        %mul3A_131 = vector.broadcast %mul3A_130 : f32 to vector<128x192xf32>
        %mul3A_132 = arith.mulf %mul3A_129, %mul3A_131 : vector<128x192xf32>
        %add3A_133 = arith.constant -8.0101937E-4 : f32
        %add3A_134 = vector.broadcast %add3A_133 : f32 to vector<128x192xf32>
        %add3A_135 = arith.addf %mul3A_132, %add3A_134 : vector<128x192xf32>
        %mul3A_136 = arith.mulf %add3A_135, %mul3A_129 : vector<128x192xf32>
        %add3A_137 = arith.constant 0.00518832775 : f32
        %add3A_138 = vector.broadcast %add3A_137 : f32 to vector<128x192xf32>
        %add3A_139 = arith.addf %mul3A_136, %add3A_138 : vector<128x192xf32>
        %mul3A_140 = arith.mulf %add3A_139, %mul3A_129 : vector<128x192xf32>
        %add3A_141 = arith.constant -0.0268538129 : f32
        %add3A_142 = vector.broadcast %add3A_141 : f32 to vector<128x192xf32>
        %add3A_143 = arith.addf %mul3A_140, %add3A_142 : vector<128x192xf32>
        %mul3A_144 = arith.mulf %add3A_143, %mul3A_129 : vector<128x192xf32>
        %add3A_145 = arith.constant 0.112835854 : f32
        %add3A_146 = vector.broadcast %add3A_145 : f32 to vector<128x192xf32>
        %add3A_147 = arith.addf %mul3A_144, %add3A_146 : vector<128x192xf32>
        %mul3A_148 = arith.mulf %add3A_147, %mul3A_129 : vector<128x192xf32>
        %add3A_149 = arith.constant -0.37612626 : f32
        %add3A_150 = vector.broadcast %add3A_149 : f32 to vector<128x192xf32>
        %add3A_151 = arith.addf %mul3A_148, %add3A_150 : vector<128x192xf32>
        %mul3A_152 = arith.mulf %add3A_151, %mul3A_129 : vector<128x192xf32>
        %add3A_153 = arith.constant 1.12837911 : f32
        %add3A_154 = vector.broadcast %add3A_153 : f32 to vector<128x192xf32>
        %add3A_155 = arith.addf %mul3A_152, %add3A_154 : vector<128x192xf32>
        %mul3A_156 = arith.mulf %mul3A_128, %add3A_155 : vector<128x192xf32>
        %sub3A_157 = arith.constant 1.000000e+00 : f32
        %sub3A_158 = vector.broadcast %sub3A_157 : f32 to vector<128x192xf32>
        %sub3A_159 = arith.subf %sub3A_158, %mul3A_156 : vector<128x192xf32>
        %neg3A_160 = arith.constant 0.000000e+00 : f32
        %neg3A_161 = vector.broadcast %neg3A_160 : f32 to vector<128x192xf32>
        %neg3A_162 = arith.subf %neg3A_161, %mul3A_129 : vector<128x192xf32>
        %exp3A = math.exp %neg3A_162 : vector<128x192xf32>
        %div3A_163 = arith.constant 1.000000e+00 : f32
        %div3A_164 = vector.broadcast %div3A_163 : f32 to vector<128x192xf32>
        %div3A_165 = arith.divf %div3A_164, %abs3A : vector<128x192xf32>
        %mul3A_166 = arith.mulf %exp3A, %div3A_165 : vector<128x192xf32>
        %div3A_167 = arith.constant 1.000000e+00 : f32
        %div3A_168 = vector.broadcast %div3A_167 : f32 to vector<128x192xf32>
        %div3A_169 = arith.divf %div3A_168, %mul3A_129 : vector<128x192xf32>
        %mul3A_170 = arith.constant 2.326820e-02 : f32
        %mul3A_171 = vector.broadcast %mul3A_170 : f32 to vector<128x192xf32>
        %mul3A_172 = arith.mulf %div3A_169, %mul3A_171 : vector<128x192xf32>
        %add3A_173 = arith.constant -0.138703942 : f32
        %add3A_174 = vector.broadcast %add3A_173 : f32 to vector<128x192xf32>
        %add3A_175 = arith.addf %mul3A_172, %add3A_174 : vector<128x192xf32>
        %mul3A_176 = arith.mulf %add3A_175, %div3A_169 : vector<128x192xf32>
        %add3A_177 = arith.constant 0.368742466 : f32
        %add3A_178 = vector.broadcast %add3A_177 : f32 to vector<128x192xf32>
        %add3A_179 = arith.addf %mul3A_176, %add3A_178 : vector<128x192xf32>
        %mul3A_180 = arith.mulf %add3A_179, %div3A_169 : vector<128x192xf32>
        %add3A_181 = arith.constant -0.582473278 : f32
        %add3A_182 = vector.broadcast %add3A_181 : f32 to vector<128x192xf32>
        %add3A_183 = arith.addf %mul3A_180, %add3A_182 : vector<128x192xf32>
        %mul3A_184 = arith.mulf %add3A_183, %div3A_169 : vector<128x192xf32>
        %add3A_185 = arith.constant 0.621000468 : f32
        %add3A_186 = vector.broadcast %add3A_185 : f32 to vector<128x192xf32>
        %add3A_187 = arith.addf %mul3A_184, %add3A_186 : vector<128x192xf32>
        %mul3A_188 = arith.mulf %add3A_187, %div3A_169 : vector<128x192xf32>
        %add3A_189 = arith.constant -0.494451523 : f32
        %add3A_190 = vector.broadcast %add3A_189 : f32 to vector<128x192xf32>
        %add3A_191 = arith.addf %mul3A_188, %add3A_190 : vector<128x192xf32>
        %mul3A_192 = arith.mulf %add3A_191, %div3A_169 : vector<128x192xf32>
        %add3A_193 = arith.constant 3.404880e-01 : f32
        %add3A_194 = vector.broadcast %add3A_193 : f32 to vector<128x192xf32>
        %add3A_195 = arith.addf %mul3A_192, %add3A_194 : vector<128x192xf32>
        %mul3A_196 = arith.mulf %add3A_195, %div3A_169 : vector<128x192xf32>
        %add3A_197 = arith.constant -0.274112701 : f32
        %add3A_198 = vector.broadcast %add3A_197 : f32 to vector<128x192xf32>
        %add3A_199 = arith.addf %mul3A_196, %add3A_198 : vector<128x192xf32>
        %mul3A_200 = arith.mulf %add3A_199, %div3A_169 : vector<128x192xf32>
        %add3A_201 = arith.constant 0.563825965 : f32
        %add3A_202 = vector.broadcast %add3A_201 : f32 to vector<128x192xf32>
        %add3A_203 = arith.addf %mul3A_200, %add3A_202 : vector<128x192xf32>
        %mul3A_204 = arith.constant -10.477664 : f32
        %mul3A_205 = vector.broadcast %mul3A_204 : f32 to vector<128x192xf32>
        %mul3A_206 = arith.mulf %div3A_169, %mul3A_205 : vector<128x192xf32>
        %add3A_207 = arith.constant 1.297720e+01 : f32
        %add3A_208 = vector.broadcast %add3A_207 : f32 to vector<128x192xf32>
        %add3A_209 = arith.addf %mul3A_206, %add3A_208 : vector<128x192xf32>
        %mul3A_210 = arith.mulf %add3A_209, %div3A_169 : vector<128x192xf32>
        %add3A_211 = arith.constant -7.49551868 : f32
        %add3A_212 = vector.broadcast %add3A_211 : f32 to vector<128x192xf32>
        %add3A_213 = arith.addf %mul3A_210, %add3A_212 : vector<128x192xf32>
        %mul3A_214 = arith.mulf %add3A_213, %div3A_169 : vector<128x192xf32>
        %add3A_215 = arith.constant 2.92101908 : f32
        %add3A_216 = vector.broadcast %add3A_215 : f32 to vector<128x192xf32>
        %add3A_217 = arith.addf %mul3A_214, %add3A_216 : vector<128x192xf32>
        %mul3A_218 = arith.mulf %add3A_217, %div3A_169 : vector<128x192xf32>
        %add3A_219 = arith.constant -1.01526523 : f32
        %add3A_220 = vector.broadcast %add3A_219 : f32 to vector<128x192xf32>
        %add3A_221 = arith.addf %mul3A_218, %add3A_220 : vector<128x192xf32>
        %mul3A_222 = arith.mulf %add3A_221, %div3A_169 : vector<128x192xf32>
        %add3A_223 = arith.constant 0.42184633 : f32
        %add3A_224 = vector.broadcast %add3A_223 : f32 to vector<128x192xf32>
        %add3A_225 = arith.addf %mul3A_222, %add3A_224 : vector<128x192xf32>
        %mul3A_226 = arith.mulf %add3A_225, %div3A_169 : vector<128x192xf32>
        %add3A_227 = arith.constant -0.282076746 : f32
        %add3A_228 = vector.broadcast %add3A_227 : f32 to vector<128x192xf32>
        %add3A_229 = arith.addf %mul3A_226, %add3A_228 : vector<128x192xf32>
        %mul3A_230 = arith.mulf %add3A_229, %div3A_169 : vector<128x192xf32>
        %add3A_231 = arith.constant 0.564189494 : f32
        %add3A_232 = vector.broadcast %add3A_231 : f32 to vector<128x192xf32>
        %add3A_233 = arith.addf %mul3A_230, %add3A_232 : vector<128x192xf32>
        %lt3A_234 = arith.constant 2.000000e+00 : f32
        %lt3A_235 = vector.broadcast %lt3A_234 : f32 to vector<128x192xf32>
        %lt3A_236 = arith.cmpf olt, %abs3A, %lt3A_235 : vector<128x192xf32>
        %select_n3A_237 = arith.select %lt3A_236, %add3A_203, %add3A_233 : vector<128x192xi1>, vector<128x192xf32>
        %mul3A_238 = arith.mulf %mul3A_166, %select_n3A_237 : vector<128x192xf32>
        %lt3A_239 = arith.constant -88.7228394 : f32
        %lt3A_240 = vector.broadcast %lt3A_239 : f32 to vector<128x192xf32>
        %lt3A_241 = arith.cmpf olt, %neg3A_162, %lt3A_240 : vector<128x192xf32>
        %jit3A_242 = arith.constant 0.000000e+00 : f32
        %broadcast_in_dim3A_243 = vector.broadcast %jit3A_242 : f32 to vector<128x192xf32>
        %select_n3A_244 = arith.select %lt3A_241, %broadcast_in_dim3A_243, %mul3A_238 : vector<128x192xi1>, vector<128x192xf32>
        %lt3A_245 = arith.constant 0.000000e+00 : f32
        %lt3A_246 = vector.broadcast %lt3A_245 : f32 to vector<128x192xf32>
        %lt3A_247 = arith.cmpf olt, %mul3A_128, %lt3A_246 : vector<128x192xf32>
        %sub3A_248 = arith.constant 2.000000e+00 : f32
        %sub3A_249 = vector.broadcast %sub3A_248 : f32 to vector<128x192xf32>
        %sub3A_250 = arith.subf %sub3A_249, %select_n3A_244 : vector<128x192xf32>
        %select_n3A_251 = arith.select %lt3A_247, %sub3A_250, %select_n3A_244 : vector<128x192xi1>, vector<128x192xf32>
        %lt3A_252 = arith.constant 1.000000e+00 : f32
        %lt3A_253 = vector.broadcast %lt3A_252 : f32 to vector<128x192xf32>
        %lt3A_254 = arith.cmpf olt, %abs3A, %lt3A_253 : vector<128x192xf32>
        %select_n3A_255 = arith.select %lt3A_254, %sub3A_159, %select_n3A_251 : vector<128x192xi1>, vector<128x192xf32>
        %mul3A_256 = arith.mulf %mul3A_123, %select_n3A_255 : vector<128x192xf32>
        %get3A_257 = arith.constant 0 : index
        %get3A_258 = arith.constant 0 : index
        %get3A_259 = vector.load %arg3[%get3A_257, %get3A_258] : memref<192x8xf32, #tpu.memory_space<vmem>>, vector<192x8xf32>
        %dot_general3A_260 = arith.constant dense<0.000000e+00> : vector<128x8xf32>
        %dot_general3A_261 = tpu.matmul %mul3A_256, %get3A_259, %dot_general3A_260 {dimension_numbers = #tpu.dot_dimension_numbers<[1], [0], [0], [1], [0, 0, 1, 1], [], []>, transpose_lhs_hint = false} : vector<128x192xf32>, vector<192x8xf32>, vector<128x8xf32> -> vector<128x8xf32>
        %get3A_262 = arith.constant 0 : index
        %get3A_263 = vector.load %arg4[%get3A_262] : memref<8xf32, #tpu.memory_space<vmem>>, vector<8xf32>
        %broadcast_in_dim3A_264 = vector.shape_cast %get3A_263 : vector<8xf32> to vector<1x8xf32>
        %add3A_265 = vector.broadcast %broadcast_in_dim3A_264 : vector<1x8xf32> to vector<128x8xf32>
        %add3A_266 = arith.addf %dot_general3A_261, %add3A_265 : vector<128x8xf32>
        %mul3A_267 = arith.constant 1.000000e-01 : f32
        %mul3A_268 = vector.broadcast %mul3A_267 : f32 to vector<128x8xf32>
        %mul3A_269 = arith.mulf %add3A_266, %mul3A_268 : vector<128x8xf32>
        %transpose3A = tpu.transpose %mul3A_269, [1, 0] : vector<128x8xf32> -> vector<8x128xf32>
        %reduce_max3A = arith.constant dense<0xFF800000> : vector<128xf32>
        %reduce_max3A_270 = vector.multi_reduction <maximumf>, %transpose3A, %reduce_max3A [0] : vector<8x128xf32> to vector<128xf32>
        %broadcast_in_dim3A_271 = vector.shape_cast %reduce_max3A_270 : vector<128xf32> to vector<1x128xf32>
        %sub3A_272 = vector.broadcast %broadcast_in_dim3A_271 : vector<1x128xf32> to vector<8x128xf32>
        %sub3A_273 = arith.subf %transpose3A, %sub3A_272 : vector<8x128xf32>
        %exp3A_274 = math.exp %sub3A_273 : vector<8x128xf32>
        %reduce_sum3A = arith.constant dense<0.000000e+00> : vector<128xf32>
        %reduce_sum3A_275 = vector.multi_reduction <add>, %exp3A_274, %reduce_sum3A [0] : vector<8x128xf32> to vector<128xf32>
        %broadcast_in_dim3A_276 = vector.shape_cast %reduce_sum3A_275 : vector<128xf32> to vector<1x128xf32>
        %div3A_277 = vector.broadcast %broadcast_in_dim3A_276 : vector<1x128xf32> to vector<8x128xf32>
        %div3A_278 = arith.divf %exp3A_274, %div3A_277 : vector<8x128xf32>
        %mul3A_279 = arith.constant 0.699999988 : f32
        %mul3A_280 = vector.broadcast %mul3A_279 : f32 to vector<8x128xf32>
        %mul3A_281 = arith.mulf %mul3A_280, %div3A_278 : vector<8x128xf32>
        %add3A_282 = arith.constant 3.750000e-02 : f32
        %add3A_283 = vector.broadcast %add3A_282 : f32 to vector<8x128xf32>
        %add3A_284 = arith.addf %mul3A_281, %add3A_283 : vector<8x128xf32>
        %reduce_max3A_285 = arith.constant dense<0xFF800000> : vector<128xf32>
        %reduce_max3A_286 = vector.multi_reduction <maximumf>, %add3A_284, %reduce_max3A_285 [0] : vector<8x128xf32> to vector<128xf32>
        %broadcast_in_dim3A_287 = vector.shape_cast %reduce_max3A_286 : vector<128xf32> to vector<1x128xf32>
        %ge3A = vector.broadcast %broadcast_in_dim3A_287 : vector<1x128xf32> to vector<8x128xf32>
        %ge3A_288 = arith.cmpf oge, %add3A_284, %ge3A : vector<8x128xf32>
        %jit3A_289 = arith.constant 8 : i32
        %broadcast_in_dim3A_290 = vector.broadcast %jit3A_289 : i32 to vector<8x128xi32>
        %select_n3A_291 = arith.select %ge3A_288, %iota3A, %broadcast_in_dim3A_290 : vector<8x128xi1>, vector<8x128xi32>
        %reduce_min3A = arith.constant dense<2147483647> : vector<128xi32>
        %reduce_min3A_292 = vector.multi_reduction <minsi>, %select_n3A_291, %reduce_min3A [0] : vector<8x128xi32> to vector<128xi32>
        %broadcast_in_dim3A_293 = vector.shape_cast %reduce_min3A_292 : vector<128xi32> to vector<1x128xi32>
        %convert_element_type3A_294 = arith.sitofp %broadcast_in_dim3A_293 : vector<1x128xi32> to vector<1x128xf32>
        %concatenate3A = tpu.concatenate %broadcast_in_dim3A_287, %convert_element_type3A_294 in 0 : vector<1x128xf32>, vector<1x128xf32> -> vector<2x128xf32>
        %swap3A_295 = arith.constant 0 : index
        %swap3A_296 = arith.index_cast %multiple_of3A : i32 to index
        %swap3A_297 = vector.load %arg6[%swap3A_295, %swap3A_296] : memref<2x32768xf32, #tpu.memory_space<vmem>>, vector<2x128xf32>
        tpu.vector_store %arg6[%swap3A_295, %swap3A_296], %concatenate3A {strides = array<i32>} : memref<2x32768xf32, #tpu.memory_space<vmem>>, vector<2x128xf32>,
      } else {
      }
      %mul3A_41 = arith.constant 2 : i32
      %mul3A_42 = arith.muli %mul3A_41, %while3A_34 : i32
      %add3A_43 = arith.constant 1 : i32
      %add3A_44 = arith.addi %mul3A_42, %add3A_43 : i32
      %lt3A_45 = arith.cmpi slt, %add3A_44, %scan3A_4 : i32
      %convert_element_type3A_46 = arith.extui %lt3A_45 : i1 to i32
      %cond3A_47 = arith.constant 0 : i32
      %cond3A_48 = arith.cmpi ne, %convert_element_type3A_46, %cond3A_47 : i32
      scf.if %cond3A_48 {
        %get3A = arith.index_cast %add3A_44 : i32 to index
        %get3A_49 = memref.load %arg7[%get3A] : memref<256xi32, #tpu.memory_space<smem>>
        %multiple_of3A = tpu.assume_multiple %get3A_49, 128 : i32
        %dma_wait3A = arith.constant 1 : i32
        %dma_wait3A_50 = arith.constant 1 : i32
        %dma_wait3A_51 = tpu.memref_slice %arg10[%dma_wait3A_50] : memref<2x!tpu.dma_semaphore, #tpu.memory_space<semaphore_mem>> -> memref<1x!tpu.dma_semaphore, #tpu.memory_space<semaphore_mem>>
        %dma_wait3A_52 = tpu.memref_squeeze %dma_wait3A_51 : memref<1x!tpu.dma_semaphore, #tpu.memory_space<semaphore_mem>> -> memref<!tpu.dma_semaphore, #tpu.memory_space<semaphore_mem>>
        %dma_wait3A_53 = arith.constant 0 : i32
        %dma_wait3A_54 = arith.constant 0 : i32
        %dma_wait3A_55 = tpu.memref_slice %arg8[%dma_wait3A, %dma_wait3A_53, %dma_wait3A_54] : memref<2x128x768xf32, #tpu.memory_space<vmem>> -> memref<1x128x768xf32, #tpu.memory_space<vmem>>
        %dma_wait3A_56 = tpu.memref_squeeze %dma_wait3A_55 : memref<1x128x768xf32, #tpu.memory_space<vmem>> -> memref<128x768xf32, #tpu.memory_space<vmem>>
        %dma_wait3A_57 = arith.constant 0 : i32
        %dma_wait3A_58 = tpu.memref_slice %arg5[%multiple_of3A, %dma_wait3A_57] : memref<32768x768xf32, #tpu.memory_space<any>> -> memref<128x768xf32, #tpu.memory_space<any>>
        tpu.wait_dma2 semaphore(%dma_wait3A_52 : memref<!tpu.dma_semaphore, #tpu.memory_space<semaphore_mem>>) src(%dma_wait3A_58 : memref<128x768xf32, #tpu.memory_space<any>>) dst(%dma_wait3A_56 : memref<128x768xf32, #tpu.memory_space<vmem>>)
        %add3A_59 = arith.constant 1 : i32
        %add3A_60 = arith.addi %add3A_44, %add3A_59 : i32
        %lt3A_61 = arith.cmpi slt, %add3A_60, %scan3A_4 : i32
        %convert_element_type3A_62 = arith.extui %lt3A_61 : i1 to i32
        %cond3A_63 = arith.constant 0 : i32
        %cond3A_64 = arith.cmpi ne, %convert_element_type3A_62, %cond3A_63 : i32
        scf.if %cond3A_64 {
          %add3A_298 = arith.constant 1 : i32
          %add3A_299 = arith.addi %add3A_44, %add3A_298 : i32
          %get3A_300 = arith.index_cast %add3A_299 : i32 to index
          %get3A_301 = memref.load %arg7[%get3A_300] : memref<256xi32, #tpu.memory_space<smem>>
          %multiple_of3A_302 = tpu.assume_multiple %get3A_301, 128 : i32
          %dma_start3A = arith.constant 0 : i32
          %dma_start3A_303 = arith.constant 0 : i32
          %dma_start3A_304 = tpu.memref_slice %arg10[%dma_start3A_303] : memref<2x!tpu.dma_semaphore, #tpu.memory_space<semaphore_mem>> -> memref<1x!tpu.dma_semaphore, #tpu.memory_space<semaphore_mem>>
          %dma_start3A_305 = tpu.memref_squeeze %dma_start3A_304 : memref<1x!tpu.dma_semaphore, #tpu.memory_space<semaphore_mem>> -> memref<!tpu.dma_semaphore, #tpu.memory_space<semaphore_mem>>
          %dma_start3A_306 = arith.constant 0 : i32
          %dma_start3A_307 = arith.constant 0 : i32
          %dma_start3A_308 = tpu.memref_slice %arg8[%dma_start3A, %dma_start3A_306, %dma_start3A_307] : memref<2x128x768xf32, #tpu.memory_space<vmem>> -> memref<1x128x768xf32, #tpu.memory_space<vmem>>
          %dma_start3A_309 = tpu.memref_squeeze %dma_start3A_308 : memref<1x128x768xf32, #tpu.memory_space<vmem>> -> memref<128x768xf32, #tpu.memory_space<vmem>>
          %dma_start3A_310 = arith.constant 0 : i32
          %dma_start3A_311 = tpu.memref_slice %arg5[%multiple_of3A_302, %dma_start3A_310] : memref<32768x768xf32, #tpu.memory_space<any>> -> memref<128x768xf32, #tpu.memory_space<any>>
          tpu.enqueue_dma source(%dma_start3A_311 : memref<128x768xf32, #tpu.memory_space<any>>) target(%dma_start3A_309 : memref<128x768xf32, #tpu.memory_space<vmem>>) target_semaphore(%dma_start3A_305 : memref<!tpu.dma_semaphore, #tpu.memory_space<semaphore_mem>>)
        } else {
        }
        %get3A_65 = arith.constant 1 : index
        %get3A_66 = arith.constant 0 : index
        %get3A_67 = arith.constant 0 : index
        %get3A_68 = vector.load %arg8[%get3A_65, %get3A_66, %get3A_67] : memref<2x128x768xf32, #tpu.memory_space<vmem>>, vector<1x128x768xf32>
        %get3A_69 = vector.shape_cast %get3A_68 : vector<1x128x768xf32> to vector<128x768xf32>
        %get3A_70 = arith.constant 0 : index
        %get3A_71 = arith.constant 0 : index
        %get3A_72 = vector.load %arg1[%get3A_70, %get3A_71] : memref<768x192xf32, #tpu.memory_space<vmem>>, vector<768x192xf32>
        %slice3A = vector.extract_strided_slice %get3A_69 {offsets = [0, 0], sizes = [128, 256], strides = [1, 1]} : vector<128x768xf32> to vector<128x256xf32>
        %slice3A_73 = vector.extract_strided_slice %get3A_72 {offsets = [0, 0], sizes = [256, 192], strides = [1, 1]} : vector<768x192xf32> to vector<256x192xf32>
        %dot_general3A = arith.constant dense<0.000000e+00> : vector<128x192xf32>
        %dot_general3A_74 = tpu.matmul %slice3A, %slice3A_73, %dot_general3A {dimension_numbers = #tpu.dot_dimension_numbers<[1], [0], [0], [1], [0, 0, 1, 1], [], []>, transpose_lhs_hint = false} : vector<128x256xf32>, vector<256x192xf32>, vector<128x192xf32> -> vector<128x192xf32>
        %swap3A = arith.constant 0 : index
        %swap3A_75 = arith.constant 0 : index
        %swap3A_76 = arith.constant 0 : index
        %swap3A_77 = vector.load %arg9[%swap3A, %swap3A_75, %swap3A_76] : memref<3x128x192xf32, #tpu.memory_space<vmem>>, vector<1x128x192xf32>
        %swap3A_78 = vector.shape_cast %swap3A_77 : vector<1x128x192xf32> to vector<128x192xf32>
        %swap3A_79 = vector.shape_cast %dot_general3A_74 : vector<128x192xf32> to vector<1x128x192xf32>
        tpu.vector_store %arg9[%swap3A, %swap3A_75, %swap3A_76], %swap3A_79 {strides = array<i32>} : memref<3x128x192xf32, #tpu.memory_space<vmem>>, vector<1x128x192xf32>,
        %slice3A_80 = vector.extract_strided_slice %get3A_69 {offsets = [0, 256], sizes = [128, 256], strides = [1, 1]} : vector<128x768xf32> to vector<128x256xf32>
        %slice3A_81 = vector.extract_strided_slice %get3A_72 {offsets = [256, 0], sizes = [256, 192], strides = [1, 1]} : vector<768x192xf32> to vector<256x192xf32>
        %dot_general3A_82 = arith.constant dense<0.000000e+00> : vector<128x192xf32>
        %dot_general3A_83 = tpu.matmul %slice3A_80, %slice3A_81, %dot_general3A_82 {dimension_numbers = #tpu.dot_dimension_numbers<[1], [0], [0], [1], [0, 0, 1, 1], [], []>, transpose_lhs_hint = false} : vector<128x256xf32>, vector<256x192xf32>, vector<128x192xf32> -> vector<128x192xf32>
        %swap3A_84 = arith.constant 1 : index
        %swap3A_85 = arith.constant 0 : index
        %swap3A_86 = arith.constant 0 : index
        %swap3A_87 = vector.load %arg9[%swap3A_84, %swap3A_85, %swap3A_86] : memref<3x128x192xf32, #tpu.memory_space<vmem>>, vector<1x128x192xf32>
        %swap3A_88 = vector.shape_cast %swap3A_87 : vector<1x128x192xf32> to vector<128x192xf32>
        %swap3A_89 = vector.shape_cast %dot_general3A_83 : vector<128x192xf32> to vector<1x128x192xf32>
        tpu.vector_store %arg9[%swap3A_84, %swap3A_85, %swap3A_86], %swap3A_89 {strides = array<i32>} : memref<3x128x192xf32, #tpu.memory_space<vmem>>, vector<1x128x192xf32>,
        %slice3A_90 = vector.extract_strided_slice %get3A_69 {offsets = [0, 512], sizes = [128, 256], strides = [1, 1]} : vector<128x768xf32> to vector<128x256xf32>
        %slice3A_91 = vector.extract_strided_slice %get3A_72 {offsets = [512, 0], sizes = [256, 192], strides = [1, 1]} : vector<768x192xf32> to vector<256x192xf32>
        %dot_general3A_92 = arith.constant dense<0.000000e+00> : vector<128x192xf32>
        %dot_general3A_93 = tpu.matmul %slice3A_90, %slice3A_91, %dot_general3A_92 {dimension_numbers = #tpu.dot_dimension_numbers<[1], [0], [0], [1], [0, 0, 1, 1], [], []>, transpose_lhs_hint = false} : vector<128x256xf32>, vector<256x192xf32>, vector<128x192xf32> -> vector<128x192xf32>
        %swap3A_94 = arith.constant 2 : index
        %swap3A_95 = arith.constant 0 : index
        %swap3A_96 = arith.constant 0 : index
        %swap3A_97 = vector.load %arg9[%swap3A_94, %swap3A_95, %swap3A_96] : memref<3x128x192xf32, #tpu.memory_space<vmem>>, vector<1x128x192xf32>
        %swap3A_98 = vector.shape_cast %swap3A_97 : vector<1x128x192xf32> to vector<128x192xf32>
        %swap3A_99 = vector.shape_cast %dot_general3A_93 : vector<128x192xf32> to vector<1x128x192xf32>
        tpu.vector_store %arg9[%swap3A_94, %swap3A_95, %swap3A_96], %swap3A_99 {strides = array<i32>} : memref<3x128x192xf32, #tpu.memory_space<vmem>>, vector<1x128x192xf32>,
        %get3A_100 = arith.constant 0 : index
        %get3A_101 = arith.constant 0 : index
        %get3A_102 = arith.constant 0 : index
        %get3A_103 = vector.load %arg9[%get3A_100, %get3A_101, %get3A_102] : memref<3x128x192xf32, #tpu.memory_space<vmem>>, vector<1x128x192xf32>
        %get3A_104 = vector.shape_cast %get3A_103 : vector<1x128x192xf32> to vector<128x192xf32>
        %get3A_105 = arith.constant 1 : index
        %get3A_106 = arith.constant 0 : index
        %get3A_107 = arith.constant 0 : index
        %get3A_108 = vector.load %arg9[%get3A_105, %get3A_106, %get3A_107] : memref<3x128x192xf32, #tpu.memory_space<vmem>>, vector<1x128x192xf32>
        %get3A_109 = vector.shape_cast %get3A_108 : vector<1x128x192xf32> to vector<128x192xf32>
        %add3A_110 = arith.addf %get3A_104, %get3A_109 : vector<128x192xf32>
        %get3A_111 = arith.constant 2 : index
        %get3A_112 = arith.constant 0 : index
        %get3A_113 = arith.constant 0 : index
        %get3A_114 = vector.load %arg9[%get3A_111, %get3A_112, %get3A_113] : memref<3x128x192xf32, #tpu.memory_space<vmem>>, vector<1x128x192xf32>
        %get3A_115 = vector.shape_cast %get3A_114 : vector<1x128x192xf32> to vector<128x192xf32>
        %add3A_116 = arith.addf %add3A_110, %get3A_115 : vector<128x192xf32>
        %get3A_117 = arith.constant 0 : index
        %get3A_118 = vector.load %arg2[%get3A_117] : memref<192xf32, #tpu.memory_space<vmem>>, vector<192xf32>
        %broadcast_in_dim3A = vector.shape_cast %get3A_118 : vector<192xf32> to vector<1x192xf32>
        %add3A_119 = vector.broadcast %broadcast_in_dim3A : vector<1x192xf32> to vector<128x192xf32>
        %add3A_120 = arith.addf %add3A_116, %add3A_119 : vector<128x192xf32>
        %mul3A_121 = arith.constant 5.000000e-01 : f32
        %mul3A_122 = vector.broadcast %mul3A_121 : f32 to vector<128x192xf32>
        %mul3A_123 = arith.mulf %mul3A_122, %add3A_120 : vector<128x192xf32>
        %neg3A = arith.constant 0.000000e+00 : f32
        %neg3A_124 = vector.broadcast %neg3A : f32 to vector<128x192xf32>
        %neg3A_125 = arith.subf %neg3A_124, %add3A_120 : vector<128x192xf32>
        %mul3A_126 = arith.constant 0.707106769 : f32
        %mul3A_127 = vector.broadcast %mul3A_126 : f32 to vector<128x192xf32>
        %mul3A_128 = arith.mulf %neg3A_125, %mul3A_127 : vector<128x192xf32>
        %abs3A = math.absf %mul3A_128 : vector<128x192xf32>
        %mul3A_129 = arith.mulf %mul3A_128, %mul3A_128 : vector<128x192xf32>
        %mul3A_130 = arith.constant 7.85386146E-5 : f32
        %mul3A_131 = vector.broadcast %mul3A_130 : f32 to vector<128x192xf32>
        %mul3A_132 = arith.mulf %mul3A_129, %mul3A_131 : vector<128x192xf32>
        %add3A_133 = arith.constant -8.0101937E-4 : f32
        %add3A_134 = vector.broadcast %add3A_133 : f32 to vector<128x192xf32>
        %add3A_135 = arith.addf %mul3A_132, %add3A_134 : vector<128x192xf32>
        %mul3A_136 = arith.mulf %add3A_135, %mul3A_129 : vector<128x192xf32>
        %add3A_137 = arith.constant 0.00518832775 : f32
        %add3A_138 = vector.broadcast %add3A_137 : f32 to vector<128x192xf32>
        %add3A_139 = arith.addf %mul3A_136, %add3A_138 : vector<128x192xf32>
        %mul3A_140 = arith.mulf %add3A_139, %mul3A_129 : vector<128x192xf32>
        %add3A_141 = arith.constant -0.0268538129 : f32
        %add3A_142 = vector.broadcast %add3A_141 : f32 to vector<128x192xf32>
        %add3A_143 = arith.addf %mul3A_140, %add3A_142 : vector<128x192xf32>
        %mul3A_144 = arith.mulf %add3A_143, %mul3A_129 : vector<128x192xf32>
        %add3A_145 = arith.constant 0.112835854 : f32
        %add3A_146 = vector.broadcast %add3A_145 : f32 to vector<128x192xf32>
        %add3A_147 = arith.addf %mul3A_144, %add3A_146 : vector<128x192xf32>
        %mul3A_148 = arith.mulf %add3A_147, %mul3A_129 : vector<128x192xf32>
        %add3A_149 = arith.constant -0.37612626 : f32
        %add3A_150 = vector.broadcast %add3A_149 : f32 to vector<128x192xf32>
        %add3A_151 = arith.addf %mul3A_148, %add3A_150 : vector<128x192xf32>
        %mul3A_152 = arith.mulf %add3A_151, %mul3A_129 : vector<128x192xf32>
        %add3A_153 = arith.constant 1.12837911 : f32
        %add3A_154 = vector.broadcast %add3A_153 : f32 to vector<128x192xf32>
        %add3A_155 = arith.addf %mul3A_152, %add3A_154 : vector<128x192xf32>
        %mul3A_156 = arith.mulf %mul3A_128, %add3A_155 : vector<128x192xf32>
        %sub3A_157 = arith.constant 1.000000e+00 : f32
        %sub3A_158 = vector.broadcast %sub3A_157 : f32 to vector<128x192xf32>
        %sub3A_159 = arith.subf %sub3A_158, %mul3A_156 : vector<128x192xf32>
        %neg3A_160 = arith.constant 0.000000e+00 : f32
        %neg3A_161 = vector.broadcast %neg3A_160 : f32 to vector<128x192xf32>
        %neg3A_162 = arith.subf %neg3A_161, %mul3A_129 : vector<128x192xf32>
        %exp3A = math.exp %neg3A_162 : vector<128x192xf32>
        %div3A_163 = arith.constant 1.000000e+00 : f32
        %div3A_164 = vector.broadcast %div3A_163 : f32 to vector<128x192xf32>
        %div3A_165 = arith.divf %div3A_164, %abs3A : vector<128x192xf32>
        %mul3A_166 = arith.mulf %exp3A, %div3A_165 : vector<128x192xf32>
        %div3A_167 = arith.constant 1.000000e+00 : f32
        %div3A_168 = vector.broadcast %div3A_167 : f32 to vector<128x192xf32>
        %div3A_169 = arith.divf %div3A_168, %mul3A_129 : vector<128x192xf32>
        %mul3A_170 = arith.constant 2.326820e-02 : f32
        %mul3A_171 = vector.broadcast %mul3A_170 : f32 to vector<128x192xf32>
        %mul3A_172 = arith.mulf %div3A_169, %mul3A_171 : vector<128x192xf32>
        %add3A_173 = arith.constant -0.138703942 : f32
        %add3A_174 = vector.broadcast %add3A_173 : f32 to vector<128x192xf32>
        %add3A_175 = arith.addf %mul3A_172, %add3A_174 : vector<128x192xf32>
        %mul3A_176 = arith.mulf %add3A_175, %div3A_169 : vector<128x192xf32>
        %add3A_177 = arith.constant 0.368742466 : f32
        %add3A_178 = vector.broadcast %add3A_177 : f32 to vector<128x192xf32>
        %add3A_179 = arith.addf %mul3A_176, %add3A_178 : vector<128x192xf32>
        %mul3A_180 = arith.mulf %add3A_179, %div3A_169 : vector<128x192xf32>
        %add3A_181 = arith.constant -0.582473278 : f32
        %add3A_182 = vector.broadcast %add3A_181 : f32 to vector<128x192xf32>
        %add3A_183 = arith.addf %mul3A_180, %add3A_182 : vector<128x192xf32>
        %mul3A_184 = arith.mulf %add3A_183, %div3A_169 : vector<128x192xf32>
        %add3A_185 = arith.constant 0.621000468 : f32
        %add3A_186 = vector.broadcast %add3A_185 : f32 to vector<128x192xf32>
        %add3A_187 = arith.addf %mul3A_184, %add3A_186 : vector<128x192xf32>
        %mul3A_188 = arith.mulf %add3A_187, %div3A_169 : vector<128x192xf32>
        %add3A_189 = arith.constant -0.494451523 : f32
        %add3A_190 = vector.broadcast %add3A_189 : f32 to vector<128x192xf32>
        %add3A_191 = arith.addf %mul3A_188, %add3A_190 : vector<128x192xf32>
        %mul3A_192 = arith.mulf %add3A_191, %div3A_169 : vector<128x192xf32>
        %add3A_193 = arith.constant 3.404880e-01 : f32
        %add3A_194 = vector.broadcast %add3A_193 : f32 to vector<128x192xf32>
        %add3A_195 = arith.addf %mul3A_192, %add3A_194 : vector<128x192xf32>
        %mul3A_196 = arith.mulf %add3A_195, %div3A_169 : vector<128x192xf32>
        %add3A_197 = arith.constant -0.274112701 : f32
        %add3A_198 = vector.broadcast %add3A_197 : f32 to vector<128x192xf32>
        %add3A_199 = arith.addf %mul3A_196, %add3A_198 : vector<128x192xf32>
        %mul3A_200 = arith.mulf %add3A_199, %div3A_169 : vector<128x192xf32>
        %add3A_201 = arith.constant 0.563825965 : f32
        %add3A_202 = vector.broadcast %add3A_201 : f32 to vector<128x192xf32>
        %add3A_203 = arith.addf %mul3A_200, %add3A_202 : vector<128x192xf32>
        %mul3A_204 = arith.constant -10.477664 : f32
        %mul3A_205 = vector.broadcast %mul3A_204 : f32 to vector<128x192xf32>
        %mul3A_206 = arith.mulf %div3A_169, %mul3A_205 : vector<128x192xf32>
        %add3A_207 = arith.constant 1.297720e+01 : f32
        %add3A_208 = vector.broadcast %add3A_207 : f32 to vector<128x192xf32>
        %add3A_209 = arith.addf %mul3A_206, %add3A_208 : vector<128x192xf32>
        %mul3A_210 = arith.mulf %add3A_209, %div3A_169 : vector<128x192xf32>
        %add3A_211 = arith.constant -7.49551868 : f32
        %add3A_212 = vector.broadcast %add3A_211 : f32 to vector<128x192xf32>
        %add3A_213 = arith.addf %mul3A_210, %add3A_212 : vector<128x192xf32>
        %mul3A_214 = arith.mulf %add3A_213, %div3A_169 : vector<128x192xf32>
        %add3A_215 = arith.constant 2.92101908 : f32
        %add3A_216 = vector.broadcast %add3A_215 : f32 to vector<128x192xf32>
        %add3A_217 = arith.addf %mul3A_214, %add3A_216 : vector<128x192xf32>
        %mul3A_218 = arith.mulf %add3A_217, %div3A_169 : vector<128x192xf32>
        %add3A_219 = arith.constant -1.01526523 : f32
        %add3A_220 = vector.broadcast %add3A_219 : f32 to vector<128x192xf32>
        %add3A_221 = arith.addf %mul3A_218, %add3A_220 : vector<128x192xf32>
        %mul3A_222 = arith.mulf %add3A_221, %div3A_169 : vector<128x192xf32>
        %add3A_223 = arith.constant 0.42184633 : f32
        %add3A_224 = vector.broadcast %add3A_223 : f32 to vector<128x192xf32>
        %add3A_225 = arith.addf %mul3A_222, %add3A_224 : vector<128x192xf32>
        %mul3A_226 = arith.mulf %add3A_225, %div3A_169 : vector<128x192xf32>
        %add3A_227 = arith.constant -0.282076746 : f32
        %add3A_228 = vector.broadcast %add3A_227 : f32 to vector<128x192xf32>
        %add3A_229 = arith.addf %mul3A_226, %add3A_228 : vector<128x192xf32>
        %mul3A_230 = arith.mulf %add3A_229, %div3A_169 : vector<128x192xf32>
        %add3A_231 = arith.constant 0.564189494 : f32
        %add3A_232 = vector.broadcast %add3A_231 : f32 to vector<128x192xf32>
        %add3A_233 = arith.addf %mul3A_230, %add3A_232 : vector<128x192xf32>
        %lt3A_234 = arith.constant 2.000000e+00 : f32
        %lt3A_235 = vector.broadcast %lt3A_234 : f32 to vector<128x192xf32>
        %lt3A_236 = arith.cmpf olt, %abs3A, %lt3A_235 : vector<128x192xf32>
        %select_n3A_237 = arith.select %lt3A_236, %add3A_203, %add3A_233 : vector<128x192xi1>, vector<128x192xf32>
        %mul3A_238 = arith.mulf %mul3A_166, %select_n3A_237 : vector<128x192xf32>
        %lt3A_239 = arith.constant -88.7228394 : f32
        %lt3A_240 = vector.broadcast %lt3A_239 : f32 to vector<128x192xf32>
        %lt3A_241 = arith.cmpf olt, %neg3A_162, %lt3A_240 : vector<128x192xf32>
        %jit3A_242 = arith.constant 0.000000e+00 : f32
        %broadcast_in_dim3A_243 = vector.broadcast %jit3A_242 : f32 to vector<128x192xf32>
        %select_n3A_244 = arith.select %lt3A_241, %broadcast_in_dim3A_243, %mul3A_238 : vector<128x192xi1>, vector<128x192xf32>
        %lt3A_245 = arith.constant 0.000000e+00 : f32
        %lt3A_246 = vector.broadcast %lt3A_245 : f32 to vector<128x192xf32>
        %lt3A_247 = arith.cmpf olt, %mul3A_128, %lt3A_246 : vector<128x192xf32>
        %sub3A_248 = arith.constant 2.000000e+00 : f32
        %sub3A_249 = vector.broadcast %sub3A_248 : f32 to vector<128x192xf32>
        %sub3A_250 = arith.subf %sub3A_249, %select_n3A_244 : vector<128x192xf32>
        %select_n3A_251 = arith.select %lt3A_247, %sub3A_250, %select_n3A_244 : vector<128x192xi1>, vector<128x192xf32>
        %lt3A_252 = arith.constant 1.000000e+00 : f32
        %lt3A_253 = vector.broadcast %lt3A_252 : f32 to vector<128x192xf32>
        %lt3A_254 = arith.cmpf olt, %abs3A, %lt3A_253 : vector<128x192xf32>
        %select_n3A_255 = arith.select %lt3A_254, %sub3A_159, %select_n3A_251 : vector<128x192xi1>, vector<128x192xf32>
        %mul3A_256 = arith.mulf %mul3A_123, %select_n3A_255 : vector<128x192xf32>
        %get3A_257 = arith.constant 0 : index
        %get3A_258 = arith.constant 0 : index
        %get3A_259 = vector.load %arg3[%get3A_257, %get3A_258] : memref<192x8xf32, #tpu.memory_space<vmem>>, vector<192x8xf32>
        %dot_general3A_260 = arith.constant dense<0.000000e+00> : vector<128x8xf32>
        %dot_general3A_261 = tpu.matmul %mul3A_256, %get3A_259, %dot_general3A_260 {dimension_numbers = #tpu.dot_dimension_numbers<[1], [0], [0], [1], [0, 0, 1, 1], [], []>, transpose_lhs_hint = false} : vector<128x192xf32>, vector<192x8xf32>, vector<128x8xf32> -> vector<128x8xf32>
        %get3A_262 = arith.constant 0 : index
        %get3A_263 = vector.load %arg4[%get3A_262] : memref<8xf32, #tpu.memory_space<vmem>>, vector<8xf32>
        %broadcast_in_dim3A_264 = vector.shape_cast %get3A_263 : vector<8xf32> to vector<1x8xf32>
        %add3A_265 = vector.broadcast %broadcast_in_dim3A_264 : vector<1x8xf32> to vector<128x8xf32>
        %add3A_266 = arith.addf %dot_general3A_261, %add3A_265 : vector<128x8xf32>
        %mul3A_267 = arith.constant 1.000000e-01 : f32
        %mul3A_268 = vector.broadcast %mul3A_267 : f32 to vector<128x8xf32>
        %mul3A_269 = arith.mulf %add3A_266, %mul3A_268 : vector<128x8xf32>
        %transpose3A = tpu.transpose %mul3A_269, [1, 0] : vector<128x8xf32> -> vector<8x128xf32>
        %reduce_max3A = arith.constant dense<0xFF800000> : vector<128xf32>
        %reduce_max3A_270 = vector.multi_reduction <maximumf>, %transpose3A, %reduce_max3A [0] : vector<8x128xf32> to vector<128xf32>
        %broadcast_in_dim3A_271 = vector.shape_cast %reduce_max3A_270 : vector<128xf32> to vector<1x128xf32>
        %sub3A_272 = vector.broadcast %broadcast_in_dim3A_271 : vector<1x128xf32> to vector<8x128xf32>
        %sub3A_273 = arith.subf %transpose3A, %sub3A_272 : vector<8x128xf32>
        %exp3A_274 = math.exp %sub3A_273 : vector<8x128xf32>
        %reduce_sum3A = arith.constant dense<0.000000e+00> : vector<128xf32>
        %reduce_sum3A_275 = vector.multi_reduction <add>, %exp3A_274, %reduce_sum3A [0] : vector<8x128xf32> to vector<128xf32>
        %broadcast_in_dim3A_276 = vector.shape_cast %reduce_sum3A_275 : vector<128xf32> to vector<1x128xf32>
        %div3A_277 = vector.broadcast %broadcast_in_dim3A_276 : vector<1x128xf32> to vector<8x128xf32>
        %div3A_278 = arith.divf %exp3A_274, %div3A_277 : vector<8x128xf32>
        %mul3A_279 = arith.constant 0.699999988 : f32
        %mul3A_280 = vector.broadcast %mul3A_279 : f32 to vector<8x128xf32>
        %mul3A_281 = arith.mulf %mul3A_280, %div3A_278 : vector<8x128xf32>
        %add3A_282 = arith.constant 3.750000e-02 : f32
        %add3A_283 = vector.broadcast %add3A_282 : f32 to vector<8x128xf32>
        %add3A_284 = arith.addf %mul3A_281, %add3A_283 : vector<8x128xf32>
        %reduce_max3A_285 = arith.constant dense<0xFF800000> : vector<128xf32>
        %reduce_max3A_286 = vector.multi_reduction <maximumf>, %add3A_284, %reduce_max3A_285 [0] : vector<8x128xf32> to vector<128xf32>
        %broadcast_in_dim3A_287 = vector.shape_cast %reduce_max3A_286 : vector<128xf32> to vector<1x128xf32>
        %ge3A = vector.broadcast %broadcast_in_dim3A_287 : vector<1x128xf32> to vector<8x128xf32>
        %ge3A_288 = arith.cmpf oge, %add3A_284, %ge3A : vector<8x128xf32>
        %jit3A_289 = arith.constant 8 : i32
        %broadcast_in_dim3A_290 = vector.broadcast %jit3A_289 : i32 to vector<8x128xi32>
        %select_n3A_291 = arith.select %ge3A_288, %iota3A, %broadcast_in_dim3A_290 : vector<8x128xi1>, vector<8x128xi32>
        %reduce_min3A = arith.constant dense<2147483647> : vector<128xi32>
        %reduce_min3A_292 = vector.multi_reduction <minsi>, %select_n3A_291, %reduce_min3A [0] : vector<8x128xi32> to vector<128xi32>
        %broadcast_in_dim3A_293 = vector.shape_cast %reduce_min3A_292 : vector<128xi32> to vector<1x128xi32>
        %convert_element_type3A_294 = arith.sitofp %broadcast_in_dim3A_293 : vector<1x128xi32> to vector<1x128xf32>
        %concatenate3A = tpu.concatenate %broadcast_in_dim3A_287, %convert_element_type3A_294 in 0 : vector<1x128xf32>, vector<1x128xf32> -> vector<2x128xf32>
        %swap3A_295 = arith.constant 0 : index
        %swap3A_296 = arith.index_cast %multiple_of3A : i32 to index
        %swap3A_297 = vector.load %arg6[%swap3A_295, %swap3A_296] : memref<2x32768xf32, #tpu.memory_space<vmem>>, vector<2x128xf32>
        tpu.vector_store %arg6[%swap3A_295, %swap3A_296], %concatenate3A {strides = array<i32>} : memref<2x32768xf32, #tpu.memory_space<vmem>>, vector<2x128xf32>,
      } else {
      }
    }
    %while3A_33 = arith.constant 1 : i32
    scf.for %while3A_34 = %while3A_31 to %while3A_27 step %while3A_33  : i32 {
      %mul3A = arith.constant 2 : i32
      %mul3A_35 = arith.muli %mul3A, %while3A_34 : i32
      %add3A_36 = arith.constant 0 : i32
      %add3A_37 = arith.addi %mul3A_35, %add3A_36 : i32
      %lt3A = arith.cmpi slt, %add3A_37, %scan3A_4 : i32
      %convert_element_type3A_38 = arith.extui %lt3A : i1 to i32
      %cond3A_39 = arith.constant 0 : i32
      %cond3A_40 = arith.cmpi ne, %convert_element_type3A_38, %cond3A_39 : i32
      scf.if %cond3A_40 {
        %get3A = arith.index_cast %add3A_37 : i32 to index
        %get3A_49 = memref.load %arg7[%get3A] : memref<256xi32, #tpu.memory_space<smem>>
        %multiple_of3A = tpu.assume_multiple %get3A_49, 128 : i32
        %dma_wait3A = arith.constant 0 : i32
        %dma_wait3A_50 = arith.constant 0 : i32
        %dma_wait3A_51 = tpu.memref_slice %arg10[%dma_wait3A_50] : memref<2x!tpu.dma_semaphore, #tpu.memory_space<semaphore_mem>> -> memref<1x!tpu.dma_semaphore, #tpu.memory_space<semaphore_mem>>
        %dma_wait3A_52 = tpu.memref_squeeze %dma_wait3A_51 : memref<1x!tpu.dma_semaphore, #tpu.memory_space<semaphore_mem>> -> memref<!tpu.dma_semaphore, #tpu.memory_space<semaphore_mem>>
        %dma_wait3A_53 = arith.constant 0 : i32
        %dma_wait3A_54 = arith.constant 0 : i32
        %dma_wait3A_55 = tpu.memref_slice %arg8[%dma_wait3A, %dma_wait3A_53, %dma_wait3A_54] : memref<2x128x768xf32, #tpu.memory_space<vmem>> -> memref<1x128x768xf32, #tpu.memory_space<vmem>>
        %dma_wait3A_56 = tpu.memref_squeeze %dma_wait3A_55 : memref<1x128x768xf32, #tpu.memory_space<vmem>> -> memref<128x768xf32, #tpu.memory_space<vmem>>
        %dma_wait3A_57 = arith.constant 0 : i32
        %dma_wait3A_58 = tpu.memref_slice %arg5[%multiple_of3A, %dma_wait3A_57] : memref<32768x768xf32, #tpu.memory_space<any>> -> memref<128x768xf32, #tpu.memory_space<any>>
        tpu.wait_dma2 semaphore(%dma_wait3A_52 : memref<!tpu.dma_semaphore, #tpu.memory_space<semaphore_mem>>) src(%dma_wait3A_58 : memref<128x768xf32, #tpu.memory_space<any>>) dst(%dma_wait3A_56 : memref<128x768xf32, #tpu.memory_space<vmem>>)
        %add3A_59 = arith.constant 1 : i32
        %add3A_60 = arith.addi %add3A_37, %add3A_59 : i32
        %lt3A_61 = arith.cmpi slt, %add3A_60, %scan3A_4 : i32
        %convert_element_type3A_62 = arith.extui %lt3A_61 : i1 to i32
        %cond3A_63 = arith.constant 0 : i32
        %cond3A_64 = arith.cmpi ne, %convert_element_type3A_62, %cond3A_63 : i32
        scf.if %cond3A_64 {
          %add3A_298 = arith.constant 1 : i32
          %add3A_299 = arith.addi %add3A_37, %add3A_298 : i32
          %get3A_300 = arith.index_cast %add3A_299 : i32 to index
          %get3A_301 = memref.load %arg7[%get3A_300] : memref<256xi32, #tpu.memory_space<smem>>
          %multiple_of3A_302 = tpu.assume_multiple %get3A_301, 128 : i32
          %dma_start3A = arith.constant 1 : i32
          %dma_start3A_303 = arith.constant 1 : i32
          %dma_start3A_304 = tpu.memref_slice %arg10[%dma_start3A_303] : memref<2x!tpu.dma_semaphore, #tpu.memory_space<semaphore_mem>> -> memref<1x!tpu.dma_semaphore, #tpu.memory_space<semaphore_mem>>
          %dma_start3A_305 = tpu.memref_squeeze %dma_start3A_304 : memref<1x!tpu.dma_semaphore, #tpu.memory_space<semaphore_mem>> -> memref<!tpu.dma_semaphore, #tpu.memory_space<semaphore_mem>>
          %dma_start3A_306 = arith.constant 0 : i32
          %dma_start3A_307 = arith.constant 0 : i32
          %dma_start3A_308 = tpu.memref_slice %arg8[%dma_start3A, %dma_start3A_306, %dma_start3A_307] : memref<2x128x768xf32, #tpu.memory_space<vmem>> -> memref<1x128x768xf32, #tpu.memory_space<vmem>>
          %dma_start3A_309 = tpu.memref_squeeze %dma_start3A_308 : memref<1x128x768xf32, #tpu.memory_space<vmem>> -> memref<128x768xf32, #tpu.memory_space<vmem>>
          %dma_start3A_310 = arith.constant 0 : i32
          %dma_start3A_311 = tpu.memref_slice %arg5[%multiple_of3A_302, %dma_start3A_310] : memref<32768x768xf32, #tpu.memory_space<any>> -> memref<128x768xf32, #tpu.memory_space<any>>
          tpu.enqueue_dma source(%dma_start3A_311 : memref<128x768xf32, #tpu.memory_space<any>>) target(%dma_start3A_309 : memref<128x768xf32, #tpu.memory_space<vmem>>) target_semaphore(%dma_start3A_305 : memref<!tpu.dma_semaphore, #tpu.memory_space<semaphore_mem>>)
        } else {
        }
        %get3A_65 = arith.constant 0 : index
        %get3A_66 = arith.constant 0 : index
        %get3A_67 = arith.constant 0 : index
        %get3A_68 = vector.load %arg8[%get3A_65, %get3A_66, %get3A_67] : memref<2x128x768xf32, #tpu.memory_space<vmem>>, vector<1x128x768xf32>
        %get3A_69 = vector.shape_cast %get3A_68 : vector<1x128x768xf32> to vector<128x768xf32>
        %get3A_70 = arith.constant 0 : index
        %get3A_71 = arith.constant 0 : index
        %get3A_72 = vector.load %arg1[%get3A_70, %get3A_71] : memref<768x192xf32, #tpu.memory_space<vmem>>, vector<768x192xf32>
        %slice3A = vector.extract_strided_slice %get3A_69 {offsets = [0, 0], sizes = [128, 256], strides = [1, 1]} : vector<128x768xf32> to vector<128x256xf32>
        %slice3A_73 = vector.extract_strided_slice %get3A_72 {offsets = [0, 0], sizes = [256, 192], strides = [1, 1]} : vector<768x192xf32> to vector<256x192xf32>
        %dot_general3A = arith.constant dense<0.000000e+00> : vector<128x192xf32>
        %dot_general3A_74 = tpu.matmul %slice3A, %slice3A_73, %dot_general3A {dimension_numbers = #tpu.dot_dimension_numbers<[1], [0], [0], [1], [0, 0, 1, 1], [], []>, transpose_lhs_hint = false} : vector<128x256xf32>, vector<256x192xf32>, vector<128x192xf32> -> vector<128x192xf32>
        %swap3A = arith.constant 0 : index
        %swap3A_75 = arith.constant 0 : index
        %swap3A_76 = arith.constant 0 : index
        %swap3A_77 = vector.load %arg9[%swap3A, %swap3A_75, %swap3A_76] : memref<3x128x192xf32, #tpu.memory_space<vmem>>, vector<1x128x192xf32>
        %swap3A_78 = vector.shape_cast %swap3A_77 : vector<1x128x192xf32> to vector<128x192xf32>
        %swap3A_79 = vector.shape_cast %dot_general3A_74 : vector<128x192xf32> to vector<1x128x192xf32>
        tpu.vector_store %arg9[%swap3A, %swap3A_75, %swap3A_76], %swap3A_79 {strides = array<i32>} : memref<3x128x192xf32, #tpu.memory_space<vmem>>, vector<1x128x192xf32>,
        %slice3A_80 = vector.extract_strided_slice %get3A_69 {offsets = [0, 256], sizes = [128, 256], strides = [1, 1]} : vector<128x768xf32> to vector<128x256xf32>
        %slice3A_81 = vector.extract_strided_slice %get3A_72 {offsets = [256, 0], sizes = [256, 192], strides = [1, 1]} : vector<768x192xf32> to vector<256x192xf32>
        %dot_general3A_82 = arith.constant dense<0.000000e+00> : vector<128x192xf32>
        %dot_general3A_83 = tpu.matmul %slice3A_80, %slice3A_81, %dot_general3A_82 {dimension_numbers = #tpu.dot_dimension_numbers<[1], [0], [0], [1], [0, 0, 1, 1], [], []>, transpose_lhs_hint = false} : vector<128x256xf32>, vector<256x192xf32>, vector<128x192xf32> -> vector<128x192xf32>
        %swap3A_84 = arith.constant 1 : index
        %swap3A_85 = arith.constant 0 : index
        %swap3A_86 = arith.constant 0 : index
        %swap3A_87 = vector.load %arg9[%swap3A_84, %swap3A_85, %swap3A_86] : memref<3x128x192xf32, #tpu.memory_space<vmem>>, vector<1x128x192xf32>
        %swap3A_88 = vector.shape_cast %swap3A_87 : vector<1x128x192xf32> to vector<128x192xf32>
        %swap3A_89 = vector.shape_cast %dot_general3A_83 : vector<128x192xf32> to vector<1x128x192xf32>
        tpu.vector_store %arg9[%swap3A_84, %swap3A_85, %swap3A_86], %swap3A_89 {strides = array<i32>} : memref<3x128x192xf32, #tpu.memory_space<vmem>>, vector<1x128x192xf32>,
        %slice3A_90 = vector.extract_strided_slice %get3A_69 {offsets = [0, 512], sizes = [128, 256], strides = [1, 1]} : vector<128x768xf32> to vector<128x256xf32>
        %slice3A_91 = vector.extract_strided_slice %get3A_72 {offsets = [512, 0], sizes = [256, 192], strides = [1, 1]} : vector<768x192xf32> to vector<256x192xf32>
        %dot_general3A_92 = arith.constant dense<0.000000e+00> : vector<128x192xf32>
        %dot_general3A_93 = tpu.matmul %slice3A_90, %slice3A_91, %dot_general3A_92 {dimension_numbers = #tpu.dot_dimension_numbers<[1], [0], [0], [1], [0, 0, 1, 1], [], []>, transpose_lhs_hint = false} : vector<128x256xf32>, vector<256x192xf32>, vector<128x192xf32> -> vector<128x192xf32>
        %swap3A_94 = arith.constant 2 : index
        %swap3A_95 = arith.constant 0 : index
        %swap3A_96 = arith.constant 0 : index
        %swap3A_97 = vector.load %arg9[%swap3A_94, %swap3A_95, %swap3A_96] : memref<3x128x192xf32, #tpu.memory_space<vmem>>, vector<1x128x192xf32>
        %swap3A_98 = vector.shape_cast %swap3A_97 : vector<1x128x192xf32> to vector<128x192xf32>
        %swap3A_99 = vector.shape_cast %dot_general3A_93 : vector<128x192xf32> to vector<1x128x192xf32>
        tpu.vector_store %arg9[%swap3A_94, %swap3A_95, %swap3A_96], %swap3A_99 {strides = array<i32>} : memref<3x128x192xf32, #tpu.memory_space<vmem>>, vector<1x128x192xf32>,
        %get3A_100 = arith.constant 0 : index
        %get3A_101 = arith.constant 0 : index
        %get3A_102 = arith.constant 0 : index
        %get3A_103 = vector.load %arg9[%get3A_100, %get3A_101, %get3A_102] : memref<3x128x192xf32, #tpu.memory_space<vmem>>, vector<1x128x192xf32>
        %get3A_104 = vector.shape_cast %get3A_103 : vector<1x128x192xf32> to vector<128x192xf32>
        %get3A_105 = arith.constant 1 : index
        %get3A_106 = arith.constant 0 : index
        %get3A_107 = arith.constant 0 : index
        %get3A_108 = vector.load %arg9[%get3A_105, %get3A_106, %get3A_107] : memref<3x128x192xf32, #tpu.memory_space<vmem>>, vector<1x128x192xf32>
        %get3A_109 = vector.shape_cast %get3A_108 : vector<1x128x192xf32> to vector<128x192xf32>
        %add3A_110 = arith.addf %get3A_104, %get3A_109 : vector<128x192xf32>
        %get3A_111 = arith.constant 2 : index
        %get3A_112 = arith.constant 0 : index
        %get3A_113 = arith.constant 0 : index
        %get3A_114 = vector.load %arg9[%get3A_111, %get3A_112, %get3A_113] : memref<3x128x192xf32, #tpu.memory_space<vmem>>, vector<1x128x192xf32>
        %get3A_115 = vector.shape_cast %get3A_114 : vector<1x128x192xf32> to vector<128x192xf32>
        %add3A_116 = arith.addf %add3A_110, %get3A_115 : vector<128x192xf32>
        %get3A_117 = arith.constant 0 : index
        %get3A_118 = vector.load %arg2[%get3A_117] : memref<192xf32, #tpu.memory_space<vmem>>, vector<192xf32>
        %broadcast_in_dim3A = vector.shape_cast %get3A_118 : vector<192xf32> to vector<1x192xf32>
        %add3A_119 = vector.broadcast %broadcast_in_dim3A : vector<1x192xf32> to vector<128x192xf32>
        %add3A_120 = arith.addf %add3A_116, %add3A_119 : vector<128x192xf32>
        %mul3A_121 = arith.constant 5.000000e-01 : f32
        %mul3A_122 = vector.broadcast %mul3A_121 : f32 to vector<128x192xf32>
        %mul3A_123 = arith.mulf %mul3A_122, %add3A_120 : vector<128x192xf32>
        %neg3A = arith.constant 0.000000e+00 : f32
        %neg3A_124 = vector.broadcast %neg3A : f32 to vector<128x192xf32>
        %neg3A_125 = arith.subf %neg3A_124, %add3A_120 : vector<128x192xf32>
        %mul3A_126 = arith.constant 0.707106769 : f32
        %mul3A_127 = vector.broadcast %mul3A_126 : f32 to vector<128x192xf32>
        %mul3A_128 = arith.mulf %neg3A_125, %mul3A_127 : vector<128x192xf32>
        %abs3A = math.absf %mul3A_128 : vector<128x192xf32>
        %mul3A_129 = arith.mulf %mul3A_128, %mul3A_128 : vector<128x192xf32>
        %mul3A_130 = arith.constant 7.85386146E-5 : f32
        %mul3A_131 = vector.broadcast %mul3A_130 : f32 to vector<128x192xf32>
        %mul3A_132 = arith.mulf %mul3A_129, %mul3A_131 : vector<128x192xf32>
        %add3A_133 = arith.constant -8.0101937E-4 : f32
        %add3A_134 = vector.broadcast %add3A_133 : f32 to vector<128x192xf32>
        %add3A_135 = arith.addf %mul3A_132, %add3A_134 : vector<128x192xf32>
        %mul3A_136 = arith.mulf %add3A_135, %mul3A_129 : vector<128x192xf32>
        %add3A_137 = arith.constant 0.00518832775 : f32
        %add3A_138 = vector.broadcast %add3A_137 : f32 to vector<128x192xf32>
        %add3A_139 = arith.addf %mul3A_136, %add3A_138 : vector<128x192xf32>
        %mul3A_140 = arith.mulf %add3A_139, %mul3A_129 : vector<128x192xf32>
        %add3A_141 = arith.constant -0.0268538129 : f32
        %add3A_142 = vector.broadcast %add3A_141 : f32 to vector<128x192xf32>
        %add3A_143 = arith.addf %mul3A_140, %add3A_142 : vector<128x192xf32>
        %mul3A_144 = arith.mulf %add3A_143, %mul3A_129 : vector<128x192xf32>
        %add3A_145 = arith.constant 0.112835854 : f32
        %add3A_146 = vector.broadcast %add3A_145 : f32 to vector<128x192xf32>
        %add3A_147 = arith.addf %mul3A_144, %add3A_146 : vector<128x192xf32>
        %mul3A_148 = arith.mulf %add3A_147, %mul3A_129 : vector<128x192xf32>
        %add3A_149 = arith.constant -0.37612626 : f32
        %add3A_150 = vector.broadcast %add3A_149 : f32 to vector<128x192xf32>
        %add3A_151 = arith.addf %mul3A_148, %add3A_150 : vector<128x192xf32>
        %mul3A_152 = arith.mulf %add3A_151, %mul3A_129 : vector<128x192xf32>
        %add3A_153 = arith.constant 1.12837911 : f32
        %add3A_154 = vector.broadcast %add3A_153 : f32 to vector<128x192xf32>
        %add3A_155 = arith.addf %mul3A_152, %add3A_154 : vector<128x192xf32>
        %mul3A_156 = arith.mulf %mul3A_128, %add3A_155 : vector<128x192xf32>
        %sub3A_157 = arith.constant 1.000000e+00 : f32
        %sub3A_158 = vector.broadcast %sub3A_157 : f32 to vector<128x192xf32>
        %sub3A_159 = arith.subf %sub3A_158, %mul3A_156 : vector<128x192xf32>
        %neg3A_160 = arith.constant 0.000000e+00 : f32
        %neg3A_161 = vector.broadcast %neg3A_160 : f32 to vector<128x192xf32>
        %neg3A_162 = arith.subf %neg3A_161, %mul3A_129 : vector<128x192xf32>
        %exp3A = math.exp %neg3A_162 : vector<128x192xf32>
        %div3A_163 = arith.constant 1.000000e+00 : f32
        %div3A_164 = vector.broadcast %div3A_163 : f32 to vector<128x192xf32>
        %div3A_165 = arith.divf %div3A_164, %abs3A : vector<128x192xf32>
        %mul3A_166 = arith.mulf %exp3A, %div3A_165 : vector<128x192xf32>
        %div3A_167 = arith.constant 1.000000e+00 : f32
        %div3A_168 = vector.broadcast %div3A_167 : f32 to vector<128x192xf32>
        %div3A_169 = arith.divf %div3A_168, %mul3A_129 : vector<128x192xf32>
        %mul3A_170 = arith.constant 2.326820e-02 : f32
        %mul3A_171 = vector.broadcast %mul3A_170 : f32 to vector<128x192xf32>
        %mul3A_172 = arith.mulf %div3A_169, %mul3A_171 : vector<128x192xf32>
        %add3A_173 = arith.constant -0.138703942 : f32
        %add3A_174 = vector.broadcast %add3A_173 : f32 to vector<128x192xf32>
        %add3A_175 = arith.addf %mul3A_172, %add3A_174 : vector<128x192xf32>
        %mul3A_176 = arith.mulf %add3A_175, %div3A_169 : vector<128x192xf32>
        %add3A_177 = arith.constant 0.368742466 : f32
        %add3A_178 = vector.broadcast %add3A_177 : f32 to vector<128x192xf32>
        %add3A_179 = arith.addf %mul3A_176, %add3A_178 : vector<128x192xf32>
        %mul3A_180 = arith.mulf %add3A_179, %div3A_169 : vector<128x192xf32>
        %add3A_181 = arith.constant -0.582473278 : f32
        %add3A_182 = vector.broadcast %add3A_181 : f32 to vector<128x192xf32>
        %add3A_183 = arith.addf %mul3A_180, %add3A_182 : vector<128x192xf32>
        %mul3A_184 = arith.mulf %add3A_183, %div3A_169 : vector<128x192xf32>
        %add3A_185 = arith.constant 0.621000468 : f32
        %add3A_186 = vector.broadcast %add3A_185 : f32 to vector<128x192xf32>
        %add3A_187 = arith.addf %mul3A_184, %add3A_186 : vector<128x192xf32>
        %mul3A_188 = arith.mulf %add3A_187, %div3A_169 : vector<128x192xf32>
        %add3A_189 = arith.constant -0.494451523 : f32
        %add3A_190 = vector.broadcast %add3A_189 : f32 to vector<128x192xf32>
        %add3A_191 = arith.addf %mul3A_188, %add3A_190 : vector<128x192xf32>
        %mul3A_192 = arith.mulf %add3A_191, %div3A_169 : vector<128x192xf32>
        %add3A_193 = arith.constant 3.404880e-01 : f32
        %add3A_194 = vector.broadcast %add3A_193 : f32 to vector<128x192xf32>
        %add3A_195 = arith.addf %mul3A_192, %add3A_194 : vector<128x192xf32>
        %mul3A_196 = arith.mulf %add3A_195, %div3A_169 : vector<128x192xf32>
        %add3A_197 = arith.constant -0.274112701 : f32
        %add3A_198 = vector.broadcast %add3A_197 : f32 to vector<128x192xf32>
        %add3A_199 = arith.addf %mul3A_196, %add3A_198 : vector<128x192xf32>
        %mul3A_200 = arith.mulf %add3A_199, %div3A_169 : vector<128x192xf32>
        %add3A_201 = arith.constant 0.563825965 : f32
        %add3A_202 = vector.broadcast %add3A_201 : f32 to vector<128x192xf32>
        %add3A_203 = arith.addf %mul3A_200, %add3A_202 : vector<128x192xf32>
        %mul3A_204 = arith.constant -10.477664 : f32
        %mul3A_205 = vector.broadcast %mul3A_204 : f32 to vector<128x192xf32>
        %mul3A_206 = arith.mulf %div3A_169, %mul3A_205 : vector<128x192xf32>
        %add3A_207 = arith.constant 1.297720e+01 : f32
        %add3A_208 = vector.broadcast %add3A_207 : f32 to vector<128x192xf32>
        %add3A_209 = arith.addf %mul3A_206, %add3A_208 : vector<128x192xf32>
        %mul3A_210 = arith.mulf %add3A_209, %div3A_169 : vector<128x192xf32>
        %add3A_211 = arith.constant -7.49551868 : f32
        %add3A_212 = vector.broadcast %add3A_211 : f32 to vector<128x192xf32>
        %add3A_213 = arith.addf %mul3A_210, %add3A_212 : vector<128x192xf32>
        %mul3A_214 = arith.mulf %add3A_213, %div3A_169 : vector<128x192xf32>
        %add3A_215 = arith.constant 2.92101908 : f32
        %add3A_216 = vector.broadcast %add3A_215 : f32 to vector<128x192xf32>
        %add3A_217 = arith.addf %mul3A_214, %add3A_216 : vector<128x192xf32>
        %mul3A_218 = arith.mulf %add3A_217, %div3A_169 : vector<128x192xf32>
        %add3A_219 = arith.constant -1.01526523 : f32
        %add3A_220 = vector.broadcast %add3A_219 : f32 to vector<128x192xf32>
        %add3A_221 = arith.addf %mul3A_218, %add3A_220 : vector<128x192xf32>
        %mul3A_222 = arith.mulf %add3A_221, %div3A_169 : vector<128x192xf32>
        %add3A_223 = arith.constant 0.42184633 : f32
        %add3A_224 = vector.broadcast %add3A_223 : f32 to vector<128x192xf32>
        %add3A_225 = arith.addf %mul3A_222, %add3A_224 : vector<128x192xf32>
        %mul3A_226 = arith.mulf %add3A_225, %div3A_169 : vector<128x192xf32>
        %add3A_227 = arith.constant -0.282076746 : f32
        %add3A_228 = vector.broadcast %add3A_227 : f32 to vector<128x192xf32>
        %add3A_229 = arith.addf %mul3A_226, %add3A_228 : vector<128x192xf32>
        %mul3A_230 = arith.mulf %add3A_229, %div3A_169 : vector<128x192xf32>
        %add3A_231 = arith.constant 0.564189494 : f32
        %add3A_232 = vector.broadcast %add3A_231 : f32 to vector<128x192xf32>
        %add3A_233 = arith.addf %mul3A_230, %add3A_232 : vector<128x192xf32>
        %lt3A_234 = arith.constant 2.000000e+00 : f32
        %lt3A_235 = vector.broadcast %lt3A_234 : f32 to vector<128x192xf32>
        %lt3A_236 = arith.cmpf olt, %abs3A, %lt3A_235 : vector<128x192xf32>
        %select_n3A_237 = arith.select %lt3A_236, %add3A_203, %add3A_233 : vector<128x192xi1>, vector<128x192xf32>
        %mul3A_238 = arith.mulf %mul3A_166, %select_n3A_237 : vector<128x192xf32>
        %lt3A_239 = arith.constant -88.7228394 : f32
        %lt3A_240 = vector.broadcast %lt3A_239 : f32 to vector<128x192xf32>
        %lt3A_241 = arith.cmpf olt, %neg3A_162, %lt3A_240 : vector<128x192xf32>
        %jit3A_242 = arith.constant 0.000000e+00 : f32
        %broadcast_in_dim3A_243 = vector.broadcast %jit3A_242 : f32 to vector<128x192xf32>
        %select_n3A_244 = arith.select %lt3A_241, %broadcast_in_dim3A_243, %mul3A_238 : vector<128x192xi1>, vector<128x192xf32>
        %lt3A_245 = arith.constant 0.000000e+00 : f32
        %lt3A_246 = vector.broadcast %lt3A_245 : f32 to vector<128x192xf32>
        %lt3A_247 = arith.cmpf olt, %mul3A_128, %lt3A_246 : vector<128x192xf32>
        %sub3A_248 = arith.constant 2.000000e+00 : f32
        %sub3A_249 = vector.broadcast %sub3A_248 : f32 to vector<128x192xf32>
        %sub3A_250 = arith.subf %sub3A_249, %select_n3A_244 : vector<128x192xf32>
        %select_n3A_251 = arith.select %lt3A_247, %sub3A_250, %select_n3A_244 : vector<128x192xi1>, vector<128x192xf32>
        %lt3A_252 = arith.constant 1.000000e+00 : f32
        %lt3A_253 = vector.broadcast %lt3A_252 : f32 to vector<128x192xf32>
        %lt3A_254 = arith.cmpf olt, %abs3A, %lt3A_253 : vector<128x192xf32>
        %select_n3A_255 = arith.select %lt3A_254, %sub3A_159, %select_n3A_251 : vector<128x192xi1>, vector<128x192xf32>
        %mul3A_256 = arith.mulf %mul3A_123, %select_n3A_255 : vector<128x192xf32>
        %get3A_257 = arith.constant 0 : index
        %get3A_258 = arith.constant 0 : index
        %get3A_259 = vector.load %arg3[%get3A_257, %get3A_258] : memref<192x8xf32, #tpu.memory_space<vmem>>, vector<192x8xf32>
        %dot_general3A_260 = arith.constant dense<0.000000e+00> : vector<128x8xf32>
        %dot_general3A_261 = tpu.matmul %mul3A_256, %get3A_259, %dot_general3A_260 {dimension_numbers = #tpu.dot_dimension_numbers<[1], [0], [0], [1], [0, 0, 1, 1], [], []>, transpose_lhs_hint = false} : vector<128x192xf32>, vector<192x8xf32>, vector<128x8xf32> -> vector<128x8xf32>
        %get3A_262 = arith.constant 0 : index
        %get3A_263 = vector.load %arg4[%get3A_262] : memref<8xf32, #tpu.memory_space<vmem>>, vector<8xf32>
        %broadcast_in_dim3A_264 = vector.shape_cast %get3A_263 : vector<8xf32> to vector<1x8xf32>
        %add3A_265 = vector.broadcast %broadcast_in_dim3A_264 : vector<1x8xf32> to vector<128x8xf32>
        %add3A_266 = arith.addf %dot_general3A_261, %add3A_265 : vector<128x8xf32>
        %mul3A_267 = arith.constant 1.000000e-01 : f32
        %mul3A_268 = vector.broadcast %mul3A_267 : f32 to vector<128x8xf32>
        %mul3A_269 = arith.mulf %add3A_266, %mul3A_268 : vector<128x8xf32>
        %transpose3A = tpu.transpose %mul3A_269, [1, 0] : vector<128x8xf32> -> vector<8x128xf32>
        %reduce_max3A = arith.constant dense<0xFF800000> : vector<128xf32>
        %reduce_max3A_270 = vector.multi_reduction <maximumf>, %transpose3A, %reduce_max3A [0] : vector<8x128xf32> to vector<128xf32>
        %broadcast_in_dim3A_271 = vector.shape_cast %reduce_max3A_270 : vector<128xf32> to vector<1x128xf32>
        %sub3A_272 = vector.broadcast %broadcast_in_dim3A_271 : vector<1x128xf32> to vector<8x128xf32>
        %sub3A_273 = arith.subf %transpose3A, %sub3A_272 : vector<8x128xf32>
        %exp3A_274 = math.exp %sub3A_273 : vector<8x128xf32>
        %reduce_sum3A = arith.constant dense<0.000000e+00> : vector<128xf32>
        %reduce_sum3A_275 = vector.multi_reduction <add>, %exp3A_274, %reduce_sum3A [0] : vector<8x128xf32> to vector<128xf32>
        %broadcast_in_dim3A_276 = vector.shape_cast %reduce_sum3A_275 : vector<128xf32> to vector<1x128xf32>
        %div3A_277 = vector.broadcast %broadcast_in_dim3A_276 : vector<1x128xf32> to vector<8x128xf32>
        %div3A_278 = arith.divf %exp3A_274, %div3A_277 : vector<8x128xf32>
        %mul3A_279 = arith.constant 0.699999988 : f32
        %mul3A_280 = vector.broadcast %mul3A_279 : f32 to vector<8x128xf32>
        %mul3A_281 = arith.mulf %mul3A_280, %div3A_278 : vector<8x128xf32>
        %add3A_282 = arith.constant 3.750000e-02 : f32
        %add3A_283 = vector.broadcast %add3A_282 : f32 to vector<8x128xf32>
        %add3A_284 = arith.addf %mul3A_281, %add3A_283 : vector<8x128xf32>
        %reduce_max3A_285 = arith.constant dense<0xFF800000> : vector<128xf32>
        %reduce_max3A_286 = vector.multi_reduction <maximumf>, %add3A_284, %reduce_max3A_285 [0] : vector<8x128xf32> to vector<128xf32>
        %broadcast_in_dim3A_287 = vector.shape_cast %reduce_max3A_286 : vector<128xf32> to vector<1x128xf32>
        %ge3A = vector.broadcast %broadcast_in_dim3A_287 : vector<1x128xf32> to vector<8x128xf32>
        %ge3A_288 = arith.cmpf oge, %add3A_284, %ge3A : vector<8x128xf32>
        %jit3A_289 = arith.constant 8 : i32
        %broadcast_in_dim3A_290 = vector.broadcast %jit3A_289 : i32 to vector<8x128xi32>
        %select_n3A_291 = arith.select %ge3A_288, %iota3A, %broadcast_in_dim3A_290 : vector<8x128xi1>, vector<8x128xi32>
        %reduce_min3A = arith.constant dense<2147483647> : vector<128xi32>
        %reduce_min3A_292 = vector.multi_reduction <minsi>, %select_n3A_291, %reduce_min3A [0] : vector<8x128xi32> to vector<128xi32>
        %broadcast_in_dim3A_293 = vector.shape_cast %reduce_min3A_292 : vector<128xi32> to vector<1x128xi32>
        %convert_element_type3A_294 = arith.sitofp %broadcast_in_dim3A_293 : vector<1x128xi32> to vector<1x128xf32>
        %concatenate3A = tpu.concatenate %broadcast_in_dim3A_287, %convert_element_type3A_294 in 0 : vector<1x128xf32>, vector<1x128xf32> -> vector<2x128xf32>
        %swap3A_295 = arith.constant 0 : index
        %swap3A_296 = arith.index_cast %multiple_of3A : i32 to index
        %swap3A_297 = vector.load %arg6[%swap3A_295, %swap3A_296] : memref<2x32768xf32, #tpu.memory_space<vmem>>, vector<2x128xf32>
        tpu.vector_store %arg6[%swap3A_295, %swap3A_296], %concatenate3A {strides = array<i32>} : memref<2x32768xf32, #tpu.memory_space<vmem>>, vector<2x128xf32>,
      } else {
      }
      %mul3A_41 = arith.constant 2 : i32
      %mul3A_42 = arith.muli %mul3A_41, %while3A_34 : i32
      %add3A_43 = arith.constant 1 : i32
      %add3A_44 = arith.addi %mul3A_42, %add3A_43 : i32
      %lt3A_45 = arith.cmpi slt, %add3A_44, %scan3A_4 : i32
      %convert_element_type3A_46 = arith.extui %lt3A_45 : i1 to i32
      %cond3A_47 = arith.constant 0 : i32
      %cond3A_48 = arith.cmpi ne, %convert_element_type3A_46, %cond3A_47 : i32
      scf.if %cond3A_48 {
        %get3A = arith.index_cast %add3A_44 : i32 to index
        %get3A_49 = memref.load %arg7[%get3A] : memref<256xi32, #tpu.memory_space<smem>>
        %multiple_of3A = tpu.assume_multiple %get3A_49, 128 : i32
        %dma_wait3A = arith.constant 1 : i32
        %dma_wait3A_50 = arith.constant 1 : i32
        %dma_wait3A_51 = tpu.memref_slice %arg10[%dma_wait3A_50] : memref<2x!tpu.dma_semaphore, #tpu.memory_space<semaphore_mem>> -> memref<1x!tpu.dma_semaphore, #tpu.memory_space<semaphore_mem>>
        %dma_wait3A_52 = tpu.memref_squeeze %dma_wait3A_51 : memref<1x!tpu.dma_semaphore, #tpu.memory_space<semaphore_mem>> -> memref<!tpu.dma_semaphore, #tpu.memory_space<semaphore_mem>>
        %dma_wait3A_53 = arith.constant 0 : i32
        %dma_wait3A_54 = arith.constant 0 : i32
        %dma_wait3A_55 = tpu.memref_slice %arg8[%dma_wait3A, %dma_wait3A_53, %dma_wait3A_54] : memref<2x128x768xf32, #tpu.memory_space<vmem>> -> memref<1x128x768xf32, #tpu.memory_space<vmem>>
        %dma_wait3A_56 = tpu.memref_squeeze %dma_wait3A_55 : memref<1x128x768xf32, #tpu.memory_space<vmem>> -> memref<128x768xf32, #tpu.memory_space<vmem>>
        %dma_wait3A_57 = arith.constant 0 : i32
        %dma_wait3A_58 = tpu.memref_slice %arg5[%multiple_of3A, %dma_wait3A_57] : memref<32768x768xf32, #tpu.memory_space<any>> -> memref<128x768xf32, #tpu.memory_space<any>>
        tpu.wait_dma2 semaphore(%dma_wait3A_52 : memref<!tpu.dma_semaphore, #tpu.memory_space<semaphore_mem>>) src(%dma_wait3A_58 : memref<128x768xf32, #tpu.memory_space<any>>) dst(%dma_wait3A_56 : memref<128x768xf32, #tpu.memory_space<vmem>>)
        %add3A_59 = arith.constant 1 : i32
        %add3A_60 = arith.addi %add3A_44, %add3A_59 : i32
        %lt3A_61 = arith.cmpi slt, %add3A_60, %scan3A_4 : i32
        %convert_element_type3A_62 = arith.extui %lt3A_61 : i1 to i32
        %cond3A_63 = arith.constant 0 : i32
        %cond3A_64 = arith.cmpi ne, %convert_element_type3A_62, %cond3A_63 : i32
        scf.if %cond3A_64 {
          %add3A_298 = arith.constant 1 : i32
          %add3A_299 = arith.addi %add3A_44, %add3A_298 : i32
          %get3A_300 = arith.index_cast %add3A_299 : i32 to index
          %get3A_301 = memref.load %arg7[%get3A_300] : memref<256xi32, #tpu.memory_space<smem>>
          %multiple_of3A_302 = tpu.assume_multiple %get3A_301, 128 : i32
          %dma_start3A = arith.constant 0 : i32
          %dma_start3A_303 = arith.constant 0 : i32
          %dma_start3A_304 = tpu.memref_slice %arg10[%dma_start3A_303] : memref<2x!tpu.dma_semaphore, #tpu.memory_space<semaphore_mem>> -> memref<1x!tpu.dma_semaphore, #tpu.memory_space<semaphore_mem>>
          %dma_start3A_305 = tpu.memref_squeeze %dma_start3A_304 : memref<1x!tpu.dma_semaphore, #tpu.memory_space<semaphore_mem>> -> memref<!tpu.dma_semaphore, #tpu.memory_space<semaphore_mem>>
          %dma_start3A_306 = arith.constant 0 : i32
          %dma_start3A_307 = arith.constant 0 : i32
          %dma_start3A_308 = tpu.memref_slice %arg8[%dma_start3A, %dma_start3A_306, %dma_start3A_307] : memref<2x128x768xf32, #tpu.memory_space<vmem>> -> memref<1x128x768xf32, #tpu.memory_space<vmem>>
          %dma_start3A_309 = tpu.memref_squeeze %dma_start3A_308 : memref<1x128x768xf32, #tpu.memory_space<vmem>> -> memref<128x768xf32, #tpu.memory_space<vmem>>
          %dma_start3A_310 = arith.constant 0 : i32
          %dma_start3A_311 = tpu.memref_slice %arg5[%multiple_of3A_302, %dma_start3A_310] : memref<32768x768xf32, #tpu.memory_space<any>> -> memref<128x768xf32, #tpu.memory_space<any>>
          tpu.enqueue_dma source(%dma_start3A_311 : memref<128x768xf32, #tpu.memory_space<any>>) target(%dma_start3A_309 : memref<128x768xf32, #tpu.memory_space<vmem>>) target_semaphore(%dma_start3A_305 : memref<!tpu.dma_semaphore, #tpu.memory_space<semaphore_mem>>)
        } else {
        }
        %get3A_65 = arith.constant 1 : index
        %get3A_66 = arith.constant 0 : index
        %get3A_67 = arith.constant 0 : index
        %get3A_68 = vector.load %arg8[%get3A_65, %get3A_66, %get3A_67] : memref<2x128x768xf32, #tpu.memory_space<vmem>>, vector<1x128x768xf32>
        %get3A_69 = vector.shape_cast %get3A_68 : vector<1x128x768xf32> to vector<128x768xf32>
        %get3A_70 = arith.constant 0 : index
        %get3A_71 = arith.constant 0 : index
        %get3A_72 = vector.load %arg1[%get3A_70, %get3A_71] : memref<768x192xf32, #tpu.memory_space<vmem>>, vector<768x192xf32>
        %slice3A = vector.extract_strided_slice %get3A_69 {offsets = [0, 0], sizes = [128, 256], strides = [1, 1]} : vector<128x768xf32> to vector<128x256xf32>
        %slice3A_73 = vector.extract_strided_slice %get3A_72 {offsets = [0, 0], sizes = [256, 192], strides = [1, 1]} : vector<768x192xf32> to vector<256x192xf32>
        %dot_general3A = arith.constant dense<0.000000e+00> : vector<128x192xf32>
        %dot_general3A_74 = tpu.matmul %slice3A, %slice3A_73, %dot_general3A {dimension_numbers = #tpu.dot_dimension_numbers<[1], [0], [0], [1], [0, 0, 1, 1], [], []>, transpose_lhs_hint = false} : vector<128x256xf32>, vector<256x192xf32>, vector<128x192xf32> -> vector<128x192xf32>
        %swap3A = arith.constant 0 : index
        %swap3A_75 = arith.constant 0 : index
        %swap3A_76 = arith.constant 0 : index
        %swap3A_77 = vector.load %arg9[%swap3A, %swap3A_75, %swap3A_76] : memref<3x128x192xf32, #tpu.memory_space<vmem>>, vector<1x128x192xf32>
        %swap3A_78 = vector.shape_cast %swap3A_77 : vector<1x128x192xf32> to vector<128x192xf32>
        %swap3A_79 = vector.shape_cast %dot_general3A_74 : vector<128x192xf32> to vector<1x128x192xf32>
        tpu.vector_store %arg9[%swap3A, %swap3A_75, %swap3A_76], %swap3A_79 {strides = array<i32>} : memref<3x128x192xf32, #tpu.memory_space<vmem>>, vector<1x128x192xf32>,
        %slice3A_80 = vector.extract_strided_slice %get3A_69 {offsets = [0, 256], sizes = [128, 256], strides = [1, 1]} : vector<128x768xf32> to vector<128x256xf32>
        %slice3A_81 = vector.extract_strided_slice %get3A_72 {offsets = [256, 0], sizes = [256, 192], strides = [1, 1]} : vector<768x192xf32> to vector<256x192xf32>
        %dot_general3A_82 = arith.constant dense<0.000000e+00> : vector<128x192xf32>
        %dot_general3A_83 = tpu.matmul %slice3A_80, %slice3A_81, %dot_general3A_82 {dimension_numbers = #tpu.dot_dimension_numbers<[1], [0], [0], [1], [0, 0, 1, 1], [], []>, transpose_lhs_hint = false} : vector<128x256xf32>, vector<256x192xf32>, vector<128x192xf32> -> vector<128x192xf32>
        %swap3A_84 = arith.constant 1 : index
        %swap3A_85 = arith.constant 0 : index
        %swap3A_86 = arith.constant 0 : index
        %swap3A_87 = vector.load %arg9[%swap3A_84, %swap3A_85, %swap3A_86] : memref<3x128x192xf32, #tpu.memory_space<vmem>>, vector<1x128x192xf32>
        %swap3A_88 = vector.shape_cast %swap3A_87 : vector<1x128x192xf32> to vector<128x192xf32>
        %swap3A_89 = vector.shape_cast %dot_general3A_83 : vector<128x192xf32> to vector<1x128x192xf32>
        tpu.vector_store %arg9[%swap3A_84, %swap3A_85, %swap3A_86], %swap3A_89 {strides = array<i32>} : memref<3x128x192xf32, #tpu.memory_space<vmem>>, vector<1x128x192xf32>,
        %slice3A_90 = vector.extract_strided_slice %get3A_69 {offsets = [0, 512], sizes = [128, 256], strides = [1, 1]} : vector<128x768xf32> to vector<128x256xf32>
        %slice3A_91 = vector.extract_strided_slice %get3A_72 {offsets = [512, 0], sizes = [256, 192], strides = [1, 1]} : vector<768x192xf32> to vector<256x192xf32>
        %dot_general3A_92 = arith.constant dense<0.000000e+00> : vector<128x192xf32>
        %dot_general3A_93 = tpu.matmul %slice3A_90, %slice3A_91, %dot_general3A_92 {dimension_numbers = #tpu.dot_dimension_numbers<[1], [0], [0], [1], [0, 0, 1, 1], [], []>, transpose_lhs_hint = false} : vector<128x256xf32>, vector<256x192xf32>, vector<128x192xf32> -> vector<128x192xf32>
        %swap3A_94 = arith.constant 2 : index
        %swap3A_95 = arith.constant 0 : index
        %swap3A_96 = arith.constant 0 : index
        %swap3A_97 = vector.load %arg9[%swap3A_94, %swap3A_95, %swap3A_96] : memref<3x128x192xf32, #tpu.memory_space<vmem>>, vector<1x128x192xf32>
        %swap3A_98 = vector.shape_cast %swap3A_97 : vector<1x128x192xf32> to vector<128x192xf32>
        %swap3A_99 = vector.shape_cast %dot_general3A_93 : vector<128x192xf32> to vector<1x128x192xf32>
        tpu.vector_store %arg9[%swap3A_94, %swap3A_95, %swap3A_96], %swap3A_99 {strides = array<i32>} : memref<3x128x192xf32, #tpu.memory_space<vmem>>, vector<1x128x192xf32>,
        %get3A_100 = arith.constant 0 : index
        %get3A_101 = arith.constant 0 : index
        %get3A_102 = arith.constant 0 : index
        %get3A_103 = vector.load %arg9[%get3A_100, %get3A_101, %get3A_102] : memref<3x128x192xf32, #tpu.memory_space<vmem>>, vector<1x128x192xf32>
        %get3A_104 = vector.shape_cast %get3A_103 : vector<1x128x192xf32> to vector<128x192xf32>
        %get3A_105 = arith.constant 1 : index
        %get3A_106 = arith.constant 0 : index
        %get3A_107 = arith.constant 0 : index
        %get3A_108 = vector.load %arg9[%get3A_105, %get3A_106, %get3A_107] : memref<3x128x192xf32, #tpu.memory_space<vmem>>, vector<1x128x192xf32>
        %get3A_109 = vector.shape_cast %get3A_108 : vector<1x128x192xf32> to vector<128x192xf32>
        %add3A_110 = arith.addf %get3A_104, %get3A_109 : vector<128x192xf32>
        %get3A_111 = arith.constant 2 : index
        %get3A_112 = arith.constant 0 : index
        %get3A_113 = arith.constant 0 : index
        %get3A_114 = vector.load %arg9[%get3A_111, %get3A_112, %get3A_113] : memref<3x128x192xf32, #tpu.memory_space<vmem>>, vector<1x128x192xf32>
        %get3A_115 = vector.shape_cast %get3A_114 : vector<1x128x192xf32> to vector<128x192xf32>
        %add3A_116 = arith.addf %add3A_110, %get3A_115 : vector<128x192xf32>
        %get3A_117 = arith.constant 0 : index
        %get3A_118 = vector.load %arg2[%get3A_117] : memref<192xf32, #tpu.memory_space<vmem>>, vector<192xf32>
        %broadcast_in_dim3A = vector.shape_cast %get3A_118 : vector<192xf32> to vector<1x192xf32>
        %add3A_119 = vector.broadcast %broadcast_in_dim3A : vector<1x192xf32> to vector<128x192xf32>
        %add3A_120 = arith.addf %add3A_116, %add3A_119 : vector<128x192xf32>
        %mul3A_121 = arith.constant 5.000000e-01 : f32
        %mul3A_122 = vector.broadcast %mul3A_121 : f32 to vector<128x192xf32>
        %mul3A_123 = arith.mulf %mul3A_122, %add3A_120 : vector<128x192xf32>
        %neg3A = arith.constant 0.000000e+00 : f32
        %neg3A_124 = vector.broadcast %neg3A : f32 to vector<128x192xf32>
        %neg3A_125 = arith.subf %neg3A_124, %add3A_120 : vector<128x192xf32>
        %mul3A_126 = arith.constant 0.707106769 : f32
        %mul3A_127 = vector.broadcast %mul3A_126 : f32 to vector<128x192xf32>
        %mul3A_128 = arith.mulf %neg3A_125, %mul3A_127 : vector<128x192xf32>
        %abs3A = math.absf %mul3A_128 : vector<128x192xf32>
        %mul3A_129 = arith.mulf %mul3A_128, %mul3A_128 : vector<128x192xf32>
        %mul3A_130 = arith.constant 7.85386146E-5 : f32
        %mul3A_131 = vector.broadcast %mul3A_130 : f32 to vector<128x192xf32>
        %mul3A_132 = arith.mulf %mul3A_129, %mul3A_131 : vector<128x192xf32>
        %add3A_133 = arith.constant -8.0101937E-4 : f32
        %add3A_134 = vector.broadcast %add3A_133 : f32 to vector<128x192xf32>
        %add3A_135 = arith.addf %mul3A_132, %add3A_134 : vector<128x192xf32>
        %mul3A_136 = arith.mulf %add3A_135, %mul3A_129 : vector<128x192xf32>
        %add3A_137 = arith.constant 0.00518832775 : f32
        %add3A_138 = vector.broadcast %add3A_137 : f32 to vector<128x192xf32>
        %add3A_139 = arith.addf %mul3A_136, %add3A_138 : vector<128x192xf32>
        %mul3A_140 = arith.mulf %add3A_139, %mul3A_129 : vector<128x192xf32>
        %add3A_141 = arith.constant -0.0268538129 : f32
        %add3A_142 = vector.broadcast %add3A_141 : f32 to vector<128x192xf32>
        %add3A_143 = arith.addf %mul3A_140, %add3A_142 : vector<128x192xf32>
        %mul3A_144 = arith.mulf %add3A_143, %mul3A_129 : vector<128x192xf32>
        %add3A_145 = arith.constant 0.112835854 : f32
        %add3A_146 = vector.broadcast %add3A_145 : f32 to vector<128x192xf32>
        %add3A_147 = arith.addf %mul3A_144, %add3A_146 : vector<128x192xf32>
        %mul3A_148 = arith.mulf %add3A_147, %mul3A_129 : vector<128x192xf32>
        %add3A_149 = arith.constant -0.37612626 : f32
        %add3A_150 = vector.broadcast %add3A_149 : f32 to vector<128x192xf32>
        %add3A_151 = arith.addf %mul3A_148, %add3A_150 : vector<128x192xf32>
        %mul3A_152 = arith.mulf %add3A_151, %mul3A_129 : vector<128x192xf32>
        %add3A_153 = arith.constant 1.12837911 : f32
        %add3A_154 = vector.broadcast %add3A_153 : f32 to vector<128x192xf32>
        %add3A_155 = arith.addf %mul3A_152, %add3A_154 : vector<128x192xf32>
        %mul3A_156 = arith.mulf %mul3A_128, %add3A_155 : vector<128x192xf32>
        %sub3A_157 = arith.constant 1.000000e+00 : f32
        %sub3A_158 = vector.broadcast %sub3A_157 : f32 to vector<128x192xf32>
        %sub3A_159 = arith.subf %sub3A_158, %mul3A_156 : vector<128x192xf32>
        %neg3A_160 = arith.constant 0.000000e+00 : f32
        %neg3A_161 = vector.broadcast %neg3A_160 : f32 to vector<128x192xf32>
        %neg3A_162 = arith.subf %neg3A_161, %mul3A_129 : vector<128x192xf32>
        %exp3A = math.exp %neg3A_162 : vector<128x192xf32>
        %div3A_163 = arith.constant 1.000000e+00 : f32
        %div3A_164 = vector.broadcast %div3A_163 : f32 to vector<128x192xf32>
        %div3A_165 = arith.divf %div3A_164, %abs3A : vector<128x192xf32>
        %mul3A_166 = arith.mulf %exp3A, %div3A_165 : vector<128x192xf32>
        %div3A_167 = arith.constant 1.000000e+00 : f32
        %div3A_168 = vector.broadcast %div3A_167 : f32 to vector<128x192xf32>
        %div3A_169 = arith.divf %div3A_168, %mul3A_129 : vector<128x192xf32>
        %mul3A_170 = arith.constant 2.326820e-02 : f32
        %mul3A_171 = vector.broadcast %mul3A_170 : f32 to vector<128x192xf32>
        %mul3A_172 = arith.mulf %div3A_169, %mul3A_171 : vector<128x192xf32>
        %add3A_173 = arith.constant -0.138703942 : f32
        %add3A_174 = vector.broadcast %add3A_173 : f32 to vector<128x192xf32>
        %add3A_175 = arith.addf %mul3A_172, %add3A_174 : vector<128x192xf32>
        %mul3A_176 = arith.mulf %add3A_175, %div3A_169 : vector<128x192xf32>
        %add3A_177 = arith.constant 0.368742466 : f32
        %add3A_178 = vector.broadcast %add3A_177 : f32 to vector<128x192xf32>
        %add3A_179 = arith.addf %mul3A_176, %add3A_178 : vector<128x192xf32>
        %mul3A_180 = arith.mulf %add3A_179, %div3A_169 : vector<128x192xf32>
        %add3A_181 = arith.constant -0.582473278 : f32
        %add3A_182 = vector.broadcast %add3A_181 : f32 to vector<128x192xf32>
        %add3A_183 = arith.addf %mul3A_180, %add3A_182 : vector<128x192xf32>
        %mul3A_184 = arith.mulf %add3A_183, %div3A_169 : vector<128x192xf32>
        %add3A_185 = arith.constant 0.621000468 : f32
        %add3A_186 = vector.broadcast %add3A_185 : f32 to vector<128x192xf32>
        %add3A_187 = arith.addf %mul3A_184, %add3A_186 : vector<128x192xf32>
        %mul3A_188 = arith.mulf %add3A_187, %div3A_169 : vector<128x192xf32>
        %add3A_189 = arith.constant -0.494451523 : f32
        %add3A_190 = vector.broadcast %add3A_189 : f32 to vector<128x192xf32>
        %add3A_191 = arith.addf %mul3A_188, %add3A_190 : vector<128x192xf32>
        %mul3A_192 = arith.mulf %add3A_191, %div3A_169 : vector<128x192xf32>
        %add3A_193 = arith.constant 3.404880e-01 : f32
        %add3A_194 = vector.broadcast %add3A_193 : f32 to vector<128x192xf32>
        %add3A_195 = arith.addf %mul3A_192, %add3A_194 : vector<128x192xf32>
        %mul3A_196 = arith.mulf %add3A_195, %div3A_169 : vector<128x192xf32>
        %add3A_197 = arith.constant -0.274112701 : f32
        %add3A_198 = vector.broadcast %add3A_197 : f32 to vector<128x192xf32>
        %add3A_199 = arith.addf %mul3A_196, %add3A_198 : vector<128x192xf32>
        %mul3A_200 = arith.mulf %add3A_199, %div3A_169 : vector<128x192xf32>
        %add3A_201 = arith.constant 0.563825965 : f32
        %add3A_202 = vector.broadcast %add3A_201 : f32 to vector<128x192xf32>
        %add3A_203 = arith.addf %mul3A_200, %add3A_202 : vector<128x192xf32>
        %mul3A_204 = arith.constant -10.477664 : f32
        %mul3A_205 = vector.broadcast %mul3A_204 : f32 to vector<128x192xf32>
        %mul3A_206 = arith.mulf %div3A_169, %mul3A_205 : vector<128x192xf32>
        %add3A_207 = arith.constant 1.297720e+01 : f32
        %add3A_208 = vector.broadcast %add3A_207 : f32 to vector<128x192xf32>
        %add3A_209 = arith.addf %mul3A_206, %add3A_208 : vector<128x192xf32>
        %mul3A_210 = arith.mulf %add3A_209, %div3A_169 : vector<128x192xf32>
        %add3A_211 = arith.constant -7.49551868 : f32
        %add3A_212 = vector.broadcast %add3A_211 : f32 to vector<128x192xf32>
        %add3A_213 = arith.addf %mul3A_210, %add3A_212 : vector<128x192xf32>
        %mul3A_214 = arith.mulf %add3A_213, %div3A_169 : vector<128x192xf32>
        %add3A_215 = arith.constant 2.92101908 : f32
        %add3A_216 = vector.broadcast %add3A_215 : f32 to vector<128x192xf32>
        %add3A_217 = arith.addf %mul3A_214, %add3A_216 : vector<128x192xf32>
        %mul3A_218 = arith.mulf %add3A_217, %div3A_169 : vector<128x192xf32>
        %add3A_219 = arith.constant -1.01526523 : f32
        %add3A_220 = vector.broadcast %add3A_219 : f32 to vector<128x192xf32>
        %add3A_221 = arith.addf %mul3A_218, %add3A_220 : vector<128x192xf32>
        %mul3A_222 = arith.mulf %add3A_221, %div3A_169 : vector<128x192xf32>
        %add3A_223 = arith.constant 0.42184633 : f32
        %add3A_224 = vector.broadcast %add3A_223 : f32 to vector<128x192xf32>
        %add3A_225 = arith.addf %mul3A_222, %add3A_224 : vector<128x192xf32>
        %mul3A_226 = arith.mulf %add3A_225, %div3A_169 : vector<128x192xf32>
        %add3A_227 = arith.constant -0.282076746 : f32
        %add3A_228 = vector.broadcast %add3A_227 : f32 to vector<128x192xf32>
        %add3A_229 = arith.addf %mul3A_226, %add3A_228 : vector<128x192xf32>
        %mul3A_230 = arith.mulf %add3A_229, %div3A_169 : vector<128x192xf32>
        %add3A_231 = arith.constant 0.564189494 : f32
        %add3A_232 = vector.broadcast %add3A_231 : f32 to vector<128x192xf32>
        %add3A_233 = arith.addf %mul3A_230, %add3A_232 : vector<128x192xf32>
        %lt3A_234 = arith.constant 2.000000e+00 : f32
        %lt3A_235 = vector.broadcast %lt3A_234 : f32 to vector<128x192xf32>
        %lt3A_236 = arith.cmpf olt, %abs3A, %lt3A_235 : vector<128x192xf32>
        %select_n3A_237 = arith.select %lt3A_236, %add3A_203, %add3A_233 : vector<128x192xi1>, vector<128x192xf32>
        %mul3A_238 = arith.mulf %mul3A_166, %select_n3A_237 : vector<128x192xf32>
        %lt3A_239 = arith.constant -88.7228394 : f32
        %lt3A_240 = vector.broadcast %lt3A_239 : f32 to vector<128x192xf32>
        %lt3A_241 = arith.cmpf olt, %neg3A_162, %lt3A_240 : vector<128x192xf32>
        %jit3A_242 = arith.constant 0.000000e+00 : f32
        %broadcast_in_dim3A_243 = vector.broadcast %jit3A_242 : f32 to vector<128x192xf32>
        %select_n3A_244 = arith.select %lt3A_241, %broadcast_in_dim3A_243, %mul3A_238 : vector<128x192xi1>, vector<128x192xf32>
        %lt3A_245 = arith.constant 0.000000e+00 : f32
        %lt3A_246 = vector.broadcast %lt3A_245 : f32 to vector<128x192xf32>
        %lt3A_247 = arith.cmpf olt, %mul3A_128, %lt3A_246 : vector<128x192xf32>
        %sub3A_248 = arith.constant 2.000000e+00 : f32
        %sub3A_249 = vector.broadcast %sub3A_248 : f32 to vector<128x192xf32>
        %sub3A_250 = arith.subf %sub3A_249, %select_n3A_244 : vector<128x192xf32>
        %select_n3A_251 = arith.select %lt3A_247, %sub3A_250, %select_n3A_244 : vector<128x192xi1>, vector<128x192xf32>
        %lt3A_252 = arith.constant 1.000000e+00 : f32
        %lt3A_253 = vector.broadcast %lt3A_252 : f32 to vector<128x192xf32>
        %lt3A_254 = arith.cmpf olt, %abs3A, %lt3A_253 : vector<128x192xf32>
        %select_n3A_255 = arith.select %lt3A_254, %sub3A_159, %select_n3A_251 : vector<128x192xi1>, vector<128x192xf32>
        %mul3A_256 = arith.mulf %mul3A_123, %select_n3A_255 : vector<128x192xf32>
        %get3A_257 = arith.constant 0 : index
        %get3A_258 = arith.constant 0 : index
        %get3A_259 = vector.load %arg3[%get3A_257, %get3A_258] : memref<192x8xf32, #tpu.memory_space<vmem>>, vector<192x8xf32>
        %dot_general3A_260 = arith.constant dense<0.000000e+00> : vector<128x8xf32>
        %dot_general3A_261 = tpu.matmul %mul3A_256, %get3A_259, %dot_general3A_260 {dimension_numbers = #tpu.dot_dimension_numbers<[1], [0], [0], [1], [0, 0, 1, 1], [], []>, transpose_lhs_hint = false} : vector<128x192xf32>, vector<192x8xf32>, vector<128x8xf32> -> vector<128x8xf32>
        %get3A_262 = arith.constant 0 : index
        %get3A_263 = vector.load %arg4[%get3A_262] : memref<8xf32, #tpu.memory_space<vmem>>, vector<8xf32>
        %broadcast_in_dim3A_264 = vector.shape_cast %get3A_263 : vector<8xf32> to vector<1x8xf32>
        %add3A_265 = vector.broadcast %broadcast_in_dim3A_264 : vector<1x8xf32> to vector<128x8xf32>
        %add3A_266 = arith.addf %dot_general3A_261, %add3A_265 : vector<128x8xf32>
        %mul3A_267 = arith.constant 1.000000e-01 : f32
        %mul3A_268 = vector.broadcast %mul3A_267 : f32 to vector<128x8xf32>
        %mul3A_269 = arith.mulf %add3A_266, %mul3A_268 : vector<128x8xf32>
        %transpose3A = tpu.transpose %mul3A_269, [1, 0] : vector<128x8xf32> -> vector<8x128xf32>
        %reduce_max3A = arith.constant dense<0xFF800000> : vector<128xf32>
        %reduce_max3A_270 = vector.multi_reduction <maximumf>, %transpose3A, %reduce_max3A [0] : vector<8x128xf32> to vector<128xf32>
        %broadcast_in_dim3A_271 = vector.shape_cast %reduce_max3A_270 : vector<128xf32> to vector<1x128xf32>
        %sub3A_272 = vector.broadcast %broadcast_in_dim3A_271 : vector<1x128xf32> to vector<8x128xf32>
        %sub3A_273 = arith.subf %transpose3A, %sub3A_272 : vector<8x128xf32>
        %exp3A_274 = math.exp %sub3A_273 : vector<8x128xf32>
        %reduce_sum3A = arith.constant dense<0.000000e+00> : vector<128xf32>
        %reduce_sum3A_275 = vector.multi_reduction <add>, %exp3A_274, %reduce_sum3A [0] : vector<8x128xf32> to vector<128xf32>
        %broadcast_in_dim3A_276 = vector.shape_cast %reduce_sum3A_275 : vector<128xf32> to vector<1x128xf32>
        %div3A_277 = vector.broadcast %broadcast_in_dim3A_276 : vector<1x128xf32> to vector<8x128xf32>
        %div3A_278 = arith.divf %exp3A_274, %div3A_277 : vector<8x128xf32>
        %mul3A_279 = arith.constant 0.699999988 : f32
        %mul3A_280 = vector.broadcast %mul3A_279 : f32 to vector<8x128xf32>
        %mul3A_281 = arith.mulf %mul3A_280, %div3A_278 : vector<8x128xf32>
        %add3A_282 = arith.constant 3.750000e-02 : f32
        %add3A_283 = vector.broadcast %add3A_282 : f32 to vector<8x128xf32>
        %add3A_284 = arith.addf %mul3A_281, %add3A_283 : vector<8x128xf32>
        %reduce_max3A_285 = arith.constant dense<0xFF800000> : vector<128xf32>
        %reduce_max3A_286 = vector.multi_reduction <maximumf>, %add3A_284, %reduce_max3A_285 [0] : vector<8x128xf32> to vector<128xf32>
        %broadcast_in_dim3A_287 = vector.shape_cast %reduce_max3A_286 : vector<128xf32> to vector<1x128xf32>
        %ge3A = vector.broadcast %broadcast_in_dim3A_287 : vector<1x128xf32> to vector<8x128xf32>
        %ge3A_288 = arith.cmpf oge, %add3A_284, %ge3A : vector<8x128xf32>
        %jit3A_289 = arith.constant 8 : i32
        %broadcast_in_dim3A_290 = vector.broadcast %jit3A_289 : i32 to vector<8x128xi32>
        %select_n3A_291 = arith.select %ge3A_288, %iota3A, %broadcast_in_dim3A_290 : vector<8x128xi1>, vector<8x128xi32>
        %reduce_min3A = arith.constant dense<2147483647> : vector<128xi32>
        %reduce_min3A_292 = vector.multi_reduction <minsi>, %select_n3A_291, %reduce_min3A [0] : vector<8x128xi32> to vector<128xi32>
        %broadcast_in_dim3A_293 = vector.shape_cast %reduce_min3A_292 : vector<128xi32> to vector<1x128xi32>
        %convert_element_type3A_294 = arith.sitofp %broadcast_in_dim3A_293 : vector<1x128xi32> to vector<1x128xf32>
        %concatenate3A = tpu.concatenate %broadcast_in_dim3A_287, %convert_element_type3A_294 in 0 : vector<1x128xf32>, vector<1x128xf32> -> vector<2x128xf32>
        %swap3A_295 = arith.constant 0 : index
        %swap3A_296 = arith.index_cast %multiple_of3A : i32 to index
        %swap3A_297 = vector.load %arg6[%swap3A_295, %swap3A_296] : memref<2x32768xf32, #tpu.memory_space<vmem>>, vector<2x128xf32>
        tpu.vector_store %arg6[%swap3A_295, %swap3A_296], %concatenate3A {strides = array<i32>} : memref<2x32768xf32, #tpu.memory_space<vmem>>, vector<2x128xf32>,
      } else {
      }
    }
    return
  }
}

</mosaic_0001>

<sc_bundles>
// kernel: kernel.5.cloned.1.call-start
scs
__scs_entry_jumppad:
0x0: {  	(pc) =	sbr.rel $0x88, $3  }
0x1: {  	(tag) =	ssettag $0x0;
	lr =	simm.s32 $0x1  }
0x2: {  	[smem:$0x3F9A] =	sst lr;
	_ =	strace $0xD0000000  }
0x3: {  	_ = 	snop  }
0x4: {  	_ = 	snop  }
0x5: {  	_ = 	snop  }
0x6: {  	_ = 	snop  }
0x7: {  	_ = 	snop  }
__scs_overlays_trampoline_lowered:
0x8: {  	[smem:$0x3FA9] =	sst s0  }
0x9: {  	[smem:$0x3FAA] =	sst s1  }
0xa: {  	[smem:$0x3FAB] =	sst s2  }
0xb: {  	[smem:$0x3FAC] =	sst s3  }
0xc: {  	[smem:$0x3FAD] =	sst s4  }
0xd: {  	[smem:$0x3FAE] =	sst s5  }
0xe: {  	[smem:$0x3FAF] =	sst s6  }
0xf: {  	[smem:$0x3FB0] =	sst s7  }
0x10: {  	[smem:$0x3FB1] =	sst s8  }
0x11: {  	[smem:$0x3FB2] =	sst s9;
	s0 =	simm.s32 @!p0 $0x0  }
0x12: {  	s1 =	sld [smem:$0x3F98];
	s0 =	simm.s32 @p0 $0x1  }
0x13: {  	[smem:$0x3FB3] =	sst s0;
	s0 =	simm.s32 @!p1 $0x0  }
0x14: {  	s2 =	sld [smem:$0x3F97];
	s0 =	simm.s32 @p1 $0x1  }
0x15: {  	[smem:$0x3FB4] =	sst s0;
	s0 =	simm.s32 @!p2 $0x0  }
0x16: {  	s3 =	sld [smem:$0x3FDB];
	s0 =	simm.s32 @p2 $0x1  }
0x17: {  	s4 =	simm.s32 $0x1BF5;
	[smem:$0x3FB6] =	sst s0  }
0x18: {  	s0 =	sld [smem:$0x3F99];
	_ =	swait.ge [sflag:s4], $0x0  }
0x19: {  	s7 =	sld [smem:$0x3F9A]  }
0x1a: {  	s8 =	sadd.s32 $0xFFFFE003, lr  }
0x1b: {  	s9 =	sadd.s32 $0xFFFFFEF7, lr;
	s5 =	simm.s32 $0xFFFFFFFF;
	p2 =	slt.u32 s8, $0xFFFFF086  }
0x1c: {  	p1 =	slt.u32 s9, $0xF7A;
	s5 =	simm.s32 @!p2 $0x0  }
0x1d: {  	s5 =	simm.s32 @p1 $0x1;
	p0 =	seq.s32 s7, s2  }
0x1e: {  	s7 =	smul.u32 @!p0 $0xF7A, s2;
	p2 =	seq.s32 @!p0 s5, $0x0  }
0x1f: {  	s9 =	smul.u32 $0xF7A, s1;
	s8 =	simm.s32 @!p0 $0x1BF5;
	p2 =	por !p2, p0  }
0x20: {  	[sflag:s8] =	ssyncset.s32 @!p0 $0xFFFFF086;
	s6 =	sadd.s32 @!p0 s3, s7;
	s7 =	simm.s32 @!p0 $0x108  }
0x21: {  	s3 =	sadd.s32 s3, s9;
	s6 =	sadd.s32 @!p0 $0x88, s6;
	s7 =	simm.s32 @p2 $0x1082  }
0x22: {  	[simem:s7], [sflag:s8] =	dma.local @!p0 [hbm:s6], $0xF7A  }
0x23: {  	s9 =	sor.u32 $0xD0000000, s2;
	s6 =	simm.s32 $0x108;
	_ =	swait.ge @!p0 [sflag:s8], $0x0  }
0x24: {  	s3 =	sadd.s32 $0x88, s3;
	s6 =	simm.s32 @!p1 $0x1082;
	[sflag:s4] =	ssyncset.s32 $0xFFFFF086  }
0x25: {  	[simem:s6], [sflag:s4] =	dma.local [hbm:s3], $0xF7A  }
0x26: {  	[smem:$0x3F9A] =	sst s1;
	(tag) =	ssettag s2;
	_ =	strace s9  }
0x27: {  	s1 =	sld [smem:$0x3FAA]  }
0x28: {  	s2 =	sld [smem:$0x3FAB]  }
0x29: {  	s4 =	sld [smem:$0x3FAD]  }
0x2a: {  	p0 =	seq.s32 s5, $0x0;
	s5 =	sld [smem:$0x3FAE]  }
0x2b: {  	s6 =	sld [smem:$0x3FAF]  }
0x2c: {  	s7 =	sld [smem:$0x3FB0]  }
0x2d: {  	s3 =	simm.s32 $0x108;
	s8 =	sld [smem:$0x3FB1]  }
0x2e: {  	s3 =	simm.s32 @!p0 $0x1082;
	s9 =	sld [smem:$0x3FB2]  }
0x2f: {  	lr =	sadd.s32 s0, s3;
	s0 =	sld [smem:$0x3FA9]  }
0x30: {  	s3 =	sld [smem:$0x3FAC]  }
0x31: {  	[smem:$0x3FB5] =	sst s10  }
0x32: {  	s10 =	sld [smem:$0x3FB3];
	_ =	sdelay $0x3  }
0x33: {  	p0 =	seq.s32 s10, $0x1;
	s10 =	sld [smem:$0x3FB5];
	_ =	sdelay $0x3  }
0x34: {  	[smem:$0x3FB5] =	sst s10  }
0x35: {  	s10 =	sld [smem:$0x3FB4];
	_ =	sdelay $0x3  }
0x36: {  	p1 =	seq.s32 s10, $0x1;
	s10 =	sld [smem:$0x3FB5];
	_ =	sdelay $0x3  }
0x37: {  	[smem:$0x3FB5] =	sst s10  }
0x38: {  	s10 =	sld [smem:$0x3FB6]  }
0x39: {  	_ = 	snop;
	(pc) =	sbr.ind lr, $3  }
0x3a: {  	_ = 	snop  }
0x3b: {  	_ = 	snop  }
0x3c: {  	p2 =	seq.s32 s10, $0x1;
	s10 =	sld [smem:$0x3FB5]  }
0x3d: {  	_ =	shalt  }
0x3e: {  	_ =	shalt  }
0x3f: {  	_ =	shalt  }
0x40: {  	_ =	shalt  }
0x41: {  	_ =	shalt  }
0x42: {  	_ =	shalt  }
0x43: {  	_ =	shalt  }
0x44: {  	_ =	shalt  }
0x45: {  	_ =	shalt  }
0x46: {  	_ =	shalt  }
0x47: {  	_ =	shalt  }
0x48: {  	_ =	shalt  }
0x49: {  	_ =	shalt  }
0x4a: {  	_ =	shalt  }
0x4b: {  	_ =	shalt  }
0x4c: {  	_ =	shalt  }
0x4d: {  	_ =	shalt  }
0x4e: {  	_ =	shalt  }
0x4f: {  	_ =	shalt  }
0x50: {  	_ =	shalt  }
0x51: {  	_ =	shalt  }
0x52: {  	_ =	shalt  }
0x53: {  	_ =	shalt  }
0x54: {  	_ =	shalt  }
0x55: {  	_ =	shalt  }
0x56: {  	_ =	shalt  }
0x57: {  	_ =	shalt  }
0x58: {  	_ =	shalt  }
0x59: {  	_ =	shalt  }
0x5a: {  	_ =	shalt  }
0x5b: {  	_ =	shalt  }
0x5c: {  	_ =	shalt  }
0x5d: {  	_ =	shalt  }
0x5e: {  	_ =	shalt  }
0x5f: {  	_ =	shalt  }
0x60: {  	_ =	shalt  }
0x61: {  	_ =	shalt  }
0x62: {  	_ =	shalt  }
0x63: {  	_ =	shalt  }
0x64: {  	_ =	shalt  }
0x65: {  	_ =	shalt  }
0x66: {  	_ =	shalt  }
0x67: {  	_ =	shalt  }
0x68: {  	_ =	shalt  }
0x69: {  	_ =	shalt  }
0x6a: {  	_ =	shalt  }
0x6b: {  	_ =	shalt  }
0x6c: {  	_ =	shalt  }
0x6d: {  	_ =	shalt  }
0x6e: {  	_ =	shalt  }
0x6f: {  	_ =	shalt  }
0x70: {  	_ =	shalt  }
0x71: {  	_ =	shalt  }
0x72: {  	_ =	shalt  }
0x73: {  	_ =	shalt  }
0x74: {  	_ =	shalt  }
0x75: {  	_ =	shalt  }
0x76: {  	_ =	shalt  }
0x77: {  	_ =	shalt  }
0x78: {  	_ =	shalt  }
0x79: {  	_ =	shalt  }
0x7a: {  	_ =	shalt  }
0x7b: {  	_ =	shalt  }
0x7c: {  	_ =	shalt  }
0x7d: {  	_ =	shalt  }
0x7e: {  	_ =	shalt  }
0x7f: {  	_ =	shalt  }
0x80: {  	_ =	shalt  }
0x81: {  	_ =	shalt  }
0x82: {  	_ =	shalt  }
0x83: {  	_ =	shalt  }
0x84: {  	_ =	shalt  }
0x85: {  	_ =	shalt  }
0x86: {  	_ =	shalt  }
0x87: {  	_ =	shalt  }
.Lfunc_end0:
.L_simem_size_0:
called_computation_lowered:
.L_overlay_start_0:
0x88: {  	s2 =	sld [smem:$0x3FD9]  }
0x89: {  	s3 =	sld [smem:$0x3FFE];
	_ =	sdelay $0x1  }
0x8a: {  	s1 =	srdreg.scid  }
0x8b: {  	s0 =	sand.u32 $0x1, s1  }
0x8c: {  	s14 =	sshll.u32 s0, $0xA;
	s2 =	sadd.s32 s3, s2  }
0x8d: {  	s2 =	sadd.s32 s2, s14  }
0x8e: {  	[smem:$0x3FC1] =	sst s2  }
0x8f: {  	_ = 	snop  }
0x90: {  	s2 =	sld [smem:$0x3FD0];
	_ =	sdelay $0x2  }
0x91: {  	s4 =	simm.s32 $0xA;
	s5 =	simm.s32 $0x10;
	s15 =	sld [smem:$0x3FC9]  }
0x92: {  	[smem:s5], [sflag:s4] =	dma.local [hbm:s2], $0x1  }
0x93: {  	_ =	swait.eq [sflag:s4], $0x1  }
0x94: {  	[sflag:s4] =	ssyncset.done $0x0  }
0x95: {  	[sflag:s4] =	ssyncadd.s32 $0xFFFFFFFF  }
0x96: {  	s16 =	sld [smem:$0x11];
	(tm) =	ssettm $0x1  }
0x97: {  	s17 =	sld [smem:$0x3FFB];
	_ =	sdelay $0x3  }
0x98: {  	_ =	strace s17  }
0x99: {  	s4 =	sld [smem:$0x3FFC];
	_ =	sdelay $0x3  }
0x9a: {  	_ =	strace s4  }
0x9b: {  	s4 =	sld [smem:$0x3FFD];
	_ =	sdelay $0x3  }
0x9c: {  	_ =	strace s4  }
0x9d: {  	_ =	strace $0x8FFFFFFF  }
0x9e: {  	s18 =	sld [smem:$0x3FDB];
	_ =	sdelay $0x1  }
0x9f: {  	s19 =	simm.s32 $_scs_section_size  }
0xa0: {  	s6 =	simm.s32 $_size__tile_overlayer_lowered;
	s7 =	simm.s32 $_tile_overlayer_lowered  }
0xa1: {  	s22 =	simm.s32 $0x1BFF;
	s21 =	sshll.u32 s7, $0x1;
	s4 =	sadd.s32 s19, s18  }
0xa2: {  	s8 =	simm.s32 $0x0;
	s20 =	sshll.u32 s6, $0x1;
	s6 =	sadd.s32 s21, s4  }
0xa3: {  	[timem:s8], [sflag:s22] =	dma.local [hbm:s6], s20  }
0xa4: {  	_ =	swait.ge [sflag:s22], s20  }
0xa5: {  	s5 =	ssub.s32 $0x0, s20;
	[sflag:s22] =	ssyncset.done $0x0  }
0xa6: {  	[sflag:s22] =	ssyncadd.s32 s5;
	_ =	sdelay $0x1  }
0xa7: {  	s23 =	simm.s32 $0x1B8B  }
0xa8: {  	_ =	swait.ge [sflag:s23], $0x1  }
0xa9: {  	[sflag:s23] =	ssyncset.done $0x0  }
0xaa: {  	s25 =	simm.s32 $0x1B8E;
	s24 =	sld [smem:$0x3FFE];
	[sflag:s23] =	ssyncadd.s32 $0xFFFFFFFF  }
0xab: {  	s26 =	simm.s32 $execute0_lowered;
	[smem:$0x3FD2] =	sst s25  }
0xac: {  	s6 =	sshll.u32 s26, $0x1;
	_ =	strace $0x80000046;
	[dreg:$0x1] =	wrdreg $0xFFFFFFFF  }
0xad: {  	s28 =	simm.s32 $_size_execute0_lowered;
	s4 =	sadd.s32 s4, s6;
	[dreg:$0x0] =	wrdreg $0x0  }
0xae: {  	s6 =	sshll.u32 s28, $0x1;
	[dreg:$0x2] =	wrdreg s4  }
0xaf: {  	[dreg:$0x3] =	wrdreg s6  }
0xb0: {  	[dreg:$0x4] =	wrdreg $0xC0  }
0xb1: {  	_ =	task [dreg:s8], $0x5FFFF  }
0xb2: {  	[dreg:$0x1] =	wrdreg $0xFFFFFFFF  }
0xb3: {  	[dreg:$0x0] =	wrdreg $0x60  }
0xb4: {  	[dreg:$0x2] =	wrdreg s24  }
0xb5: {  	[dreg:$0x3] =	wrdreg s15  }
0xb6: {  	[dreg:$0x4] =	wrdreg s16  }
0xb7: {  	[dreg:$0x5] =	wrdreg $0x9  }
0xb8: {  	_ =	task.clear_ibuf [dreg:s8], $0x6FFFF;
	_ =	strace $0x90000046  }
0xb9: {  	s29 =	simm.s32 $0x9;
	_ =	strace $0x80000048  }
0xba: {  	_ =	swait.ge [sflag:s29], $0x1  }
0xbb: {  	[sflag:s29] =	ssyncadd.s32 $0xFFFFFFFF  }
0xbc: {  	_ =	strace $0x90000048  }
0xbd: {  	_ =	sfence  }
0xbe: {  	s30 =	sld [smem:$0x0];
	_ =	sdelay $0x2  }
0xbf: {  	s31 =	sshll.u32 s1, $0xD;
	s1 =	sshrl.u32 s1, $0x2  }
0xc0: {  	s3 =	sand.u32 $0x4000, s31;
	s1 =	sadd.s32 s1, s30  }
0xc1: {  	s0 =	sor.u32 s3, s0;
	s1 =	sshll.u32 s1, $0x11  }
0xc2: {  	s0 =	sor.u32 s1, s0  }
0xc3: {  	s0 =	sadd.s32 $0x8F2B, s0  }
0xc4: {  	[sflag:s0] =	ssyncadd.remote.s32 $0x1  }
0xc5: {  	_ =	sfence.sel $0xFFFF  }
0xc6: {  	[dreg:$0x0] =	wrdreg $0xFFFFFFFF;
	(pc) =	sbr.abs _section_cstart, $3  }
0xc7: {  	[dreg:$0x1] =	wrdreg $0xFFFFFFFF  }
0xc8: {  	_ =	task.clear_ibuf [dreg:s8], $0x2FFFF;
	_ =	strace $0x9FFFFFFF  }
0xc9: {  	(tm) =	ssettm $0x7FFFFFFF  }
tec
execute0_lowered:
.L_overlay_start_1:
0x0: {  	(tag) =	ssettag $0x1  }
0x1: {  	s0 =	rddreg [dreg:$0x0]  }
0x2: {  	s2 =	rddreg [dreg:$0x1];
	s1 =	srdreg.scid  }
0x3: {  	s10 =	stileid.u32;
	s5 =	rddreg [dreg:$0x2];
	s3 =	simm.s32 $0x0  }
0x4: {  	s11 =	simm.s32 $0x3;
	s12 =	simm.s32 $0x400;
	s14 =	simm.s32 $0x1  }
0x5: {  	s15 =	simm.s32 $0x980;
	s28 =	simm.s32 $0x6980;
	s29 =	simm.s32 $0x7180  }
0x6: {  	s30 =	simm.s32 $0x7980;
	s31 =	simm.s32 $0x8180;
	s13 =	simm.s32 $0x9980  }
0x7: {  	s16 =	simm.s32 $0xC180;
	s17 =	simm.s32 $0xC980;
	s18 =	simm.s32 $0x4  }
0x8: {  	s19 =	simm.s32 $0x2;
	s20 =	simm.s32 $0x0;
	s1 =	sand.u32 $0x1, s1  }
0x9: {  	s4 =	sshll.u32 s10, $0x1;
	[smem:$0x7FF] =	sst s3;
	s25 =	sshll.u32 s10, $0xB  }
0xa: {  	s10 =	simm.s32 $0xB980;
	s6 =	sor.u32 s1, s4;
	s7 =	ssub.s32 $0x2, s1  }
0xb: {  	_ =	strace $0x80000047;
	s1 =	sshll.u32 s1, $0xA;
	s4 =	sshll.u32 s6, $0x7  }
0xc: {  	s9 =	sshrl.u32 s7, $0x1;
	s6 =	sshll.u32 s6, $0x4;
	s26 =	sor.u32 s1, s25  }
0xd: {  	s1 =	simm.s32 $0x8980;
	s8 =	sadd.s32 s4, s0;
	s4 =	sadd.s32 $0x2E00, s0  }
.Ltmp0:
0xe: {  	s23 =	ssub.s32 s7, s9;
	s5 =	sadd.s32 s5, s6;
	(pc) =	sbr.rel .LBB2_1-.Ltmp0, $4  }
0xf: {  	s7 =	sadd.s32 $0x100, s2;
	[dreg:$0x7] =	wrdreg s26;
	s6 =	simm.s32 $0xA980  }
0x10: {  	v0 =	vlaneseq.u32;
	s9 =	simm.s32 $0xB180;
	s24 =	sadd.s32 $0x1E00, s8;
	[dreg:$0x5] =	wrdreg s5  }
0x11: {  	v1 =	vimm.s32 $0x0;
	vm0 =	vmmov $0xffff;
	v3 =	vshrl.u32 v0, $0x3;
	s8 =	sadd.s32 $0x200, s2;
	s0 =	smax.u32 s23, $0x1;
	[dreg:$0x4] =	wrdreg s24  }
0x12: {  	v2 =	vand.u32 $0x7, v0;
	v4 =	vor.u32 $0x8, v0;
	v3 =	vmul.u32 $0x8, v3;
	s5 =	simm.s32 $0xA180;
	[dreg:$0x6] =	wrdreg s0;
	s0 =	simm.s32 $0x9180  }
.LBB2_18:
0x13: {  	s20 =	sadd.s32 $0x1, s20;
	s21 =	rddreg [dreg:$0x6]  }
0x14: {  	p0 =	sne.s32 s20, s21  }
.Ltmp1:
0x15: {  	_ = 	snop;
	(pc) =	sbr.rel @!p0 .LBB2_19-.Ltmp1, $1  }
0x16: {  	_ =	sdelay $0x3  }
.LBB2_1:
0x17: {  	s21 =	rddreg [dreg:$0x4]  }
0x18: {  	[tilespmem:s3], [sflag:$0x3] =	stream.linear.gather [hbm4b:s21+s3], $0x400, $0x38;
	[tilespmem:$0x18A00] =	vst v63  }
0x19: {  	_ =	swait.ge [sflag:s11], $0x400  }
0x1a: {  	[sflag:s11] =	ssyncset.done $0x0  }
0x1b: {  	s21 =	simm.s32 $0x0;
	[sflag:s11] =	ssyncadd.s32 $0xFFFFFC00  }
.LBB2_2:
0x1c: {  	p0 =	sne.s32 s21, $0x1000  }
.Ltmp2:
0x1d: {  	_ = 	snop;
	(pc) =	sbr.rel @p0 .LBB2_2-.Ltmp2, $3  }
0x1e: {  	_ =	sdelay $0x1  }
0x1f: {  	s22 =	sshra.s32 s21, $0x2  }
0x20: {  	s21 =	sadd.s32 $0x40, s21;
	[tilespmem:s22+$0x400] =	vst v1  }
0x21: {  	s21 =	simm.s32 $0x0  }
0x22: {  	v5 =	vld [tilespmem:s21+$0x0];
	_ =	sdelay $0x4  }
0x23: {  	vm1 =	veq.s32 v5, $0x5  }
0x24: {  	v5 =	vsel vm1, $0x1, v1  }
0x25: {  	(xrf0) =	vadd.scan.msk.s32 $0xffff, v5;
	_ =	sdelay $0x4  }
0x26: {  	s21 =	simm.s32 $0x0;
	v5 =	vsel vm1, $0xFFFFFFFF, v1  }
0x27: {  	v5 =	vadd.s32 s21, v5;
	v6, _, _ =	vpop (xrf0)  }
0x28: {  	v5 =	vadd.s32 v6, v5;
	(v2sf) =	vpush v6, $0xF;
	_ =	sdelay $0x2  }
0x29: {  	s22 =	rddreg [dreg:$0x7]  }
0x2a: {  	v7 =	vor.u32 s22, v0  }
0x2b: {  	s24 =	simm.s32 $0x10;
	s23 =	simm.s32 $0x80;
	[tilespmem:v5+s12+$0x0] =	vst.idx.msk vm1, v7  }
.LBB2_4:
0x2c: {  	p0 =	sne.s32 s23, $0xFC0;
	v5 =	vld [tilespmem:s24+$0x0];
	_ =	sdelay $0x4  }
0x2d: {  	vm1 =	veq.s32 v5, $0x5  }
0x2e: {  	v5 =	vsel vm1, $0xFFFFFFFF, v1;
	v6 =	vsel vm1, $0x1, v1  }
0x2f: {  	(xrf0) =	vadd.scan.msk.s32 $0xffff, v6;
	_ =	sdelay $0x1  }
0x30: {  	s24 =	spop (v2sf)  }
0x31: {  	s21 =	sadd.s32 s21, s24  }
0x32: {  	v5 =	vadd.s32 s21, v5;
	_ =	sdelay $0x1  }
0x33: {  	v6, _, _ =	vpop (xrf0)  }
0x34: {  	v5 =	vadd.s32 v6, v5;
	(v2sf) =	vpush v6, $0xF  }
.Ltmp3:
0x35: {  	(pc) =	sbr.rel @p0 .LBB2_4-.Ltmp3, $4  }
0x36: {  	_ = 	snop  }
0x37: {  	s22 =	sadd.s32 $0x10, s22  }
0x38: {  	v6 =	vor.u32 s22, v0  }
0x39: {  	s24 =	sshra.s32 s23, $0x2;
	s23 =	sadd.s32 $0x40, s23;
	[tilespmem:v5+s12+$0x0] =	vst.idx.msk vm1, v6  }
0x3a: {  	v5 =	vld [tilespmem:s24+$0x0];
	_ =	sdelay $0x4  }
0x3b: {  	vm1 =	veq.s32 v5, $0x5  }
0x3c: {  	v5 =	vsel vm1, $0x1, v1  }
0x3d: {  	(xrf0) =	vadd.scan.msk.s32 $0xffff, v5;
	_ =	sdelay $0x5  }
0x3e: {  	v5, _, _ =	vpop (xrf0)  }
0x3f: {  	(v2sf) =	vpush v5, $0xF;
	_ =	sdelay $0x8  }
0x40: {  	s23 =	spop (v2sf)  }
0x41: {  	v6 =	vsel vm1, $0xFFFFFFFF, v1;
	s21 =	sadd.s32 s21, s23  }
0x42: {  	v6 =	vadd.s32 s21, v6  }
0x43: {  	v5 =	vadd.s32 v5, v6;
	_ =	sdelay $0x2  }
0x44: {  	s22 =	sadd.s32 $0x10, s22;
	s24 =	spop (v2sf)  }
0x45: {  	v6 =	vor.u32 s22, v0;
	s21 =	sadd.s32 s21, s24  }
0x46: {  	[tilespmem:v5+s12+$0x0] =	vst.idx.msk vm1, v6;
	v5 =	vmov s21;
	s21 =	sadd.s32 $0x3F, s21  }
0x47: {  	s25 =	rddreg [dreg:$0x5];
	s26 =	simm.s32 $0x18980;
	[tilespmem:$0x18980] =	vst v5;
	s24 =	sand.u32 $0x3F, s21  }
0x48: {  	[hbm4b:s25+s3] =	stream.linear.scatter [tilespmem:s26], [sflag:$0x3], $0x80, $0x38;
	[tilespmem:$0x18A00] =	vst v63  }
0x49: {  	p0 =	slt.s32 s21, $0x1;
	s25 =	sshra.s32 s21, $0x1F;
	p1 =	sne.s32 s24, $0x0  }
0x4a: {  	s26 =	sshrl.u32 s25, $0x1A;
	p0 =	por !p0, !p1  }
0x4b: {  	s22 =	simm.s32 $0x1;
	s21 =	sadd.s32 s26, s21;
	p0 =	por !p0, !p0  }
0x4c: {  	s21 =	sshra.s32 s21, $0x6;
	s22 =	simm.s32 @!p0 $0x0  }
0x4d: {  	s21 =	ssub.s32 s21, s22  }
0x4e: {  	p0 =	slt.s32 s21, $0x1  }
.Ltmp4:
0x4f: {  	_ = 	snop;
	(pc) =	sbr.rel @p0 .LBB2_7-.Ltmp4, $4  }
0x50: {  	_ = 	snop  }
0x51: {  	_ =	swait.ge [sflag:s11], $0x80  }
0x52: {  	[sflag:s11] =	ssyncset.done $0x0  }
0x53: {  	[sflag:s11] =	ssyncadd.s32 $0xFFFFFF80  }
0x54: {  	v5 =	vld [tilespmem:$0x400];
	_ =	sdelay $0x4  }
0x55: {  	v6 =	vshrl.u32 v5, $0x3  }
0x56: {  	v6 =	vmul.u32 $0x30, v6  }
0x57: {  	v7 =	vand.u32 $0x7, v5  }
0x58: {  	v8 =	vld [tilespmem:$0x410];
	v6 =	vor.u32 v7, v6  }
0x59: {  	v10 =	vld [tilespmem:$0x430];
	v9 =	vperm.xlane v6, v2  }
0x5a: {  	v7 =	vld [tilespmem:$0x420]  }
0x5b: {  	v9 =	vadd.s32 v3, v9  }
0x5c: {  	[tilespmem:$0x880] =	vst v5  }
0x5d: {  	[tilespmem:$0x890] =	vst v8  }
0x5e: {  	[tilespmem:$0x8B0] =	vst v10  }
0x5f: {  	v5 =	vperm.xlane v6, v4;
	[tilespmem:$0x8A0] =	vst v7  }
0x60: {  	[tilespmem:s15], [sflag:$0x1] =	stream.indirect_vreg.gather [hbm4b:s2+s3], $0x80, v9, vm0, $0xb8;
	[tilespmem:$0x18A00] =	vst v63  }
0x61: {  	s22 =	simm.s32 $0x1180;
	v5 =	vadd.s32 v3, v5  }
0x62: {  	[tilespmem:s22], [sflag:$0x1] =	stream.indirect_vreg.gather [hbm4b:s7+s3], $0x80, v9, vm0, $0xb8;
	[tilespmem:$0x18A00] =	vst v63  }
0x63: {  	s25 =	simm.s32 $0x1980  }
0x64: {  	[tilespmem:s25], [sflag:$0x1] =	stream.indirect_vreg.gather [hbm4b:s8+s3], $0x80, v9, vm0, $0xb8;
	[tilespmem:$0x18A00] =	vst v63  }
0x65: {  	s26 =	simm.s32 $0x2180  }
0x66: {  	[tilespmem:s26], [sflag:$0x1] =	stream.indirect_vreg.gather [hbm4b:s2+s3], $0x80, v5, vm0, $0xb8;
	[tilespmem:$0x18A00] =	vst v63  }
0x67: {  	s23 =	simm.s32 $0x2980  }
0x68: {  	[tilespmem:s23], [sflag:$0x1] =	stream.indirect_vreg.gather [hbm4b:s7+s3], $0x80, v5, vm0, $0xb8;
	[tilespmem:$0x18A00] =	vst v63  }
0x69: {  	s24 =	simm.s32 $0x3180  }
0x6a: {  	[tilespmem:s24], [sflag:$0x1] =	stream.indirect_vreg.gather [hbm4b:s8+s3], $0x80, v5, vm0, $0xb8;
	[tilespmem:$0x18A00] =	vst v63  }
0x6b: {  	v5 =	vld [tilespmem:$0x890];
	_ =	sdelay $0x4  }
0x6c: {  	v6 =	vshrl.u32 v5, $0x3  }
0x6d: {  	v6 =	vmul.u32 $0x30, v6  }
0x6e: {  	v5 =	vand.u32 $0x7, v5  }
0x6f: {  	v5 =	vor.u32 v5, v6  }
0x70: {  	v6 =	vperm.xlane v5, v2;
	_ =	sdelay $0x1  }
0x71: {  	v6 =	vadd.s32 v3, v6;
	_ =	sdelay $0x3  }
0x72: {  	s25 =	simm.s32 $0x3980;
	v5 =	vperm.xlane v5, v4  }
0x73: {  	[tilespmem:s25], [sflag:$0x1] =	stream.indirect_vreg.gather [hbm4b:s2+s3], $0x80, v6, vm0, $0xb8;
	[tilespmem:$0x18A00] =	vst v63  }
0x74: {  	s26 =	simm.s32 $0x4180;
	v5 =	vadd.s32 v3, v5  }
0x75: {  	[tilespmem:s26], [sflag:$0x1] =	stream.indirect_vreg.gather [hbm4b:s7+s3], $0x80, v6, vm0, $0xb8;
	[tilespmem:$0x18A00] =	vst v63  }
0x76: {  	s23 =	simm.s32 $0x4980  }
0x77: {  	[tilespmem:s23], [sflag:$0x1] =	stream.indirect_vreg.gather [hbm4b:s8+s3], $0x80, v6, vm0, $0xb8;
	[tilespmem:$0x18A00] =	vst v63  }
0x78: {  	s24 =	simm.s32 $0x5180  }
0x79: {  	[tilespmem:s24], [sflag:$0x1] =	stream.indirect_vreg.gather [hbm4b:s2+s3], $0x80, v5, vm0, $0xb8;
	[tilespmem:$0x18A00] =	vst v63  }
0x7a: {  	s25 =	simm.s32 $0x5980  }
0x7b: {  	[tilespmem:s25], [sflag:$0x1] =	stream.indirect_vreg.gather [hbm4b:s7+s3], $0x80, v5, vm0, $0xb8;
	[tilespmem:$0x18A00] =	vst v63  }
0x7c: {  	s26 =	simm.s32 $0x6180  }
0x7d: {  	[tilespmem:s26], [sflag:$0x1] =	stream.indirect_vreg.gather [hbm4b:s8+s3], $0x80, v5, vm0, $0xb8;
	[tilespmem:$0x18A00] =	vst v63  }
0x7e: {  	v5 =	vld [tilespmem:$0x8A0];
	_ =	sdelay $0x4  }
0x7f: {  	v6 =	vshrl.u32 v5, $0x3  }
0x80: {  	v6 =	vmul.u32 $0x30, v6  }
0x81: {  	v5 =	vand.u32 $0x7, v5  }
0x82: {  	v5 =	vor.u32 v5, v6  }
0x83: {  	v6 =	vperm.xlane v5, v2;
	_ =	sdelay $0x1  }
0x84: {  	v6 =	vadd.s32 v3, v6;
	_ =	sdelay $0x3  }
0x85: {  	v5 =	vperm.xlane v5, v4  }
0x86: {  	[tilespmem:s28], [sflag:$0x1] =	stream.indirect_vreg.gather [hbm4b:s2+s3], $0x80, v6, vm0, $0xb8;
	[tilespmem:$0x18A00] =	vst v63  }
0x87: {  	v5 =	vadd.s32 v3, v5  }
0x88: {  	[tilespmem:s29], [sflag:$0x1] =	stream.indirect_vreg.gather [hbm4b:s7+s3], $0x80, v6, vm0, $0xb8;
	[tilespmem:$0x18A00] =	vst v63  }
0x89: {  	_ = 	snop  }
0x8a: {  	[tilespmem:s30], [sflag:$0x1] =	stream.indirect_vreg.gather [hbm4b:s8+s3], $0x80, v6, vm0, $0xb8;
	[tilespmem:$0x18A00] =	vst v63  }
0x8b: {  	_ = 	snop  }
0x8c: {  	[tilespmem:s31], [sflag:$0x1] =	stream.indirect_vreg.gather [hbm4b:s2+s3], $0x80, v5, vm0, $0xb8;
	[tilespmem:$0x18A00] =	vst v63  }
0x8d: {  	_ = 	snop  }
0x8e: {  	[tilespmem:s1], [sflag:$0x1] =	stream.indirect_vreg.gather [hbm4b:s7+s3], $0x80, v5, vm0, $0xb8;
	[tilespmem:$0x18A00] =	vst v63  }
0x8f: {  	_ = 	snop  }
0x90: {  	[tilespmem:s0], [sflag:$0x1] =	stream.indirect_vreg.gather [hbm4b:s8+s3], $0x80, v5, vm0, $0xb8;
	[tilespmem:$0x18A00] =	vst v63  }
0x91: {  	v5 =	vld [tilespmem:$0x8B0];
	_ =	sdelay $0x4  }
0x92: {  	v6 =	vshrl.u32 v5, $0x3  }
0x93: {  	v6 =	vmul.u32 $0x30, v6  }
0x94: {  	v5 =	vand.u32 $0x7, v5  }
0x95: {  	v5 =	vor.u32 v5, v6  }
0x96: {  	v6 =	vperm.xlane v5, v2;
	_ =	sdelay $0x1  }
0x97: {  	v6 =	vadd.s32 v3, v6;
	_ =	sdelay $0x3  }
0x98: {  	v5 =	vperm.xlane v5, v4  }
0x99: {  	[tilespmem:s13], [sflag:$0x1] =	stream.indirect_vreg.gather [hbm4b:s2+s3], $0x80, v6, vm0, $0xb8;
	[tilespmem:$0x18A00] =	vst v63  }
0x9a: {  	v5 =	vadd.s32 v3, v5  }
0x9b: {  	[tilespmem:s5], [sflag:$0x1] =	stream.indirect_vreg.gather [hbm4b:s7+s3], $0x80, v6, vm0, $0xb8;
	[tilespmem:$0x18A00] =	vst v63  }
0x9c: {  	_ = 	snop  }
0x9d: {  	[tilespmem:s6], [sflag:$0x1] =	stream.indirect_vreg.gather [hbm4b:s8+s3], $0x80, v6, vm0, $0xb8;
	[tilespmem:$0x18A00] =	vst v63  }
0x9e: {  	_ = 	snop  }
0x9f: {  	[tilespmem:s9], [sflag:$0x1] =	stream.indirect_vreg.gather [hbm4b:s2+s3], $0x80, v5, vm0, $0xb8;
	[tilespmem:$0x18A00] =	vst v63  }
0xa0: {  	_ = 	snop  }
0xa1: {  	[tilespmem:s10], [sflag:$0x1] =	stream.indirect_vreg.gather [hbm4b:s7+s3], $0x80, v5, vm0, $0xb8;
	[tilespmem:$0x18A00] =	vst v63  }
0xa2: {  	_ = 	snop  }
0xa3: {  	[tilespmem:s16], [sflag:$0x1] =	stream.indirect_vreg.gather [hbm4b:s8+s3], $0x80, v5, vm0, $0xb8;
	[tilespmem:$0x18A00] =	vst v63  }
.LBB2_7:
0xa4: {  	s22 =	sadd.s32 $0x1, s21  }
0xa5: {  	s23 =	sand.u32 $0x1, s22  }
0xa6: {  	p0 =	slt.s32 s21, $0x0;
	p1 =	seq.s32 s23, $0x1  }
0xa7: {  	s26 =	sshrl.u32 s22, $0x1F;
	p0 =	por !p0, !p1  }
0xa8: {  	s22 =	sadd.s32 s26, s22;
	s23 =	simm.s32 $0x1;
	p0 =	por !p0, !p0  }
0xa9: {  	s22 =	sshra.s32 s22, $0x1;
	s23 =	simm.s32 @!p0 $0x0  }
0xaa: {  	s22 =	ssub.s32 s22, s23  }
0xab: {  	p0 =	slt.s32 s22, $0x1  }
.Ltmp5:
0xac: {  	_ = 	snop;
	(pc) =	sbr.rel @p0 .LBB2_18-.Ltmp5, $1  }
0xad: {  	_ =	sdelay $0x3  }
.Ltmp6:
0xae: {  	(pc) =	sbr.rel .LBB2_9-.Ltmp6, $2  }
0xaf: {  	_ =	sdelay $0x2  }
0xb0: {  	s23 =	simm.s32 $0x1;
	s24 =	simm.s32 $0x460;
	s25 =	rddreg [dreg:$0x7]  }
.LBB2_16:
0xb1: {  	s26 =	sadd.s32 $0x40, s25  }
0xb2: {  	s26 =	sshrl.u32 s26, $0x3  }
0xb3: {  	_ =	swait.ge [sflag:s19], $0xC000;
	s26 =	smul.u32 $0x300, s26  }
0xb4: {  	[sflag:s19] =	ssyncset.done $0x0  }
0xb5: {  	[sflag:s19] =	ssyncadd.s32 $0xFFFF4000;
	s26 =	sadd.s32 s4, s26  }
0xb6: {  	[hbm4b:s26+s3] =	stream.linear.scatter [tilespmem:s17], [sflag:$0x3], $0xC000, $0x38;
	[tilespmem:$0x18A00] =	vst v63  }
0xb7: {  	_ =	swait.ge [sflag:s11], $0xC000  }
0xb8: {  	[sflag:s11] =	ssyncset.done $0x0  }
0xb9: {  	[sflag:s11] =	ssyncadd.s32 $0xFFFF4000  }
.LBB2_17:
0xba: {  	s22 =	sadd.s32 $0xFFFFFFFF, s22  }
0xbb: {  	p0 =	sne.s32 s22, $0x0  }
.Ltmp7:
0xbc: {  	_ = 	snop;
	(pc) =	sbr.rel @!p0 .LBB2_18-.Ltmp7, $2  }
0xbd: {  	_ =	sdelay $0x2  }
0xbe: {  	s25 =	sadd.s32 $0x80, s25;
	s23 =	sadd.s32 $0x2, s23;
	s24 =	sadd.s32 $0x80, s24  }
.LBB2_9:
0xbf: {  	s26 =	sadd.s32 $0xFFFFFFFF, s23  }
0xc0: {  	p1 =	sge.s32 s26, s21  }
.Ltmp8:
0xc1: {  	_ = 	snop;
	(pc) =	sbr.rel @p1 .LBB2_13-.Ltmp8, $2  }
0xc2: {  	_ =	sdelay $0x2  }
0xc3: {  	p0 =	sge.s32 s23, s21  }
.Ltmp9:
0xc4: {  	(pc) =	sbr.rel @p0 .LBB2_12-.Ltmp9, $1  }
0xc5: {  	_ =	sdelay $0x3  }
0xc6: {  	v5 =	vld [tilespmem:s24+$0xFFFFFFE0];
	_ =	sdelay $0x4  }
0xc7: {  	[tilespmem:$0x900] =	vst v5  }
0xc8: {  	v6 =	vld [tilespmem:s24+$0xFFFFFFF0];
	_ =	sdelay $0x4  }
0xc9: {  	[tilespmem:$0x910] =	vst v6  }
0xca: {  	v6 =	vld [tilespmem:s24+$0x0]  }
0xcb: {  	v7 =	vshrl.u32 v5, $0x3  }
0xcc: {  	v7 =	vmul.u32 $0x30, v7  }
0xcd: {  	v5 =	vand.u32 $0x7, v5  }
0xce: {  	v5 =	vor.u32 v5, v7  }
0xcf: {  	[tilespmem:$0x920] =	vst v6;
	v6 =	vperm.xlane v5, v2  }
0xd0: {  	v7 =	vld [tilespmem:s24+$0x10]  }
0xd1: {  	v6 =	vadd.s32 v3, v6;
	_ =	sdelay $0x3  }
0xd2: {  	v5 =	vperm.xlane v5, v4;
	[tilespmem:$0x930] =	vst v7  }
0xd3: {  	[tilespmem:s17], [sflag:$0x2] =	stream.indirect_vreg.gather [hbm4b:s2+s3], $0x80, v6, vm0, $0xb8;
	[tilespmem:$0x18A00] =	vst v63  }
0xd4: {  	s26 =	simm.s32 $0xD180;
	v5 =	vadd.s32 v3, v5  }
0xd5: {  	[tilespmem:s26], [sflag:$0x2] =	stream.indirect_vreg.gather [hbm4b:s7+s3], $0x80, v6, vm0, $0xb8;
	[tilespmem:$0x18A00] =	vst v63  }
0xd6: {  	s26 =	simm.s32 $0xD980  }
0xd7: {  	[tilespmem:s26], [sflag:$0x2] =	stream.indirect_vreg.gather [hbm4b:s8+s3], $0x80, v6, vm0, $0xb8;
	[tilespmem:$0x18A00] =	vst v63  }
0xd8: {  	s26 =	simm.s32 $0xE180  }
0xd9: {  	[tilespmem:s26], [sflag:$0x2] =	stream.indirect_vreg.gather [hbm4b:s2+s3], $0x80, v5, vm0, $0xb8;
	[tilespmem:$0x18A00] =	vst v63  }
0xda: {  	s26 =	simm.s32 $0xE980  }
0xdb: {  	[tilespmem:s26], [sflag:$0x2] =	stream.indirect_vreg.gather [hbm4b:s7+s3], $0x80, v5, vm0, $0xb8;
	[tilespmem:$0x18A00] =	vst v63  }
0xdc: {  	s26 =	simm.s32 $0xF180  }
0xdd: {  	[tilespmem:s26], [sflag:$0x2] =	stream.indirect_vreg.gather [hbm4b:s8+s3], $0x80, v5, vm0, $0xb8;
	[tilespmem:$0x18A00] =	vst v63  }
0xde: {  	v5 =	vld [tilespmem:$0x910];
	_ =	sdelay $0x4  }
0xdf: {  	v6 =	vshrl.u32 v5, $0x3  }
0xe0: {  	v6 =	vmul.u32 $0x30, v6  }
0xe1: {  	v5 =	vand.u32 $0x7, v5  }
0xe2: {  	v5 =	vor.u32 v5, v6  }
0xe3: {  	v6 =	vperm.xlane v5, v2;
	_ =	sdelay $0x1  }
0xe4: {  	v6 =	vadd.s32 v3, v6;
	_ =	sdelay $0x3  }
0xe5: {  	s26 =	simm.s32 $0xF980;
	v5 =	vperm.xlane v5, v4  }
0xe6: {  	[tilespmem:s26], [sflag:$0x2] =	stream.indirect_vreg.gather [hbm4b:s2+s3], $0x80, v6, vm0, $0xb8;
	[tilespmem:$0x18A00] =	vst v63  }
0xe7: {  	v5 =	vadd.s32 v3, v5;
	s26 =	simm.s32 $0x10180  }
0xe8: {  	[tilespmem:s26], [sflag:$0x2] =	stream.indirect_vreg.gather [hbm4b:s7+s3], $0x80, v6, vm0, $0xb8;
	[tilespmem:$0x18A00] =	vst v63  }
0xe9: {  	s26 =	simm.s32 $0x10980  }
0xea: {  	[tilespmem:s26], [sflag:$0x2] =	stream.indirect_vreg.gather [hbm4b:s8+s3], $0x80, v6, vm0, $0xb8;
	[tilespmem:$0x18A00] =	vst v63  }
0xeb: {  	s26 =	simm.s32 $0x11180  }
0xec: {  	[tilespmem:s26], [sflag:$0x2] =	stream.indirect_vreg.gather [hbm4b:s2+s3], $0x80, v5, vm0, $0xb8;
	[tilespmem:$0x18A00] =	vst v63  }
0xed: {  	s26 =	simm.s32 $0x11980  }
0xee: {  	[tilespmem:s26], [sflag:$0x2] =	stream.indirect_vreg.gather [hbm4b:s7+s3], $0x80, v5, vm0, $0xb8;
	[tilespmem:$0x18A00] =	vst v63  }
0xef: {  	s26 =	simm.s32 $0x12180  }
0xf0: {  	[tilespmem:s26], [sflag:$0x2] =	stream.indirect_vreg.gather [hbm4b:s8+s3], $0x80, v5, vm0, $0xb8;
	[tilespmem:$0x18A00] =	vst v63  }
0xf1: {  	v5 =	vld [tilespmem:$0x920];
	_ =	sdelay $0x4  }
0xf2: {  	v6 =	vshrl.u32 v5, $0x3  }
0xf3: {  	v6 =	vmul.u32 $0x30, v6  }
0xf4: {  	v5 =	vand.u32 $0x7, v5  }
0xf5: {  	v5 =	vor.u32 v5, v6  }
0xf6: {  	v6 =	vperm.xlane v5, v2;
	_ =	sdelay $0x1  }
0xf7: {  	v6 =	vadd.s32 v3, v6;
	_ =	sdelay $0x3  }
0xf8: {  	s26 =	simm.s32 $0x12980;
	v5 =	vperm.xlane v5, v4  }
0xf9: {  	[tilespmem:s26], [sflag:$0x2] =	stream.indirect_vreg.gather [hbm4b:s2+s3], $0x80, v6, vm0, $0xb8;
	[tilespmem:$0x18A00] =	vst v63  }
0xfa: {  	v5 =	vadd.s32 v3, v5;
	s26 =	simm.s32 $0x13180  }
0xfb: {  	[tilespmem:s26], [sflag:$0x2] =	stream.indirect_vreg.gather [hbm4b:s7+s3], $0x80, v6, vm0, $0xb8;
	[tilespmem:$0x18A00] =	vst v63  }
0xfc: {  	s26 =	simm.s32 $0x13980  }
0xfd: {  	[tilespmem:s26], [sflag:$0x2] =	stream.indirect_vreg.gather [hbm4b:s8+s3], $0x80, v6, vm0, $0xb8;
	[tilespmem:$0x18A00] =	vst v63  }
0xfe: {  	s26 =	simm.s32 $0x14180  }
0xff: {  	[tilespmem:s26], [sflag:$0x2] =	stream.indirect_vreg.gather [hbm4b:s2+s3], $0x80, v5, vm0, $0xb8;
	[tilespmem:$0x18A00] =	vst v63  }
0x100: {  	s26 =	simm.s32 $0x14980  }
0x101: {  	[tilespmem:s26], [sflag:$0x2] =	stream.indirect_vreg.gather [hbm4b:s7+s3], $0x80, v5, vm0, $0xb8;
	[tilespmem:$0x18A00] =	vst v63  }
0x102: {  	s26 =	simm.s32 $0x15180  }
0x103: {  	[tilespmem:s26], [sflag:$0x2] =	stream.indirect_vreg.gather [hbm4b:s8+s3], $0x80, v5, vm0, $0xb8;
	[tilespmem:$0x18A00] =	vst v63  }
0x104: {  	v5 =	vld [tilespmem:$0x930];
	_ =	sdelay $0x4  }
0x105: {  	v6 =	vshrl.u32 v5, $0x3  }
0x106: {  	v6 =	vmul.u32 $0x30, v6  }
0x107: {  	v5 =	vand.u32 $0x7, v5  }
0x108: {  	v5 =	vor.u32 v5, v6  }
0x109: {  	v6 =	vperm.xlane v5, v2;
	_ =	sdelay $0x1  }
0x10a: {  	v6 =	vadd.s32 v3, v6;
	_ =	sdelay $0x3  }
0x10b: {  	s26 =	simm.s32 $0x15980;
	v5 =	vperm.xlane v5, v4  }
0x10c: {  	[tilespmem:s26], [sflag:$0x2] =	stream.indirect_vreg.gather [hbm4b:s2+s3], $0x80, v6, vm0, $0xb8;
	[tilespmem:$0x18A00] =	vst v63  }
0x10d: {  	v5 =	vadd.s32 v3, v5;
	s26 =	simm.s32 $0x16180  }
0x10e: {  	[tilespmem:s26], [sflag:$0x2] =	stream.indirect_vreg.gather [hbm4b:s7+s3], $0x80, v6, vm0, $0xb8;
	[tilespmem:$0x18A00] =	vst v63  }
0x10f: {  	s26 =	simm.s32 $0x16980  }
0x110: {  	[tilespmem:s26], [sflag:$0x2] =	stream.indirect_vreg.gather [hbm4b:s8+s3], $0x80, v6, vm0, $0xb8;
	[tilespmem:$0x18A00] =	vst v63  }
0x111: {  	s26 =	simm.s32 $0x17180  }
0x112: {  	[tilespmem:s26], [sflag:$0x2] =	stream.indirect_vreg.gather [hbm4b:s2+s3], $0x80, v5, vm0, $0xb8;
	[tilespmem:$0x18A00] =	vst v63  }
0x113: {  	s26 =	simm.s32 $0x17980  }
0x114: {  	[tilespmem:s26], [sflag:$0x2] =	stream.indirect_vreg.gather [hbm4b:s7+s3], $0x80, v5, vm0, $0xb8;
	[tilespmem:$0x18A00] =	vst v63  }
0x115: {  	s26 =	simm.s32 $0x18180  }
0x116: {  	[tilespmem:s26], [sflag:$0x2] =	stream.indirect_vreg.gather [hbm4b:s8+s3], $0x80, v5, vm0, $0xb8;
	[tilespmem:$0x18A00] =	vst v63  }
.LBB2_12:
0x117: {  	s26 =	sshrl.u32 s25, $0x3  }
0x118: {  	_ =	swait.ge [sflag:s14], $0xC000;
	s26 =	smul.u32 $0x300, s26  }
0x119: {  	[sflag:s14] =	ssyncset.done $0x0  }
0x11a: {  	[sflag:s14] =	ssyncadd.s32 $0xFFFF4000;
	s26 =	sadd.s32 s4, s26  }
0x11b: {  	[hbm4b:s26+s3] =	stream.linear.scatter [tilespmem:s15], [sflag:$0x4], $0xC000, $0x38;
	[tilespmem:$0x18A00] =	vst v63  }
0x11c: {  	_ =	swait.ge [sflag:s18], $0xC000  }
0x11d: {  	[sflag:s18] =	ssyncset.done $0x0  }
0x11e: {  	[sflag:s18] =	ssyncadd.s32 $0xFFFF4000  }
.LBB2_13:
.Ltmp10:
0x11f: {  	(pc) =	sbr.rel @p0 .LBB2_17-.Ltmp10, $1  }
0x120: {  	_ =	sdelay $0x3  }
0x121: {  	s26 =	sadd.s32 $0x1, s23  }
0x122: {  	p0 =	sge.s32 s26, s21  }
.Ltmp11:
0x123: {  	_ = 	snop;
	(pc) =	sbr.rel @p0 .LBB2_16-.Ltmp11, $1  }
0x124: {  	_ =	sdelay $0x3  }
0x125: {  	v5 =	vld [tilespmem:s24+$0x20];
	_ =	sdelay $0x4  }
0x126: {  	[tilespmem:$0x880] =	vst v5  }
0x127: {  	v6 =	vld [tilespmem:s24+$0x30];
	_ =	sdelay $0x4  }
0x128: {  	[tilespmem:$0x890] =	vst v6  }
0x129: {  	v6 =	vld [tilespmem:s24+$0x40]  }
0x12a: {  	v7 =	vshrl.u32 v5, $0x3  }
0x12b: {  	v7 =	vmul.u32 $0x30, v7  }
0x12c: {  	v5 =	vand.u32 $0x7, v5  }
0x12d: {  	v5 =	vor.u32 v5, v7  }
0x12e: {  	[tilespmem:$0x8A0] =	vst v6;
	v6 =	vperm.xlane v5, v2  }
0x12f: {  	v7 =	vld [tilespmem:s24+$0x50]  }
0x130: {  	v6 =	vadd.s32 v3, v6;
	_ =	sdelay $0x3  }
0x131: {  	v5 =	vperm.xlane v5, v4;
	[tilespmem:$0x8B0] =	vst v7  }
0x132: {  	[tilespmem:s15], [sflag:$0x1] =	stream.indirect_vreg.gather [hbm4b:s2+s3], $0x80, v6, vm0, $0xb8;
	[tilespmem:$0x18A00] =	vst v63  }
0x133: {  	s26 =	simm.s32 $0x1180;
	v5 =	vadd.s32 v3, v5  }
0x134: {  	[tilespmem:s26], [sflag:$0x1] =	stream.indirect_vreg.gather [hbm4b:s7+s3], $0x80, v6, vm0, $0xb8;
	[tilespmem:$0x18A00] =	vst v63  }
0x135: {  	s26 =	simm.s32 $0x1980  }
0x136: {  	[tilespmem:s26], [sflag:$0x1] =	stream.indirect_vreg.gather [hbm4b:s8+s3], $0x80, v6, vm0, $0xb8;
	[tilespmem:$0x18A00] =	vst v63  }
0x137: {  	s26 =	simm.s32 $0x2180  }
0x138: {  	[tilespmem:s26], [sflag:$0x1] =	stream.indirect_vreg.gather [hbm4b:s2+s3], $0x80, v5, vm0, $0xb8;
	[tilespmem:$0x18A00] =	vst v63  }
0x139: {  	s26 =	simm.s32 $0x2980  }
0x13a: {  	[tilespmem:s26], [sflag:$0x1] =	stream.indirect_vreg.gather [hbm4b:s7+s3], $0x80, v5, vm0, $0xb8;
	[tilespmem:$0x18A00] =	vst v63  }
0x13b: {  	s26 =	simm.s32 $0x3180  }
0x13c: {  	[tilespmem:s26], [sflag:$0x1] =	stream.indirect_vreg.gather [hbm4b:s8+s3], $0x80, v5, vm0, $0xb8;
	[tilespmem:$0x18A00] =	vst v63  }
0x13d: {  	v5 =	vld [tilespmem:$0x890];
	_ =	sdelay $0x4  }
0x13e: {  	v6 =	vshrl.u32 v5, $0x3  }
0x13f: {  	v6 =	vmul.u32 $0x30, v6  }
0x140: {  	v5 =	vand.u32 $0x7, v5  }
0x141: {  	v5 =	vor.u32 v5, v6  }
0x142: {  	v6 =	vperm.xlane v5, v2;
	_ =	sdelay $0x1  }
0x143: {  	v6 =	vadd.s32 v3, v6;
	_ =	sdelay $0x3  }
0x144: {  	s26 =	simm.s32 $0x3980;
	v5 =	vperm.xlane v5, v4  }
0x145: {  	[tilespmem:s26], [sflag:$0x1] =	stream.indirect_vreg.gather [hbm4b:s2+s3], $0x80, v6, vm0, $0xb8;
	[tilespmem:$0x18A00] =	vst v63  }
0x146: {  	v5 =	vadd.s32 v3, v5;
	s26 =	simm.s32 $0x4180  }
0x147: {  	[tilespmem:s26], [sflag:$0x1] =	stream.indirect_vreg.gather [hbm4b:s7+s3], $0x80, v6, vm0, $0xb8;
	[tilespmem:$0x18A00] =	vst v63  }
0x148: {  	s26 =	simm.s32 $0x4980  }
0x149: {  	[tilespmem:s26], [sflag:$0x1] =	stream.indirect_vreg.gather [hbm4b:s8+s3], $0x80, v6, vm0, $0xb8;
	[tilespmem:$0x18A00] =	vst v63  }
0x14a: {  	s26 =	simm.s32 $0x5180  }
0x14b: {  	[tilespmem:s26], [sflag:$0x1] =	stream.indirect_vreg.gather [hbm4b:s2+s3], $0x80, v5, vm0, $0xb8;
	[tilespmem:$0x18A00] =	vst v63  }
0x14c: {  	s26 =	simm.s32 $0x5980  }
0x14d: {  	[tilespmem:s26], [sflag:$0x1] =	stream.indirect_vreg.gather [hbm4b:s7+s3], $0x80, v5, vm0, $0xb8;
	[tilespmem:$0x18A00] =	vst v63  }
0x14e: {  	s26 =	simm.s32 $0x6180  }
0x14f: {  	[tilespmem:s26], [sflag:$0x1] =	stream.indirect_vreg.gather [hbm4b:s8+s3], $0x80, v5, vm0, $0xb8;
	[tilespmem:$0x18A00] =	vst v63  }
0x150: {  	v5 =	vld [tilespmem:$0x8A0];
	_ =	sdelay $0x4  }
0x151: {  	v6 =	vshrl.u32 v5, $0x3  }
0x152: {  	v6 =	vmul.u32 $0x30, v6  }
0x153: {  	v5 =	vand.u32 $0x7, v5  }
0x154: {  	v5 =	vor.u32 v5, v6  }
0x155: {  	v6 =	vperm.xlane v5, v2;
	_ =	sdelay $0x1  }
0x156: {  	v6 =	vadd.s32 v3, v6;
	_ =	sdelay $0x3  }
0x157: {  	v5 =	vperm.xlane v5, v4  }
0x158: {  	[tilespmem:s28], [sflag:$0x1] =	stream.indirect_vreg.gather [hbm4b:s2+s3], $0x80, v6, vm0, $0xb8;
	[tilespmem:$0x18A00] =	vst v63  }
0x159: {  	v5 =	vadd.s32 v3, v5  }
0x15a: {  	[tilespmem:s29], [sflag:$0x1] =	stream.indirect_vreg.gather [hbm4b:s7+s3], $0x80, v6, vm0, $0xb8;
	[tilespmem:$0x18A00] =	vst v63  }
0x15b: {  	_ = 	snop  }
0x15c: {  	[tilespmem:s30], [sflag:$0x1] =	stream.indirect_vreg.gather [hbm4b:s8+s3], $0x80, v6, vm0, $0xb8;
	[tilespmem:$0x18A00] =	vst v63  }
0x15d: {  	_ = 	snop  }
0x15e: {  	[tilespmem:s31], [sflag:$0x1] =	stream.indirect_vreg.gather [hbm4b:s2+s3], $0x80, v5, vm0, $0xb8;
	[tilespmem:$0x18A00] =	vst v63  }
0x15f: {  	_ = 	snop  }
0x160: {  	[tilespmem:s1], [sflag:$0x1] =	stream.indirect_vreg.gather [hbm4b:s7+s3], $0x80, v5, vm0, $0xb8;
	[tilespmem:$0x18A00] =	vst v63  }
0x161: {  	_ = 	snop  }
0x162: {  	[tilespmem:s0], [sflag:$0x1] =	stream.indirect_vreg.gather [hbm4b:s8+s3], $0x80, v5, vm0, $0xb8;
	[tilespmem:$0x18A00] =	vst v63  }
0x163: {  	v5 =	vld [tilespmem:$0x8B0];
	_ =	sdelay $0x4  }
0x164: {  	v6 =	vshrl.u32 v5, $0x3  }
0x165: {  	v6 =	vmul.u32 $0x30, v6  }
0x166: {  	v5 =	vand.u32 $0x7, v5  }
0x167: {  	v5 =	vor.u32 v5, v6  }
0x168: {  	v6 =	vperm.xlane v5, v2;
	_ =	sdelay $0x1  }
0x169: {  	v6 =	vadd.s32 v3, v6;
	_ =	sdelay $0x3  }
0x16a: {  	v5 =	vperm.xlane v5, v4  }
0x16b: {  	[tilespmem:s13], [sflag:$0x1] =	stream.indirect_vreg.gather [hbm4b:s2+s3], $0x80, v6, vm0, $0xb8;
	[tilespmem:$0x18A00] =	vst v63  }
0x16c: {  	v5 =	vadd.s32 v3, v5  }
0x16d: {  	[tilespmem:s5], [sflag:$0x1] =	stream.indirect_vreg.gather [hbm4b:s7+s3], $0x80, v6, vm0, $0xb8;
	[tilespmem:$0x18A00] =	vst v63  }
0x16e: {  	_ = 	snop  }
0x16f: {  	[tilespmem:s6], [sflag:$0x1] =	stream.indirect_vreg.gather [hbm4b:s8+s3], $0x80, v6, vm0, $0xb8;
	[tilespmem:$0x18A00] =	vst v63  }
0x170: {  	_ = 	snop  }
0x171: {  	[tilespmem:s9], [sflag:$0x1] =	stream.indirect_vreg.gather [hbm4b:s2+s3], $0x80, v5, vm0, $0xb8;
	[tilespmem:$0x18A00] =	vst v63  }
.Ltmp12:
0x172: {  	_ = 	snop;
	(pc) =	sbr.rel .LBB2_16-.Ltmp12, $4  }
0x173: {  	_ = 	snop  }
0x174: {  	[tilespmem:s10], [sflag:$0x1] =	stream.indirect_vreg.gather [hbm4b:s7+s3], $0x80, v5, vm0, $0xb8;
	[tilespmem:$0x18A00] =	vst v63  }
0x175: {  	_ = 	snop  }
0x176: {  	[tilespmem:s16], [sflag:$0x1] =	stream.indirect_vreg.gather [hbm4b:s8+s3], $0x80, v5, vm0, $0xb8;
	[tilespmem:$0x18A00] =	vst v63  }
.LBB2_19:
0x177: {  	_ =	sfence.sel $0x180000  }
0x178: {  	[bflag:$0x0] =	sbarrier.arrive $0xFFFF  }
0x179: {  	_ =	strace $0x90000047  }
0x17a: {  	s0 =	stileid.u32;
	[bflag:$0x2] =	sbarrier.arrive $0xFFFF  }
0x17b: {  	p0 =	sne.s32 s0, $0x0;
	s0 =	rddreg [dreg:$0x3]  }
0x17c: {  	s0 =	sadd.s32 @!p0 $0x100000, s0  }
0x17d: {  	[sflag:s0] =	ssyncadd.tile.s32 @!p0 $0x1;
	_ =	shalt  }
.Lfunc_end2:
_tile_overlayer_lowered:
.L_overlay_start_2:
0x17e: {  	(tag) =	ssettag $0x2  }
0x17f: {  	s0 =	rddreg [dreg:$0x0];
	s2 =	stileid.u32  }
0x180: {  	s1 =	rddreg [dreg:$0x1];
	p0 =	sne.s32 s2, $0x0  }
0x181: {  	s3 =	rddreg [dreg:$0x2];
	[bflag:$0x3] =	sbarrier.arrive $0xFFFF;
	s2 =	simm.s32 @!p0 $0x1C03  }
0x182: {  	[timem:s3], [sflag:s2] =	dma.local @!p0 [hbm:s0], s1  }
0x183: {  	s0 =	simm.s32 @!p0 $0x3  }
0x184: {  	_ =	swait.ge @!p0 [sflag:s0], s1  }
0x185: {  	s1 =	ssub.s32 @!p0 $0x0, s1;
	[sflag:s0] =	ssyncset.done @!p0 $0x0  }
0x186: {  	[sflag:s0] =	ssyncadd.s32 @!p0 s1  }
0x187: {  	[bflag:$0x3] =	sbarrier.arrive $0xFFFF  }
0x188: {  	_ =	shalt  }

// kernel: kernel.8.cloned.1.call-start
scs
__scs_entry_jumppad:
0x0: {  	(pc) =	sbr.rel $0x88, $3  }
0x1: {  	(tag) =	ssettag $0x0;
	lr =	simm.s32 $0x1  }
0x2: {  	[smem:$0x3F9A] =	sst lr;
	_ =	strace $0xD0000000  }
0x3: {  	_ = 	snop  }
0x4: {  	_ = 	snop  }
0x5: {  	_ = 	snop  }
0x6: {  	_ = 	snop  }
0x7: {  	_ = 	snop  }
__scs_overlays_trampoline_lowered:
0x8: {  	[smem:$0x3FA9] =	sst s0  }
0x9: {  	[smem:$0x3FAA] =	sst s1  }
0xa: {  	[smem:$0x3FAB] =	sst s2  }
0xb: {  	[smem:$0x3FAC] =	sst s3  }
0xc: {  	[smem:$0x3FAD] =	sst s4  }
0xd: {  	[smem:$0x3FAE] =	sst s5  }
0xe: {  	[smem:$0x3FAF] =	sst s6  }
0xf: {  	[smem:$0x3FB0] =	sst s7  }
0x10: {  	[smem:$0x3FB1] =	sst s8  }
0x11: {  	[smem:$0x3FB2] =	sst s9;
	s0 =	simm.s32 @!p0 $0x0  }
0x12: {  	s1 =	sld [smem:$0x3F98];
	s0 =	simm.s32 @p0 $0x1  }
0x13: {  	[smem:$0x3FB3] =	sst s0;
	s0 =	simm.s32 @!p1 $0x0  }
0x14: {  	s2 =	sld [smem:$0x3F97];
	s0 =	simm.s32 @p1 $0x1  }
0x15: {  	[smem:$0x3FB4] =	sst s0;
	s0 =	simm.s32 @!p2 $0x0  }
0x16: {  	s3 =	sld [smem:$0x3FDB];
	s0 =	simm.s32 @p2 $0x1  }
0x17: {  	s4 =	simm.s32 $0x1BF5;
	[smem:$0x3FB6] =	sst s0  }
0x18: {  	s0 =	sld [smem:$0x3F99];
	_ =	swait.ge [sflag:s4], $0x0  }
0x19: {  	s7 =	sld [smem:$0x3F9A]  }
0x1a: {  	s8 =	sadd.s32 $0xFFFFE003, lr  }
0x1b: {  	s9 =	sadd.s32 $0xFFFFFEF7, lr;
	s5 =	simm.s32 $0xFFFFFFFF;
	p2 =	slt.u32 s8, $0xFFFFF086  }
0x1c: {  	p1 =	slt.u32 s9, $0xF7A;
	s5 =	simm.s32 @!p2 $0x0  }
0x1d: {  	s5 =	simm.s32 @p1 $0x1;
	p0 =	seq.s32 s7, s2  }
0x1e: {  	s7 =	smul.u32 @!p0 $0xF7A, s2;
	p2 =	seq.s32 @!p0 s5, $0x0  }
0x1f: {  	s9 =	smul.u32 $0xF7A, s1;
	s8 =	simm.s32 @!p0 $0x1BF5;
	p2 =	por !p2, p0  }
0x20: {  	[sflag:s8] =	ssyncset.s32 @!p0 $0xFFFFF086;
	s6 =	sadd.s32 @!p0 s3, s7;
	s7 =	simm.s32 @!p0 $0x108  }
0x21: {  	s3 =	sadd.s32 s3, s9;
	s6 =	sadd.s32 @!p0 $0x88, s6;
	s7 =	simm.s32 @p2 $0x1082  }
0x22: {  	[simem:s7], [sflag:s8] =	dma.local @!p0 [hbm:s6], $0xF7A  }
0x23: {  	s9 =	sor.u32 $0xD0000000, s2;
	s6 =	simm.s32 $0x108;
	_ =	swait.ge @!p0 [sflag:s8], $0x0  }
0x24: {  	s3 =	sadd.s32 $0x88, s3;
	s6 =	simm.s32 @!p1 $0x1082;
	[sflag:s4] =	ssyncset.s32 $0xFFFFF086  }
0x25: {  	[simem:s6], [sflag:s4] =	dma.local [hbm:s3], $0xF7A  }
0x26: {  	[smem:$0x3F9A] =	sst s1;
	(tag) =	ssettag s2;
	_ =	strace s9  }
0x27: {  	s1 =	sld [smem:$0x3FAA]  }
0x28: {  	s2 =	sld [smem:$0x3FAB]  }
0x29: {  	s4 =	sld [smem:$0x3FAD]  }
0x2a: {  	p0 =	seq.s32 s5, $0x0;
	s5 =	sld [smem:$0x3FAE]  }
0x2b: {  	s6 =	sld [smem:$0x3FAF]  }
0x2c: {  	s7 =	sld [smem:$0x3FB0]  }
0x2d: {  	s3 =	simm.s32 $0x108;
	s8 =	sld [smem:$0x3FB1]  }
0x2e: {  	s3 =	simm.s32 @!p0 $0x1082;
	s9 =	sld [smem:$0x3FB2]  }
0x2f: {  	lr =	sadd.s32 s0, s3;
	s0 =	sld [smem:$0x3FA9]  }
0x30: {  	s3 =	sld [smem:$0x3FAC]  }
0x31: {  	[smem:$0x3FB5] =	sst s10  }
0x32: {  	s10 =	sld [smem:$0x3FB3];
	_ =	sdelay $0x3  }
0x33: {  	p0 =	seq.s32 s10, $0x1;
	s10 =	sld [smem:$0x3FB5];
	_ =	sdelay $0x3  }
0x34: {  	[smem:$0x3FB5] =	sst s10  }
0x35: {  	s10 =	sld [smem:$0x3FB4];
	_ =	sdelay $0x3  }
0x36: {  	p1 =	seq.s32 s10, $0x1;
	s10 =	sld [smem:$0x3FB5];
	_ =	sdelay $0x3  }
0x37: {  	[smem:$0x3FB5] =	sst s10  }
0x38: {  	s10 =	sld [smem:$0x3FB6]  }
0x39: {  	_ = 	snop;
	(pc) =	sbr.ind lr, $3  }
0x3a: {  	_ = 	snop  }
0x3b: {  	_ = 	snop  }
0x3c: {  	p2 =	seq.s32 s10, $0x1;
	s10 =	sld [smem:$0x3FB5]  }
0x3d: {  	_ =	shalt  }
0x3e: {  	_ =	shalt  }
0x3f: {  	_ =	shalt  }
0x40: {  	_ =	shalt  }
0x41: {  	_ =	shalt  }
0x42: {  	_ =	shalt  }
0x43: {  	_ =	shalt  }
0x44: {  	_ =	shalt  }
0x45: {  	_ =	shalt  }
0x46: {  	_ =	shalt  }
0x47: {  	_ =	shalt  }
0x48: {  	_ =	shalt  }
0x49: {  	_ =	shalt  }
0x4a: {  	_ =	shalt  }
0x4b: {  	_ =	shalt  }
0x4c: {  	_ =	shalt  }
0x4d: {  	_ =	shalt  }
0x4e: {  	_ =	shalt  }
0x4f: {  	_ =	shalt  }
0x50: {  	_ =	shalt  }
0x51: {  	_ =	shalt  }
0x52: {  	_ =	shalt  }
0x53: {  	_ =	shalt  }
0x54: {  	_ =	shalt  }
0x55: {  	_ =	shalt  }
0x56: {  	_ =	shalt  }
0x57: {  	_ =	shalt  }
0x58: {  	_ =	shalt  }
0x59: {  	_ =	shalt  }
0x5a: {  	_ =	shalt  }
0x5b: {  	_ =	shalt  }
0x5c: {  	_ =	shalt  }
0x5d: {  	_ =	shalt  }
0x5e: {  	_ =	shalt  }
0x5f: {  	_ =	shalt  }
0x60: {  	_ =	shalt  }
0x61: {  	_ =	shalt  }
0x62: {  	_ =	shalt  }
0x63: {  	_ =	shalt  }
0x64: {  	_ =	shalt  }
0x65: {  	_ =	shalt  }
0x66: {  	_ =	shalt  }
0x67: {  	_ =	shalt  }
0x68: {  	_ =	shalt  }
0x69: {  	_ =	shalt  }
0x6a: {  	_ =	shalt  }
0x6b: {  	_ =	shalt  }
0x6c: {  	_ =	shalt  }
0x6d: {  	_ =	shalt  }
0x6e: {  	_ =	shalt  }
0x6f: {  	_ =	shalt  }
0x70: {  	_ =	shalt  }
0x71: {  	_ =	shalt  }
0x72: {  	_ =	shalt  }
0x73: {  	_ =	shalt  }
0x74: {  	_ =	shalt  }
0x75: {  	_ =	shalt  }
0x76: {  	_ =	shalt  }
0x77: {  	_ =	shalt  }
0x78: {  	_ =	shalt  }
0x79: {  	_ =	shalt  }
0x7a: {  	_ =	shalt  }
0x7b: {  	_ =	shalt  }
0x7c: {  	_ =	shalt  }
0x7d: {  	_ =	shalt  }
0x7e: {  	_ =	shalt  }
0x7f: {  	_ =	shalt  }
0x80: {  	_ =	shalt  }
0x81: {  	_ =	shalt  }
0x82: {  	_ =	shalt  }
0x83: {  	_ =	shalt  }
0x84: {  	_ =	shalt  }
0x85: {  	_ =	shalt  }
0x86: {  	_ =	shalt  }
0x87: {  	_ =	shalt  }
.Lfunc_end0:
.L_simem_size_0:
called_computation.1_lowered:
.L_overlay_start_0:
0x88: {  	s2 =	sld [smem:$0x3FD9]  }
0x89: {  	s3 =	sld [smem:$0x3FFE];
	_ =	sdelay $0x1  }
0x8a: {  	s1 =	srdreg.scid  }
0x8b: {  	s0 =	sand.u32 $0x1, s1  }
0x8c: {  	s14 =	sshll.u32 s0, $0xA;
	s2 =	sadd.s32 s3, s2  }
0x8d: {  	s2 =	sadd.s32 s2, s14  }
0x8e: {  	[smem:$0x3FC1] =	sst s2  }
0x8f: {  	_ = 	snop  }
0x90: {  	s2 =	sld [smem:$0x3FD0];
	_ =	sdelay $0x2  }
0x91: {  	s15 =	simm.s32 $0xA;
	s4 =	simm.s32 $0x10  }
0x92: {  	[smem:s4], [sflag:s15] =	dma.local [hbm:s2], $0x1  }
0x93: {  	_ =	swait.eq [sflag:s15], $0x1  }
0x94: {  	[sflag:s15] =	ssyncset.done $0x0  }
0x95: {  	s16 =	sld [smem:$0x10];
	[sflag:s15] =	ssyncadd.s32 $0xFFFFFFFF  }
0x96: {  	s17 =	sld [smem:$0x11];
	(tm) =	ssettm $0x1  }
0x97: {  	s18 =	sld [smem:$0x3FFB];
	_ =	sdelay $0x3  }
0x98: {  	_ =	strace s18  }
0x99: {  	s4 =	sld [smem:$0x3FFC];
	_ =	sdelay $0x3  }
0x9a: {  	_ =	strace s4  }
0x9b: {  	s4 =	sld [smem:$0x3FFD];
	_ =	sdelay $0x3  }
0x9c: {  	_ =	strace s4  }
0x9d: {  	_ =	strace $0x8FFFFFFF  }
0x9e: {  	s19 =	sld [smem:$0x3FDB];
	_ =	sdelay $0x1  }
0x9f: {  	s5 =	simm.s32 $_scs_section_size  }
0xa0: {  	s6 =	simm.s32 $_size__tile_overlayer_lowered;
	s7 =	simm.s32 $_tile_overlayer_lowered  }
0xa1: {  	s22 =	simm.s32 $0x1BFF;
	s21 =	sshll.u32 s7, $0x1;
	s4 =	sadd.s32 s5, s19  }
0xa2: {  	s8 =	simm.s32 $0x0;
	s20 =	sshll.u32 s6, $0x1;
	s6 =	sadd.s32 s21, s4  }
0xa3: {  	[timem:s8], [sflag:s22] =	dma.local [hbm:s6], s20  }
0xa4: {  	_ =	swait.ge [sflag:s22], s20  }
0xa5: {  	s5 =	ssub.s32 $0x0, s20;
	[sflag:s22] =	ssyncset.done $0x0  }
0xa6: {  	[sflag:s22] =	ssyncadd.s32 s5;
	_ =	sdelay $0x1  }
0xa7: {  	s23 =	simm.s32 $0x1B8B  }
0xa8: {  	_ =	swait.ge [sflag:s23], $0x1  }
0xa9: {  	[sflag:s23] =	ssyncset.done $0x0  }
0xaa: {  	s25 =	simm.s32 $0x1B8E;
	s24 =	sld [smem:$0x3FFE];
	[sflag:s23] =	ssyncadd.s32 $0xFFFFFFFF  }
0xab: {  	s26 =	simm.s32 $execute0_lowered;
	[smem:$0x3FD2] =	sst s25  }
0xac: {  	s6 =	sshll.u32 s26, $0x1;
	_ =	strace $0x80000049;
	[dreg:$0x1] =	wrdreg $0xFFFFFFFF  }
0xad: {  	s28 =	simm.s32 $_size_execute0_lowered;
	s4 =	sadd.s32 s4, s6;
	[dreg:$0x0] =	wrdreg $0x0  }
0xae: {  	s6 =	sshll.u32 s28, $0x1;
	[dreg:$0x2] =	wrdreg s4  }
0xaf: {  	[dreg:$0x3] =	wrdreg s6  }
0xb0: {  	[dreg:$0x4] =	wrdreg $0xC0  }
0xb1: {  	_ =	task [dreg:s8], $0x5FFFF  }
0xb2: {  	[dreg:$0x1] =	wrdreg $0xFFFFFFFF  }
0xb3: {  	[dreg:$0x0] =	wrdreg $0x60  }
0xb4: {  	[dreg:$0x2] =	wrdreg s24  }
0xb5: {  	[dreg:$0x3] =	wrdreg s16  }
0xb6: {  	[dreg:$0x4] =	wrdreg s17  }
0xb7: {  	[dreg:$0x5] =	wrdreg $0x9  }
0xb8: {  	_ =	task.clear_ibuf [dreg:s8], $0x6FFFF;
	_ =	strace $0x90000049  }
0xb9: {  	s29 =	simm.s32 $0x9;
	_ =	strace $0x8000004B  }
0xba: {  	_ =	swait.ge [sflag:s29], $0x1  }
0xbb: {  	[sflag:s29] =	ssyncadd.s32 $0xFFFFFFFF  }
0xbc: {  	_ =	strace $0x9000004B  }
0xbd: {  	_ =	sfence  }
0xbe: {  	s30 =	sld [smem:$0x0];
	_ =	sdelay $0x2  }
0xbf: {  	s31 =	sshll.u32 s1, $0xD;
	s1 =	sshrl.u32 s1, $0x2  }
0xc0: {  	s3 =	sand.u32 $0x4000, s31;
	s1 =	sadd.s32 s1, s30  }
0xc1: {  	s0 =	sor.u32 s3, s0;
	s1 =	sshll.u32 s1, $0x11  }
0xc2: {  	s0 =	sor.u32 s1, s0  }
0xc3: {  	s0 =	sadd.s32 $0x8F2B, s0  }
0xc4: {  	[sflag:s0] =	ssyncadd.remote.s32 $0x1  }
0xc5: {  	_ =	sfence.sel $0xFFFF  }
0xc6: {  	[dreg:$0x0] =	wrdreg $0xFFFFFFFF;
	(pc) =	sbr.abs _section_cstart, $3  }
0xc7: {  	[dreg:$0x1] =	wrdreg $0xFFFFFFFF  }
0xc8: {  	_ =	task.clear_ibuf [dreg:s8], $0x2FFFF;
	_ =	strace $0x9FFFFFFF  }
0xc9: {  	(tm) =	ssettm $0x7FFFFFFF  }
tec
execute0_lowered:
.L_overlay_start_1:
0x0: {  	(tag) =	ssettag $0x1  }
0x1: {  	s3 =	rddreg [dreg:$0x0]  }
0x2: {  	s7 =	rddreg [dreg:$0x1]  }
0x3: {  	s8 =	rddreg [dreg:$0x2]  }
0x4: {  	s0 =	rddreg [dreg:$0x3]  }
0x5: {  	s4 =	srdreg.scid;
	s1 =	stileid.u32;
	s2 =	simm.s32 $0x0  }
0x6: {  	s11 =	simm.s32 $0x80;
	s12 =	simm.s32 $0x100;
	s14 =	simm.s32 $0x800  }
0x7: {  	s15 =	simm.s32 $0xC00;
	s16 =	simm.s32 $0xC80;
	s17 =	simm.s32 $0x2C80  }
0x8: {  	s18 =	simm.s32 $0x0;
	s4 =	sand.u32 $0x1, s4;
	s5 =	sshll.u32 s1, $0x1  }
0x9: {  	[smem:$0x7FF] =	sst s2;
	s13 =	sshrl.u32 s1, $0x2;
	s9 =	sor.u32 s4, s5  }
0xa: {  	_ =	strace $0x8000004A;
	s4 =	ssub.s32 $0x2, s4;
	v0 =	vmov s13;
	s13 =	simm.s32 $0x400  }
0xb: {  	s5 =	sshll.u32 s9, $0x7;
	s6 =	sshll.u32 s9, $0x8;
	s10 =	sshrl.u32 s4, $0x1  }
0xc: {  	s9 =	sshll.u32 s9, $0xA;
	s5 =	sadd.s32 s5, s3;
	s6 =	sadd.s32 s6, s3  }
0xd: {  	s3 =	sadd.s32 $0x302E00, s3;
	s10 =	ssub.s32 s4, s10;
	s7 =	sadd.s32 s7, s9  }
0xe: {  	v1 =	vlaneseq.u32;
	s8 =	sadd.s32 s8, s9;
	s4 =	sadd.s32 $0x1E00, s5;
	s5 =	sadd.s32 $0x2E00, s6  }
0xf: {  	vm0 =	veq.s32 v0, v1;
	v0 =	vimm.s32 $0x0;
	s6 =	sadd.s32 $0x2E10, s6;
	s9 =	smax.u32 s10, $0x1;
	s10 =	simm.s32 $0x1  }
.LBB2_1:
0x10: {  	[tilespmem:s2], [sflag:$0x1] =	stream.linear.gather [hbm4b:s4+s2], $0x400, $0x38;
	[tilespmem:$0x4C80] =	vst v63  }
0x11: {  	_ =	swait.ge [sflag:s10], $0x400  }
0x12: {  	[sflag:s10] =	ssyncset.done $0x0  }
0x13: {  	[sflag:s10] =	ssyncadd.s32 $0xFFFFFC00  }
0x14: {  	[tilespmem:s13], [sflag:$0x1] =	stream.strided.gather [hbm4b:s5+s11], $0x400, s12, s11, $0x38;
	[tilespmem:$0x4C80] =	vst v63  }
0x15: {  	_ =	swait.ge [sflag:s10], $0x400  }
0x16: {  	[sflag:s10] =	ssyncset.done $0x0  }
0x17: {  	[sflag:s10] =	ssyncadd.s32 $0xFFFFFC00  }
0x18: {  	[tilespmem:s14], [sflag:$0x1] =	stream.strided.gather [hbm4b:s6+s11], $0x400, s12, s11, $0x38;
	[tilespmem:$0x4C80] =	vst v63  }
0x19: {  	_ =	swait.ge [sflag:s10], $0x400  }
0x1a: {  	[sflag:s10] =	ssyncset.done $0x0  }
0x1b: {  	[sflag:s10] =	ssyncadd.s32 $0xFFFFFC00  }
0x1c: {  	[tilespmem:s15], [sflag:$0x1] =	stream.linear.gather [hbm4b:s3+s2], $0x80, $0x38;
	[tilespmem:$0x4C80] =	vst v63  }
0x1d: {  	_ =	swait.ge [sflag:s10], $0x80  }
0x1e: {  	[sflag:s10] =	ssyncset.done $0x0  }
0x1f: {  	[sflag:s10] =	ssyncadd.s32 $0xFFFFFF80  }
0x20: {  	v2 =	vld [tilespmem:s2+$0x0];
	_ =	sdelay $0x1  }
0x21: {  	v1 =	vld [tilespmem:$0xC00];
	_ =	sdelay $0x2  }
0x22: {  	vm1 =	veq.s32 v2, $0x5  }
0x23: {  	v3 =	vsel vm1, $0x1, v0  }
0x24: {  	v1 =	vcvt.s32.f32 v1;
	(xrf0) =	vadd.scan.msk.s32 $0xffff, v3;
	_ =	sdelay $0x1  }
0x25: {  	v1 =	vmul.f32 $9.999999740e-05, v1;
	_ =	sdelay $0x1  }
0x26: {  	v1 =	vadd.f32 $5.000000000e-01, v1  }
0x27: {  	v3 =	vsel vm1, $0xFFFFFFFF, v0  }
0x28: {  	v3 =	vadd.s32 s2, v3;
	v1 =	vnsel vm0, $0x0, v1;
	v4, _, _ =	vpop (xrf0)  }
0x29: {  	(xrf2) =	vadd.scan.msk.f32 $0xffff, v1;
	v1 =	vadd.s32 v4, v3  }
0x2a: {  	vm2 =	vlt.s32 v1, $0x3FF  }
0x2b: {  	v3 =	vnsel vm2, $0x3FF, v1;
	_ =	sdelay $0x4  }
0x2c: {  	v5 =	vld.idx.msk [tilespmem:v3+s13+$0x0], vm1;
	_ =	sdelay $0x2  }
0x2d: {  	v1, _, _ =	vpop (xrf2)  }
0x2e: {  	v1 =	vbroadcast v1, $0xF  }
0x2f: {  	v5 =	vnsel vm1, $0x3F3CCCCD, v5  }
0x30: {  	v6 =	vsub.f32 v5, v1;
	_ =	sdelay $0x1  }
0x31: {  	v6 =	vmax.f32 v6, $0.0e+00  }
0x32: {  	v6 =	vmul.f32 $1.428571490e-01, v6;
	_ =	sdelay $0x1  }
0x33: {  	v3 =	vld.idx.msk [tilespmem:v3+s14+$0x0], vm1;
	v7 =	vmul.f32 $7.000000000e+00, v6  }
0x34: {  	v9 =	vmin.f32 v5, v1  }
0x35: {  	(v2sf) =	vpush v4, $0xF;
	v4 =	vadd.f32 v7, v9;
	_ =	sdelay $0x1  }
0x36: {  	v4 =	vadd.f32 $9.999999930e-09, v4  }
0x37: {  	v3 =	vtrunc.f32 v3  }
0x38: {  	v3 =	vcvt.f32.s32 v3;
	(erf) = vrcp.f32 v4;
	_ =	sdelay $0x1  }
0x39: {  	v2 =	vsel vm1, v3, v2  }
0x3a: {  	s19 =	sand.u32 $0x70, s2;
	s20 =	sand.u32 $0x1C00, s2;
	vm1 =	veq.s32 v2, $0x0  }
0x3b: {  	s24 =	sor.u32 s19, s20;
	vm2 =	veq.s32 v2, $0x1;
	v5 =	vsel vm1, v9, v6  }
0x3c: {  	vm1 =	veq.s32 v2, $0x4;
	v11 =	vsel vm2, v9, v6;
	[tilespmem:s24+$0xC80] =	vst v5  }
0x3d: {  	v10 =	vsel vm1, v9, v6;
	vm1 =	veq.s32 v2, $0x3;
	[tilespmem:s24+$0xD00] =	vst v11  }
0x3e: {  	vm2 =	veq.s32 v2, $0x6;
	[tilespmem:s24+$0xE80] =	vst v10;
	v12 =	vsel vm1, v9, v6  }
0x3f: {  	vm1 =	veq.s32 v2, $0x5;
	v7 =	vsel vm2, v9, v6;
	[tilespmem:s24+$0xE00] =	vst v12  }
0x40: {  	v3 =	vsel vm1, v9, v6;
	vm1 =	veq.s32 v2, $0x2;
	[tilespmem:s24+$0xF80] =	vst v7;
	v4 =	vpop (erf)  }
0x41: {  	[tilespmem:s24+$0xF00] =	vst v3;
	v8 =	vsel vm1, v9, v6;
	v13 =	vmul.f32 v4, v5;
	v7 =	vmul.f32 v4, v7  }
0x42: {  	s22 =	simm.s32 $0x0;
	s23 =	simm.s32 $0x0;
	s21 =	spop (v2sf);
	vm1 =	veq.s32 v2, $0x7;
	[tilespmem:s24+$0xD80] =	vst v8;
	v8 =	vmul.f32 v4, v8;
	v5 =	vmul.f32 v4, v10  }
0x43: {  	s19 =	sor.u32 s2, s2;
	s20 =	simm.s32 $0x10;
	s21 =	sadd.s32 $0x0, s21;
	v2 =	vsel vm1, v9, v6;
	v9 =	vmul.f32 v4, v11;
	v6 =	vmul.f32 v4, v12;
	[tilespmem:s24+$0x2C80] =	vst v13  }
.LBB2_2:
0x44: {  	p0 =	sne.s32 s20, $0x3F0;
	v3 =	vmul.f32 v4, v3;
	[tilespmem:s24+$0x2F80] =	vst v7;
	s22 =	sadd.s32 $0x80, s22;
	s23 =	sadd.s32 $0x10, s23  }
0x45: {  	s25 =	smov.u32 s20;
	s26 =	sor.u32 s22, s20;
	[tilespmem:s24+$0x2D80] =	vst v8;
	s20 =	sadd.s32 $0x10, s20  }
0x46: {  	[tilespmem:s24+$0x2D00] =	vst v9  }
0x47: {  	[tilespmem:s24+$0x2F00] =	vst v3  }
0x48: {  	v3 =	vmul.f32 v4, v2;
	[tilespmem:s24+$0x2E80] =	vst v5  }
0x49: {  	[tilespmem:s24+$0x2E00] =	vst v6;
	s24 =	sor.u32 $0x380, s19;
	s19 =	smov.u32 s26  }
0x4a: {  	[tilespmem:s24+$0xC80] =	vst v2  }
0x4b: {  	[tilespmem:s24+$0x2C80] =	vst v3  }
0x4c: {  	v2 =	vld [tilespmem:s23+$0x0];
	_ =	sdelay $0x4  }
0x4d: {  	vm1 =	veq.s32 v2, $0x5  }
0x4e: {  	v3 =	vsel vm1, $0xFFFFFFFF, v0;
	v4 =	vsel vm1, $0x1, v0  }
0x4f: {  	(xrf0) =	vadd.scan.msk.s32 $0xffff, v4;
	_ =	sdelay $0x5  }
0x50: {  	v3 =	vadd.s32 s21, v3;
	v4, _, _ =	vpop (xrf0)  }
0x51: {  	v3 =	vadd.s32 v4, v3;
	(v2sf) =	vpush v4, $0xF  }
0x52: {  	vm2 =	vlt.s32 v3, $0x3FF  }
0x53: {  	v3 =	vnsel vm2, $0x3FF, v3;
	_ =	sdelay $0x4  }
0x54: {  	v4 =	vld.idx.msk [tilespmem:v3+s13+$0x0], vm1;
	_ =	sdelay $0x2  }
0x55: {  	v3 =	vld.idx.msk [tilespmem:v3+s14+$0x0], vm1;
	_ =	sdelay $0x2  }
0x56: {  	v4 =	vnsel vm1, $0x3F3CCCCD, v4  }
0x57: {  	v5 =	vsub.f32 v4, v1  }
0x58: {  	s24 =	spop (v2sf)  }
0x59: {  	v3 =	vtrunc.f32 v3;
	v5 =	vmax.f32 v5, $0.0e+00;
	s21 =	sadd.s32 s21, s24  }
0x5a: {  	v3 =	vcvt.f32.s32 v3;
	v5 =	vmul.f32 $1.428571490e-01, v5;
	_ =	sdelay $0x1  }
0x5b: {  	v2 =	vsel vm1, v3, v2;
	v3 =	vmul.f32 $7.000000000e+00, v5  }
0x5c: {  	v4 =	vmin.f32 v4, v1;
	s24 =	sand.u32 $0x70, s25;
	s25 =	sand.u32 $0x1C00, s22;
	vm1 =	veq.s32 v2, $0x0;
	vm2 =	veq.s32 v2, $0x3  }
0x5d: {  	s24 =	sor.u32 s24, s25;
	v3 =	vadd.f32 v3, v4;
	v6 =	vsel vm1, v4, v5;
	vm1 =	veq.s32 v2, $0x4  }
0x5e: {  	vm3 =	veq.s32 v2, $0x1;
	vm4 =	veq.s32 v2, $0x2;
	v9 =	vsel vm1, v4, v5;
	[tilespmem:s24+$0xC80] =	vst v6  }
0x5f: {  	v10 =	vsel vm3, v4, v5;
	v8 =	vsel vm4, v4, v5;
	v7 =	vadd.f32 $9.999999930e-09, v3;
	[tilespmem:s24+$0xE80] =	vst v9  }
0x60: {  	v11 =	vsel vm2, v4, v5;
	vm2 =	veq.s32 v2, $0x6;
	vm1 =	veq.s32 v2, $0x5;
	[tilespmem:s24+$0xD00] =	vst v10  }
0x61: {  	v12 =	vsel vm2, v4, v5;
	v3 =	vsel vm1, v4, v5;
	[tilespmem:s24+$0xE00] =	vst v11;
	(erf) = vrcp.f32 v7  }
0x62: {  	vm1 =	veq.s32 v2, $0x7;
	[tilespmem:s24+$0xF00] =	vst v3  }
0x63: {  	v2 =	vsel vm1, v4, v5;
	[tilespmem:s24+$0xD80] =	vst v8  }
0x64: {  	[tilespmem:s24+$0xF80] =	vst v12;
	_ =	sdelay $0x4  }
.Ltmp0:
0x65: {  	(pc) =	sbr.rel @p0 .LBB2_2-.Ltmp0, $4  }
0x66: {  	v4 =	vpop (erf)  }
0x67: {  	v6 =	vmul.f32 v4, v6;
	v7 =	vmul.f32 v4, v12  }
0x68: {  	v8 =	vmul.f32 v4, v8;
	v5 =	vmul.f32 v4, v9  }
0x69: {  	v9 =	vmul.f32 v4, v10;
	[tilespmem:s24+$0x2C80] =	vst v6;
	v6 =	vmul.f32 v4, v11  }
0x6a: {  	[tilespmem:s24+$0x2F80] =	vst v7  }
0x6b: {  	[tilespmem:s24+$0x2D80] =	vst v8  }
0x6c: {  	[tilespmem:s24+$0x2E80] =	vst v5  }
0x6d: {  	v1 =	vmul.f32 v4, v3;
	[tilespmem:s24+$0x2D00] =	vst v9  }
0x6e: {  	[tilespmem:s24+$0x2E00] =	vst v6  }
0x6f: {  	s19 =	sor.u32 $0x380, s19;
	[tilespmem:s24+$0x2F00] =	vst v1;
	v1 =	vmul.f32 v4, v2  }
0x70: {  	[tilespmem:s19+$0xC80] =	vst v2  }
0x71: {  	[tilespmem:s19+$0x2C80] =	vst v1  }
0x72: {  	[hbm4b:s7+s2] =	stream.linear.scatter [tilespmem:s16], [sflag:$0x1], $0x2000, $0x38;
	[tilespmem:$0x4C80] =	vst v63  }
0x73: {  	s18 =	sadd.s32 $0x1, s18;
	_ =	swait.ge [sflag:s10], $0x2000  }
0x74: {  	p0 =	sne.s32 s18, s9;
	[sflag:s10] =	ssyncset.done $0x0  }
.Ltmp1:
0x75: {  	[sflag:s10] =	ssyncadd.s32 $0xFFFFE000;
	(pc) =	sbr.rel @p0 .LBB2_1-.Ltmp1, $4  }
0x76: {  	[hbm4b:s8+s2] =	stream.linear.scatter [tilespmem:s17], [sflag:$0x1], $0x2000, $0x38;
	[tilespmem:$0x4C80] =	vst v63  }
0x77: {  	_ =	swait.ge [sflag:s10], $0x2000  }
0x78: {  	[sflag:s10] =	ssyncset.done $0x0  }
0x79: {  	[sflag:s10] =	ssyncadd.s32 $0xFFFFE000  }
0x7a: {  	_ =	sfence.sel $0x180000  }
0x7b: {  	[bflag:$0x0] =	sbarrier.arrive $0xFFFF  }
0x7c: {  	p0 =	sne.s32 s1, $0x0;
	_ =	strace $0x9000004A  }
0x7d: {  	s0 =	sadd.s32 @!p0 $0x100000, s0;
	[bflag:$0x2] =	sbarrier.arrive $0xFFFF  }
0x7e: {  	[sflag:s0] =	ssyncadd.tile.s32 @!p0 $0x1;
	_ =	shalt  }
.Lfunc_end2:
_tile_overlayer_lowered:
.L_overlay_start_2:
0x7f: {  	(tag) =	ssettag $0x2  }
0x80: {  	s0 =	rddreg [dreg:$0x0];
	s2 =	stileid.u32  }
0x81: {  	s1 =	rddreg [dreg:$0x1];
	p0 =	sne.s32 s2, $0x0  }
0x82: {  	s3 =	rddreg [dreg:$0x2];
	[bflag:$0x3] =	sbarrier.arrive $0xFFFF;
	s2 =	simm.s32 @!p0 $0x1C01  }
0x83: {  	[timem:s3], [sflag:s2] =	dma.local @!p0 [hbm:s0], s1  }
0x84: {  	s0 =	simm.s32 @!p0 $0x1  }
0x85: {  	_ =	swait.ge @!p0 [sflag:s0], s1  }
0x86: {  	s1 =	ssub.s32 @!p0 $0x0, s1;
	[sflag:s0] =	ssyncset.done @!p0 $0x0  }
0x87: {  	[sflag:s0] =	ssyncadd.s32 @!p0 s1  }
0x88: {  	[bflag:$0x3] =	sbarrier.arrive $0xFFFF  }
0x89: {  	_ =	shalt  }

</sc_bundles>
